<compile_context>
chip_gen: v7x
topology: tpu7x:2x2x1
jax: 0.10.2.dev20260603
libtpu: 0.0.44.dev20260713+nightly
codegen_flags: <defaults>
</compile_context>

<pallas_src>
import functools

import jax
import jax.numpy as jnp
from jax import lax
from jax.experimental import pallas as pl
from jax.experimental.pallas import tpu as pltpu
from jax.experimental.pallas import tpu_sc as plsc

NC = 2
NS = 16
NW = NC * NS


def _make_agg(n_pad, d, nchunks, k, with_counts):
  n = n_pad
  stripe = n // NS
  del with_counts
  mesh = plsc.VectorSubcoreMesh(core_axis_name="c", subcore_axis_name="s")
  out_type = [jax.ShapeDtypeStruct((NC, n, d), jnp.float32)]
  BK = 16
  assert nchunks % BK == 0 and BK % 2 == 0
  nbatch = nchunks // BK
  scratch = [
      pltpu.VMEM((BK, k), jnp.int32),
      pltpu.VMEM((BK, k), jnp.int32),
      pltpu.VMEM((k, d), jnp.float32),
      pltpu.VMEM((k, d), jnp.float32),
      pltpu.VMEM_SHARED((n, d), jnp.float32),
      pltpu.SemaphoreType.DMA,
      pltpu.SemaphoreType.DMA,
  ]

  def body(x_hbm, src_hbm, dst_hbm, sums_hbm,
           idx_s, idx_d, rows0, rows1, accum, sem0, sem1):
    rowsb = (rows0, rows1)
    semsb = (sem0, sem1)
    c = lax.axis_index("c")
    s = lax.axis_index("s")
    base = s * stripe

    zv = jnp.zeros((16,), jnp.float32)

    def zrow_step(i, carry):
      for cc in range(d // 16):
        rows0[i, pl.ds(cc * 16, 16)] = zv
      return carry

    lax.fori_loop(0, 8, zrow_step, 0)
    assert stripe % 8 == 0

    def zcopy_step(t, carry):
      pltpu.sync_copy(rows0.at[pl.ds(0, 8)],
                      accum.at[pl.ds(base + t * 8, 8)])
      return carry

    lax.fori_loop(0, stripe // 8, zcopy_step, 0)
    plsc.subcore_barrier()

    def batch_step(bt, carry):
      pltpu.sync_copy(src_hbm.at[c, s, pl.ds(bt * BK, BK)], idx_s)
      pltpu.sync_copy(dst_hbm.at[c, s, pl.ds(bt * BK, BK)], idx_d)
      pltpu.async_copy(x_hbm.at[idx_s.at[0]], rows0, sem0)

      def pair_step(j2, carry2):
        for b in range(2):
          j = j2 * 2 + b
          pltpu.async_copy(x_hbm.at[idx_s.at[j + 1]], rowsb[1 - b],
                           semsb[1 - b])
          pltpu.make_async_copy(x_hbm.at[idx_s.at[j]], rowsb[b],
                                semsb[b]).wait()
          pltpu.sync_copy(rowsb[b], accum.at[idx_d.at[j]], add=True)
        return carry2

      lax.fori_loop(0, BK // 2 - 1, pair_step, 0)
      jt = BK - 2
      pltpu.async_copy(x_hbm.at[idx_s.at[jt + 1]], rows1, sem1)
      pltpu.make_async_copy(x_hbm.at[idx_s.at[jt]], rows0, sem0).wait()
      pltpu.sync_copy(rows0, accum.at[idx_d.at[jt]], add=True)
      pltpu.make_async_copy(x_hbm.at[idx_s.at[jt + 1]], rows1, sem1).wait()
      pltpu.sync_copy(rows1, accum.at[idx_d.at[jt + 1]], add=True)
      return carry

    lax.fori_loop(0, nbatch, batch_step, 0)
    plsc.subcore_barrier()
    pltpu.sync_copy(accum.at[pl.ds(base, stripe)],
                    sums_hbm.at[c, pl.ds(base, stripe)])

  return pl.kernel(
      body, out_type=out_type, mesh=mesh, scratch_types=scratch,
      compiler_params=pltpu.CompilerParams(use_tc_tiling_on_sc=False))


def _make_counts(n_pad, ngroups):
  mesh = plsc.VectorSubcoreMesh(core_axis_name="c", subcore_axis_name="s")
  nr = n_pad // 128
  out_type = [jax.ShapeDtypeStruct((NC, NS, nr, 128), jnp.float32)]
  scratch = [
      pltpu.VMEM((ngroups, 16), jnp.int32),
      pltpu.VMEM((nr, 128), jnp.float32),
  ]

  def body(dst_hbm, zn_hbm, cnt_hbm, idx_d, hist):
    c = lax.axis_index("c")
    s = lax.axis_index("s")
    pltpu.sync_copy(zn_hbm, hist)
    pltpu.sync_copy(dst_hbm.at[c, s], idx_d)
    ones = jnp.full((16,), 1.0, jnp.float32)

    def step(j, carry):
      idx = idx_d[j]
      row = lax.shift_right_logical(idx, 7)
      col = lax.bitwise_and(idx, 127)
      plsc.addupdate_scatter(hist, [row, col], ones)
      return carry

    lax.fori_loop(0, ngroups, step, 0)
    pltpu.sync_copy(hist, cnt_hbm.at[c, s])

  return pl.kernel(
      body, out_type=out_type, mesh=mesh, scratch_types=scratch,
      compiler_params=pltpu.CompilerParams(needs_layout_passes=False))


def _dotT(a, w):
  return lax.dot_general(a, w, (((1,), (1,)), ((), ())),
                         preferred_element_type=jnp.float32)


def _tc1_body(x_ref, s_ref, c_ref, wl_ref, wr_ref, o_ref):
  cnt = jnp.sum(c_ref[...], axis=(0, 1))[:, None]
  agg = (s_ref[0] + s_ref[1]) / jnp.maximum(cnt, 1.0)
  out = _dotT(x_ref[...], wl_ref[...]) + _dotT(agg, wr_ref[...])
  nrm = jnp.sqrt(jnp.sum(out * out, axis=1, keepdims=True))
  out = out / jnp.maximum(nrm, 1e-12)
  o_ref[...] = jnp.maximum(out, 0.0)


def _tc2_body(x_ref, s_ref, c_ref, wl_ref, wr_ref,
              wp1_ref, bp1_ref, wp2_ref, bp2_ref, o_ref):
  cnt = jnp.sum(c_ref[...], axis=(0, 1))[:, None]
  agg = (s_ref[0] + s_ref[1]) / jnp.maximum(cnt, 1.0)
  out = _dotT(x_ref[...], wl_ref[...]) + _dotT(agg, wr_ref[...])
  nrm = jnp.sqrt(jnp.sum(out * out, axis=1, keepdims=True))
  out = out / jnp.maximum(nrm, 1e-12)
  out = jnp.maximum(out, 0.0)
  out = _dotT(out, wp1_ref[...]) + bp1_ref[...]
  out = _dotT(out, wp2_ref[...]) + bp2_ref[...]
  o_ref[...] = out


def kernel(x, edge_index, batch, W_l1, W_r1, W_l2, W_r2, W_p1, b_p1, W_p2,
           b_p2):
  n, d = x.shape
  e = edge_index.shape[1]
  k = 128
  nchunks = -(-e // (NW * k))
  nchunks += (-nchunks) % 16
  ew = nchunks * k

  e_pad = ew * NW
  n_pad = -(-n // (NS * 8)) * (NS * 8)
  if e_pad > e and n_pad == n:
    n_pad += NS * 8
  stripe = n_pad // NS

  ew_real = e // NW
  pad_w = ew - ew_real
  src_w = edge_index[0].reshape(NW, ew_real)
  dst_w = edge_index[1].reshape(NW, ew_real)
  if pad_w:
    ar = jnp.arange(pad_w, dtype=jnp.int32)
    wi = jnp.arange(NW, dtype=jnp.int32)[:, None]
    dummy_src = jnp.broadcast_to(n + (ar % (n_pad - n)), (NW, pad_w))
    dummy_dst = (ar[None, :] * 997 + wi * 131) % n
    src_w = jnp.concatenate([src_w, dummy_src], axis=1)
    dst_w = jnp.concatenate([dst_w, dummy_dst], axis=1)
  src_r = src_w.reshape(NC, NS, nchunks, k)
  dst_r = dst_w.reshape(NC, NS, nchunks, k)
  dst_g = edge_index[1].reshape(NC, NS, (e // NW) // 16, 16)
  zn = jnp.zeros((n_pad // 128, 128), jnp.float32)

  (cnt,) = _make_counts(n_pad, (e // NW) // 16)(dst_g, zn)
  cnt = cnt.reshape(NC, NS, n_pad)
  agg_a = _make_agg(n_pad, d, nchunks, k, False)
  x_p = jnp.pad(x, ((0, n_pad - n), (0, 0)))
  (sums1,) = agg_a(x_p, src_r, dst_r)
  bn = 128
  grid = (n_pad // bn,)
  row_spec = pl.BlockSpec((bn, d), lambda i: (i, 0))
  sum_spec = pl.BlockSpec((NC, bn, d), lambda i: (0, i, 0))
  cnt_spec = pl.BlockSpec((NC, NS, bn), lambda i: (0, 0, i))
  w_spec = pl.BlockSpec((d, d), lambda i: (0, 0))
  b_spec = pl.BlockSpec((1, d), lambda i: (0, 0))

  h1 = pl.pallas_call(
      _tc1_body,
      grid=grid,
      in_specs=[row_spec, sum_spec, cnt_spec, w_spec, w_spec],
      out_specs=row_spec,
      out_shape=jax.ShapeDtypeStruct((n_pad, d), jnp.float32),
  )(x_p, sums1, cnt, W_l1, W_r1)

  agg_b = _make_agg(n_pad, d, nchunks, k, False)
  (sums2,) = agg_b(h1, src_r, dst_r)

  out = pl.pallas_call(
      _tc2_body,
      grid=grid,
      in_specs=[row_spec, sum_spec, cnt_spec, w_spec, w_spec,
                w_spec, b_spec, w_spec, b_spec],
      out_specs=row_spec,
      out_shape=jax.ShapeDtypeStruct((n, d), jnp.float32),
  )(h1, sums2, cnt, W_l2, W_r2, W_p1, b_p1.reshape(1, d), W_p2,
    b_p2.reshape(1, d))
  return out

# --- scband reference (transcript-rebuilt; emitter-appended) ---
"""Pipeline reference for scband-gnnstack-23751169147466 (READ-ONLY COPY).

The authoritative reference and input builder live on the scoring server;
editing this copy changes nothing except your own understanding.
"""

import jax, jax.numpy as jnp
import numpy as np

N = 10000
E = 320000
D = 128


def setup_inputs(seed: int = 0) -> dict:
    key = jax.random.key(seed)
    ks = jax.random.split(key, 12)
    x = jax.random.normal(ks[0], (N, D), dtype=jnp.float32)
    edge_index = jax.random.randint(ks[1], (2, E), 0, N, dtype=jnp.int32)
    batch = jnp.zeros((N,), dtype=jnp.int32)
    s = 0.05
    W_l1 = jax.random.normal(ks[2], (D, D), dtype=jnp.float32) * s
    W_r1 = jax.random.normal(ks[3], (D, D), dtype=jnp.float32) * s
    W_l2 = jax.random.normal(ks[4], (D, D), dtype=jnp.float32) * s
    W_r2 = jax.random.normal(ks[5], (D, D), dtype=jnp.float32) * s
    W_p1 = jax.random.normal(ks[6], (D, D), dtype=jnp.float32) * s
    b_p1 = jax.random.normal(ks[7], (D,), dtype=jnp.float32) * s
    W_p2 = jax.random.normal(ks[8], (D, D), dtype=jnp.float32) * s
    b_p2 = jax.random.normal(ks[9], (D,), dtype=jnp.float32) * s
    return {"x": x, "edge_index": edge_index, "batch": batch,
            "W_l1": W_l1, "W_r1": W_r1, "W_l2": W_l2, "W_r2": W_r2,
            "W_p1": W_p1, "b_p1": b_p1, "W_p2": W_p2, "b_p2": b_p2}


def _graphsage_conv(x, src, dst, Wl, Wr, num_nodes):
    # message: x_j = x[src]; aggregate: scatter-mean over dst
    msgs = jnp.take(x, src, axis=0)
    sums = jax.ops.segment_sum(msgs, dst, num_segments=num_nodes)
    cnt = jax.ops.segment_sum(jnp.ones((src.shape[0],), dtype=x.dtype), dst, num_segments=num_nodes)
    agg = sums / jnp.clip(cnt, 1.0)[:, None]
    out = x @ Wl.T + agg @ Wr.T
    # F.normalize (L2 over dim=1, eps=1e-12)
    norm = jnp.sqrt(jnp.sum(out * out, axis=1, keepdims=True))
    out = out / jnp.maximum(norm, 1e-12)
    return out


def reference(x, edge_index, batch, W_l1, W_r1, W_l2, W_r2, W_p1, b_p1, W_p2, b_p2):
    num_nodes = x.shape[0]
    src = edge_index[0]
    dst = edge_index[1]
    h = _graphsage_conv(x, src, dst, W_l1, W_r1, num_nodes)
    h = jax.nn.relu(h)
    # dropout p=0.0 -> identity
    h = _graphsage_conv(h, src, dst, W_l2, W_r2, num_nodes)
    h = jax.nn.relu(h)
    # post_mp: Linear -> Dropout(0.0) -> Linear
    h = h @ W_p1.T + b_p1
    h = h @ W_p2.T + b_p2
    # emb=True -> return embeddings without softmax
    return h

if __name__ == "__main__":
    import jax
    _d = setup_inputs()
    print(jax.jit(kernel)(*tuple(_d.values())))

</pallas_src>

<mosaic_0001>
#map = affine_map<(d0, d1) -> (0, 0)>
#map1 = affine_map<(d0, d1) -> (0, 0, 0, 0)>
#map2 = affine_map<(d0, d1) -> (0, 0, 0)>
module attributes {stable_mosaic.version = 14 : i64} {
  func.func @body(%arg0: i32, %arg1: i32, %arg2: memref<10112x128xf32, #tpu.memory_space<hbm>>, %arg3: memref<2x16x80x128xi32, #tpu.memory_space<hbm>>, %arg4: memref<2x16x80x128xi32, #tpu.memory_space<hbm>>, %arg5: memref<2x10112x128xf32, #tpu.memory_space<hbm>>, %arg6: memref<16x128xi32, #tpu.memory_space<vmem>>, %arg7: memref<16x128xi32, #tpu.memory_space<vmem>>, %arg8: memref<128x128xf32, #tpu.memory_space<vmem>>, %arg9: memref<128x128xf32, #tpu.memory_space<vmem>>, %arg10: memref<10112x128xf32, #tpu.memory_space<vmem_shared>>, %arg11: memref<!tpu.dma_semaphore, #tpu.memory_space<semaphore_mem>>, %arg12: memref<!tpu.dma_semaphore, #tpu.memory_space<semaphore_mem>>) attributes {dimension_semantics = [#tpu.dimension_semantics<core_parallel>, #tpu.dimension_semantics<subcore_parallel>], iteration_bounds = array<i64: 2, 16>, scalar_prefetch = 0 : i64, scratch_operands = 7 : i64, tpu.core_type = #tpu.core_type<sc_vector_subcore>, window_params = [{transform_indices = #map}, {transform_indices = #map1}, {transform_indices = #map1}, {transform_indices = #map2}]} {
    %mul3A = arith.constant 632 : i32
    %mul3A_0 = arith.muli %arg1, %mul3A : i32
    %broadcast_in_dim3A = arith.constant 0.000000e+00 : f32
    %broadcast_in_dim3A_1 = vector.broadcast %broadcast_in_dim3A : f32 to vector<16xf32>
    %scan3A = arith.constant 0 : i32
    %scan3A_2 = arith.constant 0 : i32
    %scan3A_3 = arith.constant 8 : i32
    %scan3A_4 = arith.addi %scan3A_2, %scan3A_3 : i32
    %scan3A_5 = arith.constant 1 : i32
    scf.for %scan3A_20 = %scan3A_2 to %scan3A_4 step %scan3A_5  : i32 {
      %swap3A = arith.index_cast %scan3A_20 : i32 to index
      %swap3A_21 = arith.constant 0 : index
      %swap3A_22 = tpu.vector_load %arg8[%swap3A, %swap3A_21] {strides = array<i32>} : memref<128x128xf32, #tpu.memory_space<vmem>>, vector<1x16xf32>,
      %swap3A_23 = vector.shape_cast %swap3A_22 : vector<1x16xf32> to vector<16xf32>
      %swap3A_24 = vector.shape_cast %broadcast_in_dim3A_1 : vector<16xf32> to vector<1x16xf32>
      tpu.vector_store %arg8[%swap3A, %swap3A_21], %swap3A_24 {strides = array<i32>} : memref<128x128xf32, #tpu.memory_space<vmem>>, vector<1x16xf32>,
      %swap3A_25 = arith.index_cast %scan3A_20 : i32 to index
      %swap3A_26 = arith.constant 16 : index
      %swap3A_27 = tpu.vector_load %arg8[%swap3A_25, %swap3A_26] {strides = array<i32>} : memref<128x128xf32, #tpu.memory_space<vmem>>, vector<1x16xf32>,
      %swap3A_28 = vector.shape_cast %swap3A_27 : vector<1x16xf32> to vector<16xf32>
      %swap3A_29 = vector.shape_cast %broadcast_in_dim3A_1 : vector<16xf32> to vector<1x16xf32>
      tpu.vector_store %arg8[%swap3A_25, %swap3A_26], %swap3A_29 {strides = array<i32>} : memref<128x128xf32, #tpu.memory_space<vmem>>, vector<1x16xf32>,
      %swap3A_30 = arith.index_cast %scan3A_20 : i32 to index
      %swap3A_31 = arith.constant 32 : index
      %swap3A_32 = tpu.vector_load %arg8[%swap3A_30, %swap3A_31] {strides = array<i32>} : memref<128x128xf32, #tpu.memory_space<vmem>>, vector<1x16xf32>,
      %swap3A_33 = vector.shape_cast %swap3A_32 : vector<1x16xf32> to vector<16xf32>
      %swap3A_34 = vector.shape_cast %broadcast_in_dim3A_1 : vector<16xf32> to vector<1x16xf32>
      tpu.vector_store %arg8[%swap3A_30, %swap3A_31], %swap3A_34 {strides = array<i32>} : memref<128x128xf32, #tpu.memory_space<vmem>>, vector<1x16xf32>,
      %swap3A_35 = arith.index_cast %scan3A_20 : i32 to index
      %swap3A_36 = arith.constant 48 : index
      %swap3A_37 = tpu.vector_load %arg8[%swap3A_35, %swap3A_36] {strides = array<i32>} : memref<128x128xf32, #tpu.memory_space<vmem>>, vector<1x16xf32>,
      %swap3A_38 = vector.shape_cast %swap3A_37 : vector<1x16xf32> to vector<16xf32>
      %swap3A_39 = vector.shape_cast %broadcast_in_dim3A_1 : vector<16xf32> to vector<1x16xf32>
      tpu.vector_store %arg8[%swap3A_35, %swap3A_36], %swap3A_39 {strides = array<i32>} : memref<128x128xf32, #tpu.memory_space<vmem>>, vector<1x16xf32>,
      %swap3A_40 = arith.index_cast %scan3A_20 : i32 to index
      %swap3A_41 = arith.constant 64 : index
      %swap3A_42 = tpu.vector_load %arg8[%swap3A_40, %swap3A_41] {strides = array<i32>} : memref<128x128xf32, #tpu.memory_space<vmem>>, vector<1x16xf32>,
      %swap3A_43 = vector.shape_cast %swap3A_42 : vector<1x16xf32> to vector<16xf32>
      %swap3A_44 = vector.shape_cast %broadcast_in_dim3A_1 : vector<16xf32> to vector<1x16xf32>
      tpu.vector_store %arg8[%swap3A_40, %swap3A_41], %swap3A_44 {strides = array<i32>} : memref<128x128xf32, #tpu.memory_space<vmem>>, vector<1x16xf32>,
      %swap3A_45 = arith.index_cast %scan3A_20 : i32 to index
      %swap3A_46 = arith.constant 80 : index
      %swap3A_47 = tpu.vector_load %arg8[%swap3A_45, %swap3A_46] {strides = array<i32>} : memref<128x128xf32, #tpu.memory_space<vmem>>, vector<1x16xf32>,
      %swap3A_48 = vector.shape_cast %swap3A_47 : vector<1x16xf32> to vector<16xf32>
      %swap3A_49 = vector.shape_cast %broadcast_in_dim3A_1 : vector<16xf32> to vector<1x16xf32>
      tpu.vector_store %arg8[%swap3A_45, %swap3A_46], %swap3A_49 {strides = array<i32>} : memref<128x128xf32, #tpu.memory_space<vmem>>, vector<1x16xf32>,
      %swap3A_50 = arith.index_cast %scan3A_20 : i32 to index
      %swap3A_51 = arith.constant 96 : index
      %swap3A_52 = tpu.vector_load %arg8[%swap3A_50, %swap3A_51] {strides = array<i32>} : memref<128x128xf32, #tpu.memory_space<vmem>>, vector<1x16xf32>,
      %swap3A_53 = vector.shape_cast %swap3A_52 : vector<1x16xf32> to vector<16xf32>
      %swap3A_54 = vector.shape_cast %broadcast_in_dim3A_1 : vector<16xf32> to vector<1x16xf32>
      tpu.vector_store %arg8[%swap3A_50, %swap3A_51], %swap3A_54 {strides = array<i32>} : memref<128x128xf32, #tpu.memory_space<vmem>>, vector<1x16xf32>,
      %swap3A_55 = arith.index_cast %scan3A_20 : i32 to index
      %swap3A_56 = arith.constant 112 : index
      %swap3A_57 = tpu.vector_load %arg8[%swap3A_55, %swap3A_56] {strides = array<i32>} : memref<128x128xf32, #tpu.memory_space<vmem>>, vector<1x16xf32>,
      %swap3A_58 = vector.shape_cast %swap3A_57 : vector<1x16xf32> to vector<16xf32>
      %swap3A_59 = vector.shape_cast %broadcast_in_dim3A_1 : vector<16xf32> to vector<1x16xf32>
      tpu.vector_store %arg8[%swap3A_55, %swap3A_56], %swap3A_59 {strides = array<i32>} : memref<128x128xf32, #tpu.memory_space<vmem>>, vector<1x16xf32>,
    }
    %scan3A_6 = arith.constant 8 : i32
    %scan3A_7 = arith.constant 0 : i32
    %scan3A_8 = arith.constant 0 : i32
    %scan3A_9 = arith.constant 79 : i32
    %scan3A_10 = arith.addi %scan3A_8, %scan3A_9 : i32
    %scan3A_11 = arith.constant 1 : i32
    scf.for %scan3A_20 = %scan3A_8 to %scan3A_10 step %scan3A_11  : i32 {
      %mul3A_21 = arith.constant 8 : i32
      %mul3A_22 = arith.muli %scan3A_20, %mul3A_21 : i32
      %add3A = arith.addi %mul3A_0, %mul3A_22 : i32
      "tpu.region"() ({
        %run_scoped3A = tpu.sem_alloc : memref<!tpu.dma_semaphore, #tpu.memory_space<semaphore_mem>>
        %dma_start3A = arith.constant 0 : i32
        %dma_start3A_23 = arith.constant 0 : i32
        %dma_start3A_24 = tpu.memref_slice %arg8[%dma_start3A, %dma_start3A_23] : memref<128x128xf32, #tpu.memory_space<vmem>> -> memref<8x128xf32, #tpu.memory_space<vmem>>
        %dma_start3A_25 = arith.constant 0 : i32
        %dma_start3A_26 = tpu.memref_slice %arg10[%add3A, %dma_start3A_25] : memref<10112x128xf32, #tpu.memory_space<vmem_shared>> -> memref<8x128xf32, #tpu.memory_space<vmem_shared>>
        %dma_start3A_27 = arith.constant 0 : i32
        %dma_start3A_28 = tpu.memref_slice %arg10[%add3A, %dma_start3A_27] : memref<10112x128xf32, #tpu.memory_space<vmem_shared>> -> memref<8x128xf32, #tpu.memory_space<vmem_shared>>
        %dma_start3A_29 = arith.constant 0 : i32
        %dma_start3A_30 = arith.constant 0 : i32
        %dma_start3A_31 = tpu.memref_slice %arg8[%dma_start3A_29, %dma_start3A_30] : memref<128x128xf32, #tpu.memory_space<vmem>> -> memref<8x128xf32, #tpu.memory_space<vmem>>
        tpu.enqueue_dma source(%dma_start3A_31 : memref<8x128xf32, #tpu.memory_space<vmem>>) target(%dma_start3A_28 : memref<8x128xf32, #tpu.memory_space<vmem_shared>>) target_semaphore(%run_scoped3A : memref<!tpu.dma_semaphore, #tpu.memory_space<semaphore_mem>>)
        %dma_wait3A = arith.constant 0 : i32
        %dma_wait3A_32 = arith.constant 0 : i32
        %dma_wait3A_33 = tpu.memref_slice %arg8[%dma_wait3A, %dma_wait3A_32] : memref<128x128xf32, #tpu.memory_space<vmem>> -> memref<8x128xf32, #tpu.memory_space<vmem>>
        %dma_wait3A_34 = arith.constant 0 : i32
        %dma_wait3A_35 = tpu.memref_slice %arg10[%add3A, %dma_wait3A_34] : memref<10112x128xf32, #tpu.memory_space<vmem_shared>> -> memref<8x128xf32, #tpu.memory_space<vmem_shared>>
        %dma_wait3A_36 = arith.constant 0 : i32
        %dma_wait3A_37 = tpu.memref_slice %arg10[%add3A, %dma_wait3A_36] : memref<10112x128xf32, #tpu.memory_space<vmem_shared>> -> memref<8x128xf32, #tpu.memory_space<vmem_shared>>
        %dma_wait3A_38 = arith.constant 0 : i32
        %dma_wait3A_39 = arith.constant 0 : i32
        %dma_wait3A_40 = tpu.memref_slice %arg8[%dma_wait3A_38, %dma_wait3A_39] : memref<128x128xf32, #tpu.memory_space<vmem>> -> memref<8x128xf32, #tpu.memory_space<vmem>>
        tpu.wait_dma2 semaphore(%run_scoped3A : memref<!tpu.dma_semaphore, #tpu.memory_space<semaphore_mem>>) src(%dma_wait3A_40 : memref<8x128xf32, #tpu.memory_space<vmem>>) dst(%dma_wait3A_37 : memref<8x128xf32, #tpu.memory_space<vmem_shared>>)
        tpu.yield
      }) : () -> ()
    }
    %scan3A_12 = arith.constant 79 : i32
    %barrier3A = arith.constant 0 : index
    tpu.barrier barrier_id(%barrier3A)
    %scan3A_13 = arith.constant 0 : i32
    %scan3A_14 = arith.constant 0 : i32
    %scan3A_15 = arith.constant 5 : i32
    %scan3A_16 = arith.addi %scan3A_14, %scan3A_15 : i32
    %scan3A_17 = arith.constant 1 : i32
    scf.for %scan3A_20 = %scan3A_14 to %scan3A_16 step %scan3A_17  : i32 {
      %mul3A_21 = arith.constant 16 : i32
      %mul3A_22 = arith.muli %scan3A_20, %mul3A_21 : i32
      "tpu.region"() ({
        %run_scoped3A_58 = tpu.sem_alloc : memref<!tpu.dma_semaphore, #tpu.memory_space<semaphore_mem>>
        %dma_start3A_59 = arith.constant 0 : i32
        %dma_start3A_60 = tpu.memref_slice %arg3[%arg0, %arg1, %mul3A_22, %dma_start3A_59] : memref<2x16x80x128xi32, #tpu.memory_space<hbm>> -> memref<1x1x16x128xi32, #tpu.memory_space<hbm>>
        %dma_start3A_61 = tpu.memref_squeeze %dma_start3A_60 : memref<1x1x16x128xi32, #tpu.memory_space<hbm>> -> memref<16x128xi32, #tpu.memory_space<hbm>>
        %dma_start3A_62 = arith.constant 0 : i32
        %dma_start3A_63 = tpu.memref_slice %arg3[%arg0, %arg1, %mul3A_22, %dma_start3A_62] : memref<2x16x80x128xi32, #tpu.memory_space<hbm>> -> memref<1x1x16x128xi32, #tpu.memory_space<hbm>>
        %dma_start3A_64 = tpu.memref_squeeze %dma_start3A_63 : memref<1x1x16x128xi32, #tpu.memory_space<hbm>> -> memref<16x128xi32, #tpu.memory_space<hbm>>
        tpu.enqueue_dma source(%dma_start3A_64 : memref<16x128xi32, #tpu.memory_space<hbm>>) target(%arg6 : memref<16x128xi32, #tpu.memory_space<vmem>>) target_semaphore(%run_scoped3A_58 : memref<!tpu.dma_semaphore, #tpu.memory_space<semaphore_mem>>)
        %dma_wait3A_65 = arith.constant 0 : i32
        %dma_wait3A_66 = tpu.memref_slice %arg3[%arg0, %arg1, %mul3A_22, %dma_wait3A_65] : memref<2x16x80x128xi32, #tpu.memory_space<hbm>> -> memref<1x1x16x128xi32, #tpu.memory_space<hbm>>
        %dma_wait3A_67 = tpu.memref_squeeze %dma_wait3A_66 : memref<1x1x16x128xi32, #tpu.memory_space<hbm>> -> memref<16x128xi32, #tpu.memory_space<hbm>>
        %dma_wait3A_68 = arith.constant 0 : i32
        %dma_wait3A_69 = tpu.memref_slice %arg3[%arg0, %arg1, %mul3A_22, %dma_wait3A_68] : memref<2x16x80x128xi32, #tpu.memory_space<hbm>> -> memref<1x1x16x128xi32, #tpu.memory_space<hbm>>
        %dma_wait3A_70 = tpu.memref_squeeze %dma_wait3A_69 : memref<1x1x16x128xi32, #tpu.memory_space<hbm>> -> memref<16x128xi32, #tpu.memory_space<hbm>>
        tpu.wait_dma2 semaphore(%run_scoped3A_58 : memref<!tpu.dma_semaphore, #tpu.memory_space<semaphore_mem>>) src(%dma_wait3A_70 : memref<16x128xi32, #tpu.memory_space<hbm>>) dst(%arg6 : memref<16x128xi32, #tpu.memory_space<vmem>>)
        tpu.yield
      }) : () -> ()
      %mul3A_23 = arith.constant 16 : i32
      %mul3A_24 = arith.muli %scan3A_20, %mul3A_23 : i32
      "tpu.region"() ({
        %run_scoped3A_58 = tpu.sem_alloc : memref<!tpu.dma_semaphore, #tpu.memory_space<semaphore_mem>>
        %dma_start3A_59 = arith.constant 0 : i32
        %dma_start3A_60 = tpu.memref_slice %arg4[%arg0, %arg1, %mul3A_24, %dma_start3A_59] : memref<2x16x80x128xi32, #tpu.memory_space<hbm>> -> memref<1x1x16x128xi32, #tpu.memory_space<hbm>>
        %dma_start3A_61 = tpu.memref_squeeze %dma_start3A_60 : memref<1x1x16x128xi32, #tpu.memory_space<hbm>> -> memref<16x128xi32, #tpu.memory_space<hbm>>
        %dma_start3A_62 = arith.constant 0 : i32
        %dma_start3A_63 = tpu.memref_slice %arg4[%arg0, %arg1, %mul3A_24, %dma_start3A_62] : memref<2x16x80x128xi32, #tpu.memory_space<hbm>> -> memref<1x1x16x128xi32, #tpu.memory_space<hbm>>
        %dma_start3A_64 = tpu.memref_squeeze %dma_start3A_63 : memref<1x1x16x128xi32, #tpu.memory_space<hbm>> -> memref<16x128xi32, #tpu.memory_space<hbm>>
        tpu.enqueue_dma source(%dma_start3A_64 : memref<16x128xi32, #tpu.memory_space<hbm>>) target(%arg7 : memref<16x128xi32, #tpu.memory_space<vmem>>) target_semaphore(%run_scoped3A_58 : memref<!tpu.dma_semaphore, #tpu.memory_space<semaphore_mem>>)
        %dma_wait3A_65 = arith.constant 0 : i32
        %dma_wait3A_66 = tpu.memref_slice %arg4[%arg0, %arg1, %mul3A_24, %dma_wait3A_65] : memref<2x16x80x128xi32, #tpu.memory_space<hbm>> -> memref<1x1x16x128xi32, #tpu.memory_space<hbm>>
        %dma_wait3A_67 = tpu.memref_squeeze %dma_wait3A_66 : memref<1x1x16x128xi32, #tpu.memory_space<hbm>> -> memref<16x128xi32, #tpu.memory_space<hbm>>
        %dma_wait3A_68 = arith.constant 0 : i32
        %dma_wait3A_69 = tpu.memref_slice %arg4[%arg0, %arg1, %mul3A_24, %dma_wait3A_68] : memref<2x16x80x128xi32, #tpu.memory_space<hbm>> -> memref<1x1x16x128xi32, #tpu.memory_space<hbm>>
        %dma_wait3A_70 = tpu.memref_squeeze %dma_wait3A_69 : memref<1x1x16x128xi32, #tpu.memory_space<hbm>> -> memref<16x128xi32, #tpu.memory_space<hbm>>
        tpu.wait_dma2 semaphore(%run_scoped3A_58 : memref<!tpu.dma_semaphore, #tpu.memory_space<semaphore_mem>>) src(%dma_wait3A_70 : memref<16x128xi32, #tpu.memory_space<hbm>>) dst(%arg7 : memref<16x128xi32, #tpu.memory_space<vmem>>)
        tpu.yield
      }) : () -> ()
      %dma_start3A = arith.constant 0 : i32
      %dma_start3A_25 = arith.constant 0 : i32
      %dma_start3A_26 = tpu.memref_slice %arg6[%dma_start3A, %dma_start3A_25] : memref<16x128xi32, #tpu.memory_space<vmem>> -> memref<1x128xi32, #tpu.memory_space<vmem>>
      %dma_start3A_27 = tpu.memref_squeeze %dma_start3A_26 : memref<1x128xi32, #tpu.memory_space<vmem>> -> memref<128xi32, #tpu.memory_space<vmem>>
      %dma_start3A_28 = arith.constant 0 : i32
      %dma_start3A_29 = arith.constant 0 : i32
      %dma_start3A_30 = tpu.memref_slice %arg2[%dma_start3A_28, %dma_start3A_29] : memref<10112x128xf32, #tpu.memory_space<hbm>> -> memref<10112x128xf32, #tpu.memory_space<hbm>>
      tpu.enqueue_indirect_dma source(%dma_start3A_30 : memref<10112x128xf32, #tpu.memory_space<hbm>>) target(%arg8 : memref<128x128xf32, #tpu.memory_space<vmem>>) offsets(%dma_start3A_27 : memref<128xi32, #tpu.memory_space<vmem>>) semaphore(%arg11 : memref<!tpu.dma_semaphore, #tpu.memory_space<semaphore_mem>>)
      %scan3A_31 = arith.constant 0 : i32
      %scan3A_32 = arith.constant 0 : i32
      %scan3A_33 = arith.constant 7 : i32
      %scan3A_34 = arith.addi %scan3A_32, %scan3A_33 : i32
      %scan3A_35 = arith.constant 1 : i32
      scf.for %scan3A_58 = %scan3A_32 to %scan3A_34 step %scan3A_35  : i32 {
        %mul3A_59 = arith.constant 2 : i32
        %mul3A_60 = arith.muli %scan3A_58, %mul3A_59 : i32
        %add3A = arith.constant 0 : i32
        %add3A_61 = arith.addi %mul3A_60, %add3A : i32
        %add3A_62 = arith.constant 1 : i32
        %add3A_63 = arith.addi %add3A_61, %add3A_62 : i32
        %dma_start3A_64 = arith.constant 0 : i32
        %dma_start3A_65 = tpu.memref_slice %arg6[%add3A_63, %dma_start3A_64] : memref<16x128xi32, #tpu.memory_space<vmem>> -> memref<1x128xi32, #tpu.memory_space<vmem>>
        %dma_start3A_66 = tpu.memref_squeeze %dma_start3A_65 : memref<1x128xi32, #tpu.memory_space<vmem>> -> memref<128xi32, #tpu.memory_space<vmem>>
        %dma_start3A_67 = arith.constant 0 : i32
        %dma_start3A_68 = arith.constant 0 : i32
        %dma_start3A_69 = tpu.memref_slice %arg2[%dma_start3A_67, %dma_start3A_68] : memref<10112x128xf32, #tpu.memory_space<hbm>> -> memref<10112x128xf32, #tpu.memory_space<hbm>>
        tpu.enqueue_indirect_dma source(%dma_start3A_69 : memref<10112x128xf32, #tpu.memory_space<hbm>>) target(%arg9 : memref<128x128xf32, #tpu.memory_space<vmem>>) offsets(%dma_start3A_66 : memref<128xi32, #tpu.memory_space<vmem>>) semaphore(%arg12 : memref<!tpu.dma_semaphore, #tpu.memory_space<semaphore_mem>>)
        %dma_wait3A_70 = arith.constant 0 : i32
        %dma_wait3A_71 = tpu.memref_slice %arg6[%add3A_61, %dma_wait3A_70] : memref<16x128xi32, #tpu.memory_space<vmem>> -> memref<1x128xi32, #tpu.memory_space<vmem>>
        %dma_wait3A_72 = tpu.memref_squeeze %dma_wait3A_71 : memref<1x128xi32, #tpu.memory_space<vmem>> -> memref<128xi32, #tpu.memory_space<vmem>>
        %dma_wait3A_73 = arith.constant 0 : i32
        %dma_wait3A_74 = arith.constant 0 : i32
        %dma_wait3A_75 = tpu.memref_slice %arg2[%dma_wait3A_73, %dma_wait3A_74] : memref<10112x128xf32, #tpu.memory_space<hbm>> -> memref<10112x128xf32, #tpu.memory_space<hbm>>
        tpu.wait_indirect_dma semaphore(%arg11 : memref<!tpu.dma_semaphore, #tpu.memory_space<semaphore_mem>>) src(%dma_wait3A_75 : memref<10112x128xf32, #tpu.memory_space<hbm>>) dst(%arg8 : memref<128x128xf32, #tpu.memory_space<vmem>>)
        "tpu.region"() ({
          %run_scoped3A_94 = tpu.sem_alloc : memref<!tpu.dma_semaphore, #tpu.memory_space<semaphore_mem>>
          %dma_start3A_95 = arith.constant 0 : i32
          %dma_start3A_96 = tpu.memref_slice %arg7[%add3A_61, %dma_start3A_95] : memref<16x128xi32, #tpu.memory_space<vmem>> -> memref<1x128xi32, #tpu.memory_space<vmem>>
          %dma_start3A_97 = tpu.memref_squeeze %dma_start3A_96 : memref<1x128xi32, #tpu.memory_space<vmem>> -> memref<128xi32, #tpu.memory_space<vmem>>
          %dma_start3A_98 = arith.constant 0 : i32
          %dma_start3A_99 = arith.constant 0 : i32
          %dma_start3A_100 = tpu.memref_slice %arg10[%dma_start3A_98, %dma_start3A_99] : memref<10112x128xf32, #tpu.memory_space<vmem_shared>> -> memref<10112x128xf32, #tpu.memory_space<vmem_shared>>
          tpu.enqueue_indirect_dma source(%arg8 : memref<128x128xf32, #tpu.memory_space<vmem>>) target(%dma_start3A_100 : memref<10112x128xf32, #tpu.memory_space<vmem_shared>>) offsets(%dma_start3A_97 : memref<128xi32, #tpu.memory_space<vmem>>) semaphore(%run_scoped3A_94 : memref<!tpu.dma_semaphore, #tpu.memory_space<semaphore_mem>>) {add = true}
          %dma_wait3A_101 = arith.constant 0 : i32
          %dma_wait3A_102 = tpu.memref_slice %arg7[%add3A_61, %dma_wait3A_101] : memref<16x128xi32, #tpu.memory_space<vmem>> -> memref<1x128xi32, #tpu.memory_space<vmem>>
          %dma_wait3A_103 = tpu.memref_squeeze %dma_wait3A_102 : memref<1x128xi32, #tpu.memory_space<vmem>> -> memref<128xi32, #tpu.memory_space<vmem>>
          %dma_wait3A_104 = arith.constant 0 : i32
          %dma_wait3A_105 = arith.constant 0 : i32
          %dma_wait3A_106 = tpu.memref_slice %arg10[%dma_wait3A_104, %dma_wait3A_105] : memref<10112x128xf32, #tpu.memory_space<vmem_shared>> -> memref<10112x128xf32, #tpu.memory_space<vmem_shared>>
          tpu.wait_indirect_dma semaphore(%run_scoped3A_94 : memref<!tpu.dma_semaphore, #tpu.memory_space<semaphore_mem>>) src(%arg8 : memref<128x128xf32, #tpu.memory_space<vmem>>) dst(%dma_wait3A_106 : memref<10112x128xf32, #tpu.memory_space<vmem_shared>>)
          tpu.yield
        }) : () -> ()
        %mul3A_76 = arith.constant 2 : i32
        %mul3A_77 = arith.muli %scan3A_58, %mul3A_76 : i32
        %add3A_78 = arith.constant 1 : i32
        %add3A_79 = arith.addi %mul3A_77, %add3A_78 : i32
        %add3A_80 = arith.constant 1 : i32
        %add3A_81 = arith.addi %add3A_79, %add3A_80 : i32
        %dma_start3A_82 = arith.constant 0 : i32
        %dma_start3A_83 = tpu.memref_slice %arg6[%add3A_81, %dma_start3A_82] : memref<16x128xi32, #tpu.memory_space<vmem>> -> memref<1x128xi32, #tpu.memory_space<vmem>>
        %dma_start3A_84 = tpu.memref_squeeze %dma_start3A_83 : memref<1x128xi32, #tpu.memory_space<vmem>> -> memref<128xi32, #tpu.memory_space<vmem>>
        %dma_start3A_85 = arith.constant 0 : i32
        %dma_start3A_86 = arith.constant 0 : i32
        %dma_start3A_87 = tpu.memref_slice %arg2[%dma_start3A_85, %dma_start3A_86] : memref<10112x128xf32, #tpu.memory_space<hbm>> -> memref<10112x128xf32, #tpu.memory_space<hbm>>
        tpu.enqueue_indirect_dma source(%dma_start3A_87 : memref<10112x128xf32, #tpu.memory_space<hbm>>) target(%arg8 : memref<128x128xf32, #tpu.memory_space<vmem>>) offsets(%dma_start3A_84 : memref<128xi32, #tpu.memory_space<vmem>>) semaphore(%arg11 : memref<!tpu.dma_semaphore, #tpu.memory_space<semaphore_mem>>)
        %dma_wait3A_88 = arith.constant 0 : i32
        %dma_wait3A_89 = tpu.memref_slice %arg6[%add3A_79, %dma_wait3A_88] : memref<16x128xi32, #tpu.memory_space<vmem>> -> memref<1x128xi32, #tpu.memory_space<vmem>>
        %dma_wait3A_90 = tpu.memref_squeeze %dma_wait3A_89 : memref<1x128xi32, #tpu.memory_space<vmem>> -> memref<128xi32, #tpu.memory_space<vmem>>
        %dma_wait3A_91 = arith.constant 0 : i32
        %dma_wait3A_92 = arith.constant 0 : i32
        %dma_wait3A_93 = tpu.memref_slice %arg2[%dma_wait3A_91, %dma_wait3A_92] : memref<10112x128xf32, #tpu.memory_space<hbm>> -> memref<10112x128xf32, #tpu.memory_space<hbm>>
        tpu.wait_indirect_dma semaphore(%arg12 : memref<!tpu.dma_semaphore, #tpu.memory_space<semaphore_mem>>) src(%dma_wait3A_93 : memref<10112x128xf32, #tpu.memory_space<hbm>>) dst(%arg9 : memref<128x128xf32, #tpu.memory_space<vmem>>)
        "tpu.region"() ({
          %run_scoped3A_94 = tpu.sem_alloc : memref<!tpu.dma_semaphore, #tpu.memory_space<semaphore_mem>>
          %dma_start3A_95 = arith.constant 0 : i32
          %dma_start3A_96 = tpu.memref_slice %arg7[%add3A_79, %dma_start3A_95] : memref<16x128xi32, #tpu.memory_space<vmem>> -> memref<1x128xi32, #tpu.memory_space<vmem>>
          %dma_start3A_97 = tpu.memref_squeeze %dma_start3A_96 : memref<1x128xi32, #tpu.memory_space<vmem>> -> memref<128xi32, #tpu.memory_space<vmem>>
          %dma_start3A_98 = arith.constant 0 : i32
          %dma_start3A_99 = arith.constant 0 : i32
          %dma_start3A_100 = tpu.memref_slice %arg10[%dma_start3A_98, %dma_start3A_99] : memref<10112x128xf32, #tpu.memory_space<vmem_shared>> -> memref<10112x128xf32, #tpu.memory_space<vmem_shared>>
          tpu.enqueue_indirect_dma source(%arg9 : memref<128x128xf32, #tpu.memory_space<vmem>>) target(%dma_start3A_100 : memref<10112x128xf32, #tpu.memory_space<vmem_shared>>) offsets(%dma_start3A_97 : memref<128xi32, #tpu.memory_space<vmem>>) semaphore(%run_scoped3A_94 : memref<!tpu.dma_semaphore, #tpu.memory_space<semaphore_mem>>) {add = true}
          %dma_wait3A_101 = arith.constant 0 : i32
          %dma_wait3A_102 = tpu.memref_slice %arg7[%add3A_79, %dma_wait3A_101] : memref<16x128xi32, #tpu.memory_space<vmem>> -> memref<1x128xi32, #tpu.memory_space<vmem>>
          %dma_wait3A_103 = tpu.memref_squeeze %dma_wait3A_102 : memref<1x128xi32, #tpu.memory_space<vmem>> -> memref<128xi32, #tpu.memory_space<vmem>>
          %dma_wait3A_104 = arith.constant 0 : i32
          %dma_wait3A_105 = arith.constant 0 : i32
          %dma_wait3A_106 = tpu.memref_slice %arg10[%dma_wait3A_104, %dma_wait3A_105] : memref<10112x128xf32, #tpu.memory_space<vmem_shared>> -> memref<10112x128xf32, #tpu.memory_space<vmem_shared>>
          tpu.wait_indirect_dma semaphore(%run_scoped3A_94 : memref<!tpu.dma_semaphore, #tpu.memory_space<semaphore_mem>>) src(%arg9 : memref<128x128xf32, #tpu.memory_space<vmem>>) dst(%dma_wait3A_106 : memref<10112x128xf32, #tpu.memory_space<vmem_shared>>)
          tpu.yield
        }) : () -> ()
      }
      %scan3A_36 = arith.constant 7 : i32
      %dma_start3A_37 = arith.constant 15 : i32
      %dma_start3A_38 = arith.constant 0 : i32
      %dma_start3A_39 = tpu.memref_slice %arg6[%dma_start3A_37, %dma_start3A_38] : memref<16x128xi32, #tpu.memory_space<vmem>> -> memref<1x128xi32, #tpu.memory_space<vmem>>
      %dma_start3A_40 = tpu.memref_squeeze %dma_start3A_39 : memref<1x128xi32, #tpu.memory_space<vmem>> -> memref<128xi32, #tpu.memory_space<vmem>>
      %dma_start3A_41 = arith.constant 0 : i32
      %dma_start3A_42 = arith.constant 0 : i32
      %dma_start3A_43 = tpu.memref_slice %arg2[%dma_start3A_41, %dma_start3A_42] : memref<10112x128xf32, #tpu.memory_space<hbm>> -> memref<10112x128xf32, #tpu.memory_space<hbm>>
      tpu.enqueue_indirect_dma source(%dma_start3A_43 : memref<10112x128xf32, #tpu.memory_space<hbm>>) target(%arg9 : memref<128x128xf32, #tpu.memory_space<vmem>>) offsets(%dma_start3A_40 : memref<128xi32, #tpu.memory_space<vmem>>) semaphore(%arg12 : memref<!tpu.dma_semaphore, #tpu.memory_space<semaphore_mem>>)
      %dma_wait3A = arith.constant 14 : i32
      %dma_wait3A_44 = arith.constant 0 : i32
      %dma_wait3A_45 = tpu.memref_slice %arg6[%dma_wait3A, %dma_wait3A_44] : memref<16x128xi32, #tpu.memory_space<vmem>> -> memref<1x128xi32, #tpu.memory_space<vmem>>
      %dma_wait3A_46 = tpu.memref_squeeze %dma_wait3A_45 : memref<1x128xi32, #tpu.memory_space<vmem>> -> memref<128xi32, #tpu.memory_space<vmem>>
      %dma_wait3A_47 = arith.constant 0 : i32
      %dma_wait3A_48 = arith.constant 0 : i32
      %dma_wait3A_49 = tpu.memref_slice %arg2[%dma_wait3A_47, %dma_wait3A_48] : memref<10112x128xf32, #tpu.memory_space<hbm>> -> memref<10112x128xf32, #tpu.memory_space<hbm>>
      tpu.wait_indirect_dma semaphore(%arg11 : memref<!tpu.dma_semaphore, #tpu.memory_space<semaphore_mem>>) src(%dma_wait3A_49 : memref<10112x128xf32, #tpu.memory_space<hbm>>) dst(%arg8 : memref<128x128xf32, #tpu.memory_space<vmem>>)
      %run_scoped3A = arith.constant 14 : i32
      "tpu.region"() ({
        %run_scoped3A_58 = tpu.sem_alloc : memref<!tpu.dma_semaphore, #tpu.memory_space<semaphore_mem>>
        %dma_start3A_59 = arith.constant 0 : i32
        %dma_start3A_60 = tpu.memref_slice %arg7[%run_scoped3A, %dma_start3A_59] : memref<16x128xi32, #tpu.memory_space<vmem>> -> memref<1x128xi32, #tpu.memory_space<vmem>>
        %dma_start3A_61 = tpu.memref_squeeze %dma_start3A_60 : memref<1x128xi32, #tpu.memory_space<vmem>> -> memref<128xi32, #tpu.memory_space<vmem>>
        %dma_start3A_62 = arith.constant 0 : i32
        %dma_start3A_63 = arith.constant 0 : i32
        %dma_start3A_64 = tpu.memref_slice %arg10[%dma_start3A_62, %dma_start3A_63] : memref<10112x128xf32, #tpu.memory_space<vmem_shared>> -> memref<10112x128xf32, #tpu.memory_space<vmem_shared>>
        tpu.enqueue_indirect_dma source(%arg8 : memref<128x128xf32, #tpu.memory_space<vmem>>) target(%dma_start3A_64 : memref<10112x128xf32, #tpu.memory_space<vmem_shared>>) offsets(%dma_start3A_61 : memref<128xi32, #tpu.memory_space<vmem>>) semaphore(%run_scoped3A_58 : memref<!tpu.dma_semaphore, #tpu.memory_space<semaphore_mem>>) {add = true}
        %dma_wait3A_65 = arith.constant 0 : i32
        %dma_wait3A_66 = tpu.memref_slice %arg7[%run_scoped3A, %dma_wait3A_65] : memref<16x128xi32, #tpu.memory_space<vmem>> -> memref<1x128xi32, #tpu.memory_space<vmem>>
        %dma_wait3A_67 = tpu.memref_squeeze %dma_wait3A_66 : memref<1x128xi32, #tpu.memory_space<vmem>> -> memref<128xi32, #tpu.memory_space<vmem>>
        %dma_wait3A_68 = arith.constant 0 : i32
        %dma_wait3A_69 = arith.constant 0 : i32
        %dma_wait3A_70 = tpu.memref_slice %arg10[%dma_wait3A_68, %dma_wait3A_69] : memref<10112x128xf32, #tpu.memory_space<vmem_shared>> -> memref<10112x128xf32, #tpu.memory_space<vmem_shared>>
        tpu.wait_indirect_dma semaphore(%run_scoped3A_58 : memref<!tpu.dma_semaphore, #tpu.memory_space<semaphore_mem>>) src(%arg8 : memref<128x128xf32, #tpu.memory_space<vmem>>) dst(%dma_wait3A_70 : memref<10112x128xf32, #tpu.memory_space<vmem_shared>>)
        tpu.yield
      }) : () -> ()
      %dma_wait3A_50 = arith.constant 15 : i32
      %dma_wait3A_51 = arith.constant 0 : i32
      %dma_wait3A_52 = tpu.memref_slice %arg6[%dma_wait3A_50, %dma_wait3A_51] : memref<16x128xi32, #tpu.memory_space<vmem>> -> memref<1x128xi32, #tpu.memory_space<vmem>>
      %dma_wait3A_53 = tpu.memref_squeeze %dma_wait3A_52 : memref<1x128xi32, #tpu.memory_space<vmem>> -> memref<128xi32, #tpu.memory_space<vmem>>
      %dma_wait3A_54 = arith.constant 0 : i32
      %dma_wait3A_55 = arith.constant 0 : i32
      %dma_wait3A_56 = tpu.memref_slice %arg2[%dma_wait3A_54, %dma_wait3A_55] : memref<10112x128xf32, #tpu.memory_space<hbm>> -> memref<10112x128xf32, #tpu.memory_space<hbm>>
      tpu.wait_indirect_dma semaphore(%arg12 : memref<!tpu.dma_semaphore, #tpu.memory_space<semaphore_mem>>) src(%dma_wait3A_56 : memref<10112x128xf32, #tpu.memory_space<hbm>>) dst(%arg9 : memref<128x128xf32, #tpu.memory_space<vmem>>)
      %run_scoped3A_57 = arith.constant 15 : i32
      "tpu.region"() ({
        %run_scoped3A_58 = tpu.sem_alloc : memref<!tpu.dma_semaphore, #tpu.memory_space<semaphore_mem>>
        %dma_start3A_59 = arith.constant 0 : i32
        %dma_start3A_60 = tpu.memref_slice %arg7[%run_scoped3A_57, %dma_start3A_59] : memref<16x128xi32, #tpu.memory_space<vmem>> -> memref<1x128xi32, #tpu.memory_space<vmem>>
        %dma_start3A_61 = tpu.memref_squeeze %dma_start3A_60 : memref<1x128xi32, #tpu.memory_space<vmem>> -> memref<128xi32, #tpu.memory_space<vmem>>
        %dma_start3A_62 = arith.constant 0 : i32
        %dma_start3A_63 = arith.constant 0 : i32
        %dma_start3A_64 = tpu.memref_slice %arg10[%dma_start3A_62, %dma_start3A_63] : memref<10112x128xf32, #tpu.memory_space<vmem_shared>> -> memref<10112x128xf32, #tpu.memory_space<vmem_shared>>
        tpu.enqueue_indirect_dma source(%arg9 : memref<128x128xf32, #tpu.memory_space<vmem>>) target(%dma_start3A_64 : memref<10112x128xf32, #tpu.memory_space<vmem_shared>>) offsets(%dma_start3A_61 : memref<128xi32, #tpu.memory_space<vmem>>) semaphore(%run_scoped3A_58 : memref<!tpu.dma_semaphore, #tpu.memory_space<semaphore_mem>>) {add = true}
        %dma_wait3A_65 = arith.constant 0 : i32
        %dma_wait3A_66 = tpu.memref_slice %arg7[%run_scoped3A_57, %dma_wait3A_65] : memref<16x128xi32, #tpu.memory_space<vmem>> -> memref<1x128xi32, #tpu.memory_space<vmem>>
        %dma_wait3A_67 = tpu.memref_squeeze %dma_wait3A_66 : memref<1x128xi32, #tpu.memory_space<vmem>> -> memref<128xi32, #tpu.memory_space<vmem>>
        %dma_wait3A_68 = arith.constant 0 : i32
        %dma_wait3A_69 = arith.constant 0 : i32
        %dma_wait3A_70 = tpu.memref_slice %arg10[%dma_wait3A_68, %dma_wait3A_69] : memref<10112x128xf32, #tpu.memory_space<vmem_shared>> -> memref<10112x128xf32, #tpu.memory_space<vmem_shared>>
        tpu.wait_indirect_dma semaphore(%run_scoped3A_58 : memref<!tpu.dma_semaphore, #tpu.memory_space<semaphore_mem>>) src(%arg9 : memref<128x128xf32, #tpu.memory_space<vmem>>) dst(%dma_wait3A_70 : memref<10112x128xf32, #tpu.memory_space<vmem_shared>>)
        tpu.yield
      }) : () -> ()
    }
    %scan3A_18 = arith.constant 5 : i32
    %barrier3A_19 = arith.constant 0 : index
    tpu.barrier barrier_id(%barrier3A_19)
    "tpu.region"() ({
      %run_scoped3A = tpu.sem_alloc : memref<!tpu.dma_semaphore, #tpu.memory_space<semaphore_mem>>
      %dma_start3A = arith.constant 0 : i32
      %dma_start3A_20 = tpu.memref_slice %arg5[%arg0, %mul3A_0, %dma_start3A] : memref<2x10112x128xf32, #tpu.memory_space<hbm>> -> memref<1x632x128xf32, #tpu.memory_space<hbm>>
      %dma_start3A_21 = tpu.memref_squeeze %dma_start3A_20 : memref<1x632x128xf32, #tpu.memory_space<hbm>> -> memref<632x128xf32, #tpu.memory_space<hbm>>
      %dma_start3A_22 = arith.constant 0 : i32
      %dma_start3A_23 = tpu.memref_slice %arg10[%mul3A_0, %dma_start3A_22] : memref<10112x128xf32, #tpu.memory_space<vmem_shared>> -> memref<632x128xf32, #tpu.memory_space<vmem_shared>>
      tpu.enqueue_dma source(%dma_start3A_23 : memref<632x128xf32, #tpu.memory_space<vmem_shared>>) target(%dma_start3A_21 : memref<632x128xf32, #tpu.memory_space<hbm>>) target_semaphore(%run_scoped3A : memref<!tpu.dma_semaphore, #tpu.memory_space<semaphore_mem>>)
      %dma_wait3A = arith.constant 0 : i32
      %dma_wait3A_24 = tpu.memref_slice %arg5[%arg0, %mul3A_0, %dma_wait3A] : memref<2x10112x128xf32, #tpu.memory_space<hbm>> -> memref<1x632x128xf32, #tpu.memory_space<hbm>>
      %dma_wait3A_25 = tpu.memref_squeeze %dma_wait3A_24 : memref<1x632x128xf32, #tpu.memory_space<hbm>> -> memref<632x128xf32, #tpu.memory_space<hbm>>
      %dma_wait3A_26 = arith.constant 0 : i32
      %dma_wait3A_27 = tpu.memref_slice %arg10[%mul3A_0, %dma_wait3A_26] : memref<10112x128xf32, #tpu.memory_space<vmem_shared>> -> memref<632x128xf32, #tpu.memory_space<vmem_shared>>
      tpu.wait_dma2 semaphore(%run_scoped3A : memref<!tpu.dma_semaphore, #tpu.memory_space<semaphore_mem>>) src(%dma_wait3A_27 : memref<632x128xf32, #tpu.memory_space<vmem_shared>>) dst(%dma_wait3A_25 : memref<632x128xf32, #tpu.memory_space<hbm>>)
      tpu.yield
    }) : () -> ()
    return
  }
}

#map = affine_map<(d0, d1) -> (0, 0, 0, 0)>
#map1 = affine_map<(d0, d1) -> (0, 0)>
module attributes {stable_mosaic.version = 14 : i64} {
  func.func @body(%arg0: i32, %arg1: i32, %arg2: memref<2x16x625x16xi32, #tpu.memory_space<hbm>>, %arg3: memref<79x128xf32, #tpu.memory_space<hbm>>, %arg4: memref<2x16x79x128xf32, #tpu.memory_space<hbm>>, %arg5: memref<625x16xi32, #tpu.memory_space<vmem>>, %arg6: memref<79x128xf32, #tpu.memory_space<vmem>>) attributes {dimension_semantics = [#tpu.dimension_semantics<core_parallel>, #tpu.dimension_semantics<subcore_parallel>], iteration_bounds = array<i64: 2, 16>, scalar_prefetch = 0 : i64, scratch_operands = 2 : i64, tpu.core_type = #tpu.core_type<sc_vector_subcore>, window_params = [{transform_indices = #map}, {transform_indices = #map1}, {transform_indices = #map}]} {
    "tpu.region"() ({
      %run_scoped3A = tpu.sem_alloc : memref<!tpu.dma_semaphore, #tpu.memory_space<semaphore_mem>>
      tpu.enqueue_dma source(%arg3 : memref<79x128xf32, #tpu.memory_space<hbm>>) target(%arg6 : memref<79x128xf32, #tpu.memory_space<vmem>>) target_semaphore(%run_scoped3A : memref<!tpu.dma_semaphore, #tpu.memory_space<semaphore_mem>>)
      tpu.wait_dma2 semaphore(%run_scoped3A : memref<!tpu.dma_semaphore, #tpu.memory_space<semaphore_mem>>) src(%arg3 : memref<79x128xf32, #tpu.memory_space<hbm>>) dst(%arg6 : memref<79x128xf32, #tpu.memory_space<vmem>>)
      tpu.yield
    }) : () -> ()
    "tpu.region"() ({
      %run_scoped3A = tpu.sem_alloc : memref<!tpu.dma_semaphore, #tpu.memory_space<semaphore_mem>>
      %dma_start3A = arith.constant 0 : i32
      %dma_start3A_6 = arith.constant 0 : i32
      %dma_start3A_7 = tpu.memref_slice %arg2[%arg0, %arg1, %dma_start3A, %dma_start3A_6] : memref<2x16x625x16xi32, #tpu.memory_space<hbm>> -> memref<1x1x625x16xi32, #tpu.memory_space<hbm>>
      %dma_start3A_8 = tpu.memref_squeeze %dma_start3A_7 : memref<1x1x625x16xi32, #tpu.memory_space<hbm>> -> memref<625x16xi32, #tpu.memory_space<hbm>>
      %dma_start3A_9 = arith.constant 0 : i32
      %dma_start3A_10 = arith.constant 0 : i32
      %dma_start3A_11 = tpu.memref_slice %arg2[%arg0, %arg1, %dma_start3A_9, %dma_start3A_10] : memref<2x16x625x16xi32, #tpu.memory_space<hbm>> -> memref<1x1x625x16xi32, #tpu.memory_space<hbm>>
      %dma_start3A_12 = tpu.memref_squeeze %dma_start3A_11 : memref<1x1x625x16xi32, #tpu.memory_space<hbm>> -> memref<625x16xi32, #tpu.memory_space<hbm>>
      tpu.enqueue_dma source(%dma_start3A_12 : memref<625x16xi32, #tpu.memory_space<hbm>>) target(%arg5 : memref<625x16xi32, #tpu.memory_space<vmem>>) target_semaphore(%run_scoped3A : memref<!tpu.dma_semaphore, #tpu.memory_space<semaphore_mem>>)
      %dma_wait3A = arith.constant 0 : i32
      %dma_wait3A_13 = arith.constant 0 : i32
      %dma_wait3A_14 = tpu.memref_slice %arg2[%arg0, %arg1, %dma_wait3A, %dma_wait3A_13] : memref<2x16x625x16xi32, #tpu.memory_space<hbm>> -> memref<1x1x625x16xi32, #tpu.memory_space<hbm>>
      %dma_wait3A_15 = tpu.memref_squeeze %dma_wait3A_14 : memref<1x1x625x16xi32, #tpu.memory_space<hbm>> -> memref<625x16xi32, #tpu.memory_space<hbm>>
      %dma_wait3A_16 = arith.constant 0 : i32
      %dma_wait3A_17 = arith.constant 0 : i32
      %dma_wait3A_18 = tpu.memref_slice %arg2[%arg0, %arg1, %dma_wait3A_16, %dma_wait3A_17] : memref<2x16x625x16xi32, #tpu.memory_space<hbm>> -> memref<1x1x625x16xi32, #tpu.memory_space<hbm>>
      %dma_wait3A_19 = tpu.memref_squeeze %dma_wait3A_18 : memref<1x1x625x16xi32, #tpu.memory_space<hbm>> -> memref<625x16xi32, #tpu.memory_space<hbm>>
      tpu.wait_dma2 semaphore(%run_scoped3A : memref<!tpu.dma_semaphore, #tpu.memory_space<semaphore_mem>>) src(%dma_wait3A_19 : memref<625x16xi32, #tpu.memory_space<hbm>>) dst(%arg5 : memref<625x16xi32, #tpu.memory_space<vmem>>)
      tpu.yield
    }) : () -> ()
    %broadcast_in_dim3A = arith.constant 1.000000e+00 : f32
    %broadcast_in_dim3A_0 = vector.broadcast %broadcast_in_dim3A : f32 to vector<16xf32>
    %scan3A = arith.constant 0 : i32
    %scan3A_1 = arith.constant 0 : i32
    %scan3A_2 = arith.constant 625 : i32
    %scan3A_3 = arith.addi %scan3A_1, %scan3A_2 : i32
    %scan3A_4 = arith.constant 1 : i32
    scf.for %scan3A_6 = %scan3A_1 to %scan3A_3 step %scan3A_4  : i32 {
      %get3A = arith.index_cast %scan3A_6 : i32 to index
      %get3A_7 = arith.constant 0 : index
      %get3A_8 = tpu.vector_load %arg5[%get3A, %get3A_7] {strides = array<i32>} : memref<625x16xi32, #tpu.memory_space<vmem>>, vector<16xi32>,
      %shift_right_logical3A = arith.constant 7 : i32
      %shift_right_logical3A_9 = vector.broadcast %shift_right_logical3A : i32 to vector<16xi32>
      %shift_right_logical3A_10 = arith.shrui %get3A_8, %shift_right_logical3A_9 : vector<16xi32>
      %and3A = arith.constant 127 : i32
      %and3A_11 = vector.broadcast %and3A : i32 to vector<16xi32>
      %and3A_12 = arith.andi %get3A_8, %and3A_11 : vector<16xi32>
      tpu.vector_store_idx %arg6[%shift_right_logical3A_10, %and3A_12], %broadcast_in_dim3A_0 {add = true} : memref<79x128xf32, #tpu.memory_space<vmem>>[vector<16xi32>, vector<16xi32>], vector<16xf32>,
    }
    %scan3A_5 = arith.constant 625 : i32
    "tpu.region"() ({
      %run_scoped3A = tpu.sem_alloc : memref<!tpu.dma_semaphore, #tpu.memory_space<semaphore_mem>>
      %dma_start3A = arith.constant 0 : i32
      %dma_start3A_6 = arith.constant 0 : i32
      %dma_start3A_7 = tpu.memref_slice %arg4[%arg0, %arg1, %dma_start3A, %dma_start3A_6] : memref<2x16x79x128xf32, #tpu.memory_space<hbm>> -> memref<1x1x79x128xf32, #tpu.memory_space<hbm>>
      %dma_start3A_8 = tpu.memref_squeeze %dma_start3A_7 : memref<1x1x79x128xf32, #tpu.memory_space<hbm>> -> memref<79x128xf32, #tpu.memory_space<hbm>>
      %dma_start3A_9 = arith.constant 0 : i32
      %dma_start3A_10 = arith.constant 0 : i32
      %dma_start3A_11 = tpu.memref_slice %arg4[%arg0, %arg1, %dma_start3A_9, %dma_start3A_10] : memref<2x16x79x128xf32, #tpu.memory_space<hbm>> -> memref<1x1x79x128xf32, #tpu.memory_space<hbm>>
      %dma_start3A_12 = tpu.memref_squeeze %dma_start3A_11 : memref<1x1x79x128xf32, #tpu.memory_space<hbm>> -> memref<79x128xf32, #tpu.memory_space<hbm>>
      tpu.enqueue_dma source(%arg6 : memref<79x128xf32, #tpu.memory_space<vmem>>) target(%dma_start3A_12 : memref<79x128xf32, #tpu.memory_space<hbm>>) target_semaphore(%run_scoped3A : memref<!tpu.dma_semaphore, #tpu.memory_space<semaphore_mem>>)
      %dma_wait3A = arith.constant 0 : i32
      %dma_wait3A_13 = arith.constant 0 : i32
      %dma_wait3A_14 = tpu.memref_slice %arg4[%arg0, %arg1, %dma_wait3A, %dma_wait3A_13] : memref<2x16x79x128xf32, #tpu.memory_space<hbm>> -> memref<1x1x79x128xf32, #tpu.memory_space<hbm>>
      %dma_wait3A_15 = tpu.memref_squeeze %dma_wait3A_14 : memref<1x1x79x128xf32, #tpu.memory_space<hbm>> -> memref<79x128xf32, #tpu.memory_space<hbm>>
      %dma_wait3A_16 = arith.constant 0 : i32
      %dma_wait3A_17 = arith.constant 0 : i32
      %dma_wait3A_18 = tpu.memref_slice %arg4[%arg0, %arg1, %dma_wait3A_16, %dma_wait3A_17] : memref<2x16x79x128xf32, #tpu.memory_space<hbm>> -> memref<1x1x79x128xf32, #tpu.memory_space<hbm>>
      %dma_wait3A_19 = tpu.memref_squeeze %dma_wait3A_18 : memref<1x1x79x128xf32, #tpu.memory_space<hbm>> -> memref<79x128xf32, #tpu.memory_space<hbm>>
      tpu.wait_dma2 semaphore(%run_scoped3A : memref<!tpu.dma_semaphore, #tpu.memory_space<semaphore_mem>>) src(%arg6 : memref<79x128xf32, #tpu.memory_space<vmem>>) dst(%dma_wait3A_19 : memref<79x128xf32, #tpu.memory_space<hbm>>)
      tpu.yield
    }) : () -> ()
    return
  }
}

#map = affine_map<(d0, d1) -> (0, 0)>
#map1 = affine_map<(d0, d1) -> (0, 0, 0, 0)>
#map2 = affine_map<(d0, d1) -> (0, 0, 0)>
module attributes {stable_mosaic.version = 14 : i64} {
  func.func @body(%arg0: i32, %arg1: i32, %arg2: memref<10112x128xf32, #tpu.memory_space<hbm>>, %arg3: memref<2x16x80x128xi32, #tpu.memory_space<hbm>>, %arg4: memref<2x16x80x128xi32, #tpu.memory_space<hbm>>, %arg5: memref<2x10112x128xf32, #tpu.memory_space<hbm>>, %arg6: memref<16x128xi32, #tpu.memory_space<vmem>>, %arg7: memref<16x128xi32, #tpu.memory_space<vmem>>, %arg8: memref<128x128xf32, #tpu.memory_space<vmem>>, %arg9: memref<128x128xf32, #tpu.memory_space<vmem>>, %arg10: memref<10112x128xf32, #tpu.memory_space<vmem_shared>>, %arg11: memref<!tpu.dma_semaphore, #tpu.memory_space<semaphore_mem>>, %arg12: memref<!tpu.dma_semaphore, #tpu.memory_space<semaphore_mem>>) attributes {dimension_semantics = [#tpu.dimension_semantics<core_parallel>, #tpu.dimension_semantics<subcore_parallel>], iteration_bounds = array<i64: 2, 16>, scalar_prefetch = 0 : i64, scratch_operands = 7 : i64, tpu.core_type = #tpu.core_type<sc_vector_subcore>, window_params = [{transform_indices = #map}, {transform_indices = #map1}, {transform_indices = #map1}, {transform_indices = #map2}]} {
    %mul3A = arith.constant 632 : i32
    %mul3A_0 = arith.muli %arg1, %mul3A : i32
    %broadcast_in_dim3A = arith.constant 0.000000e+00 : f32
    %broadcast_in_dim3A_1 = vector.broadcast %broadcast_in_dim3A : f32 to vector<16xf32>
    %scan3A = arith.constant 0 : i32
    %scan3A_2 = arith.constant 0 : i32
    %scan3A_3 = arith.constant 8 : i32
    %scan3A_4 = arith.addi %scan3A_2, %scan3A_3 : i32
    %scan3A_5 = arith.constant 1 : i32
    scf.for %scan3A_20 = %scan3A_2 to %scan3A_4 step %scan3A_5  : i32 {
      %swap3A = arith.index_cast %scan3A_20 : i32 to index
      %swap3A_21 = arith.constant 0 : index
      %swap3A_22 = tpu.vector_load %arg8[%swap3A, %swap3A_21] {strides = array<i32>} : memref<128x128xf32, #tpu.memory_space<vmem>>, vector<1x16xf32>,
      %swap3A_23 = vector.shape_cast %swap3A_22 : vector<1x16xf32> to vector<16xf32>
      %swap3A_24 = vector.shape_cast %broadcast_in_dim3A_1 : vector<16xf32> to vector<1x16xf32>
      tpu.vector_store %arg8[%swap3A, %swap3A_21], %swap3A_24 {strides = array<i32>} : memref<128x128xf32, #tpu.memory_space<vmem>>, vector<1x16xf32>,
      %swap3A_25 = arith.index_cast %scan3A_20 : i32 to index
      %swap3A_26 = arith.constant 16 : index
      %swap3A_27 = tpu.vector_load %arg8[%swap3A_25, %swap3A_26] {strides = array<i32>} : memref<128x128xf32, #tpu.memory_space<vmem>>, vector<1x16xf32>,
      %swap3A_28 = vector.shape_cast %swap3A_27 : vector<1x16xf32> to vector<16xf32>
      %swap3A_29 = vector.shape_cast %broadcast_in_dim3A_1 : vector<16xf32> to vector<1x16xf32>
      tpu.vector_store %arg8[%swap3A_25, %swap3A_26], %swap3A_29 {strides = array<i32>} : memref<128x128xf32, #tpu.memory_space<vmem>>, vector<1x16xf32>,
      %swap3A_30 = arith.index_cast %scan3A_20 : i32 to index
      %swap3A_31 = arith.constant 32 : index
      %swap3A_32 = tpu.vector_load %arg8[%swap3A_30, %swap3A_31] {strides = array<i32>} : memref<128x128xf32, #tpu.memory_space<vmem>>, vector<1x16xf32>,
      %swap3A_33 = vector.shape_cast %swap3A_32 : vector<1x16xf32> to vector<16xf32>
      %swap3A_34 = vector.shape_cast %broadcast_in_dim3A_1 : vector<16xf32> to vector<1x16xf32>
      tpu.vector_store %arg8[%swap3A_30, %swap3A_31], %swap3A_34 {strides = array<i32>} : memref<128x128xf32, #tpu.memory_space<vmem>>, vector<1x16xf32>,
      %swap3A_35 = arith.index_cast %scan3A_20 : i32 to index
      %swap3A_36 = arith.constant 48 : index
      %swap3A_37 = tpu.vector_load %arg8[%swap3A_35, %swap3A_36] {strides = array<i32>} : memref<128x128xf32, #tpu.memory_space<vmem>>, vector<1x16xf32>,
      %swap3A_38 = vector.shape_cast %swap3A_37 : vector<1x16xf32> to vector<16xf32>
      %swap3A_39 = vector.shape_cast %broadcast_in_dim3A_1 : vector<16xf32> to vector<1x16xf32>
      tpu.vector_store %arg8[%swap3A_35, %swap3A_36], %swap3A_39 {strides = array<i32>} : memref<128x128xf32, #tpu.memory_space<vmem>>, vector<1x16xf32>,
      %swap3A_40 = arith.index_cast %scan3A_20 : i32 to index
      %swap3A_41 = arith.constant 64 : index
      %swap3A_42 = tpu.vector_load %arg8[%swap3A_40, %swap3A_41] {strides = array<i32>} : memref<128x128xf32, #tpu.memory_space<vmem>>, vector<1x16xf32>,
      %swap3A_43 = vector.shape_cast %swap3A_42 : vector<1x16xf32> to vector<16xf32>
      %swap3A_44 = vector.shape_cast %broadcast_in_dim3A_1 : vector<16xf32> to vector<1x16xf32>
      tpu.vector_store %arg8[%swap3A_40, %swap3A_41], %swap3A_44 {strides = array<i32>} : memref<128x128xf32, #tpu.memory_space<vmem>>, vector<1x16xf32>,
      %swap3A_45 = arith.index_cast %scan3A_20 : i32 to index
      %swap3A_46 = arith.constant 80 : index
      %swap3A_47 = tpu.vector_load %arg8[%swap3A_45, %swap3A_46] {strides = array<i32>} : memref<128x128xf32, #tpu.memory_space<vmem>>, vector<1x16xf32>,
      %swap3A_48 = vector.shape_cast %swap3A_47 : vector<1x16xf32> to vector<16xf32>
      %swap3A_49 = vector.shape_cast %broadcast_in_dim3A_1 : vector<16xf32> to vector<1x16xf32>
      tpu.vector_store %arg8[%swap3A_45, %swap3A_46], %swap3A_49 {strides = array<i32>} : memref<128x128xf32, #tpu.memory_space<vmem>>, vector<1x16xf32>,
      %swap3A_50 = arith.index_cast %scan3A_20 : i32 to index
      %swap3A_51 = arith.constant 96 : index
      %swap3A_52 = tpu.vector_load %arg8[%swap3A_50, %swap3A_51] {strides = array<i32>} : memref<128x128xf32, #tpu.memory_space<vmem>>, vector<1x16xf32>,
      %swap3A_53 = vector.shape_cast %swap3A_52 : vector<1x16xf32> to vector<16xf32>
      %swap3A_54 = vector.shape_cast %broadcast_in_dim3A_1 : vector<16xf32> to vector<1x16xf32>
      tpu.vector_store %arg8[%swap3A_50, %swap3A_51], %swap3A_54 {strides = array<i32>} : memref<128x128xf32, #tpu.memory_space<vmem>>, vector<1x16xf32>,
      %swap3A_55 = arith.index_cast %scan3A_20 : i32 to index
      %swap3A_56 = arith.constant 112 : index
      %swap3A_57 = tpu.vector_load %arg8[%swap3A_55, %swap3A_56] {strides = array<i32>} : memref<128x128xf32, #tpu.memory_space<vmem>>, vector<1x16xf32>,
      %swap3A_58 = vector.shape_cast %swap3A_57 : vector<1x16xf32> to vector<16xf32>
      %swap3A_59 = vector.shape_cast %broadcast_in_dim3A_1 : vector<16xf32> to vector<1x16xf32>
      tpu.vector_store %arg8[%swap3A_55, %swap3A_56], %swap3A_59 {strides = array<i32>} : memref<128x128xf32, #tpu.memory_space<vmem>>, vector<1x16xf32>,
    }
    %scan3A_6 = arith.constant 8 : i32
    %scan3A_7 = arith.constant 0 : i32
    %scan3A_8 = arith.constant 0 : i32
    %scan3A_9 = arith.constant 79 : i32
    %scan3A_10 = arith.addi %scan3A_8, %scan3A_9 : i32
    %scan3A_11 = arith.constant 1 : i32
    scf.for %scan3A_20 = %scan3A_8 to %scan3A_10 step %scan3A_11  : i32 {
      %mul3A_21 = arith.constant 8 : i32
      %mul3A_22 = arith.muli %scan3A_20, %mul3A_21 : i32
      %add3A = arith.addi %mul3A_0, %mul3A_22 : i32
      "tpu.region"() ({
        %run_scoped3A = tpu.sem_alloc : memref<!tpu.dma_semaphore, #tpu.memory_space<semaphore_mem>>
        %dma_start3A = arith.constant 0 : i32
        %dma_start3A_23 = arith.constant 0 : i32
        %dma_start3A_24 = tpu.memref_slice %arg8[%dma_start3A, %dma_start3A_23] : memref<128x128xf32, #tpu.memory_space<vmem>> -> memref<8x128xf32, #tpu.memory_space<vmem>>
        %dma_start3A_25 = arith.constant 0 : i32
        %dma_start3A_26 = tpu.memref_slice %arg10[%add3A, %dma_start3A_25] : memref<10112x128xf32, #tpu.memory_space<vmem_shared>> -> memref<8x128xf32, #tpu.memory_space<vmem_shared>>
        %dma_start3A_27 = arith.constant 0 : i32
        %dma_start3A_28 = tpu.memref_slice %arg10[%add3A, %dma_start3A_27] : memref<10112x128xf32, #tpu.memory_space<vmem_shared>> -> memref<8x128xf32, #tpu.memory_space<vmem_shared>>
        %dma_start3A_29 = arith.constant 0 : i32
        %dma_start3A_30 = arith.constant 0 : i32
        %dma_start3A_31 = tpu.memref_slice %arg8[%dma_start3A_29, %dma_start3A_30] : memref<128x128xf32, #tpu.memory_space<vmem>> -> memref<8x128xf32, #tpu.memory_space<vmem>>
        tpu.enqueue_dma source(%dma_start3A_31 : memref<8x128xf32, #tpu.memory_space<vmem>>) target(%dma_start3A_28 : memref<8x128xf32, #tpu.memory_space<vmem_shared>>) target_semaphore(%run_scoped3A : memref<!tpu.dma_semaphore, #tpu.memory_space<semaphore_mem>>)
        %dma_wait3A = arith.constant 0 : i32
        %dma_wait3A_32 = arith.constant 0 : i32
        %dma_wait3A_33 = tpu.memref_slice %arg8[%dma_wait3A, %dma_wait3A_32] : memref<128x128xf32, #tpu.memory_space<vmem>> -> memref<8x128xf32, #tpu.memory_space<vmem>>
        %dma_wait3A_34 = arith.constant 0 : i32
        %dma_wait3A_35 = tpu.memref_slice %arg10[%add3A, %dma_wait3A_34] : memref<10112x128xf32, #tpu.memory_space<vmem_shared>> -> memref<8x128xf32, #tpu.memory_space<vmem_shared>>
        %dma_wait3A_36 = arith.constant 0 : i32
        %dma_wait3A_37 = tpu.memref_slice %arg10[%add3A, %dma_wait3A_36] : memref<10112x128xf32, #tpu.memory_space<vmem_shared>> -> memref<8x128xf32, #tpu.memory_space<vmem_shared>>
        %dma_wait3A_38 = arith.constant 0 : i32
        %dma_wait3A_39 = arith.constant 0 : i32
        %dma_wait3A_40 = tpu.memref_slice %arg8[%dma_wait3A_38, %dma_wait3A_39] : memref<128x128xf32, #tpu.memory_space<vmem>> -> memref<8x128xf32, #tpu.memory_space<vmem>>
        tpu.wait_dma2 semaphore(%run_scoped3A : memref<!tpu.dma_semaphore, #tpu.memory_space<semaphore_mem>>) src(%dma_wait3A_40 : memref<8x128xf32, #tpu.memory_space<vmem>>) dst(%dma_wait3A_37 : memref<8x128xf32, #tpu.memory_space<vmem_shared>>)
        tpu.yield
      }) : () -> ()
    }
    %scan3A_12 = arith.constant 79 : i32
    %barrier3A = arith.constant 0 : index
    tpu.barrier barrier_id(%barrier3A)
    %scan3A_13 = arith.constant 0 : i32
    %scan3A_14 = arith.constant 0 : i32
    %scan3A_15 = arith.constant 5 : i32
    %scan3A_16 = arith.addi %scan3A_14, %scan3A_15 : i32
    %scan3A_17 = arith.constant 1 : i32
    scf.for %scan3A_20 = %scan3A_14 to %scan3A_16 step %scan3A_17  : i32 {
      %mul3A_21 = arith.constant 16 : i32
      %mul3A_22 = arith.muli %scan3A_20, %mul3A_21 : i32
      "tpu.region"() ({
        %run_scoped3A_58 = tpu.sem_alloc : memref<!tpu.dma_semaphore, #tpu.memory_space<semaphore_mem>>
        %dma_start3A_59 = arith.constant 0 : i32
        %dma_start3A_60 = tpu.memref_slice %arg3[%arg0, %arg1, %mul3A_22, %dma_start3A_59] : memref<2x16x80x128xi32, #tpu.memory_space<hbm>> -> memref<1x1x16x128xi32, #tpu.memory_space<hbm>>
        %dma_start3A_61 = tpu.memref_squeeze %dma_start3A_60 : memref<1x1x16x128xi32, #tpu.memory_space<hbm>> -> memref<16x128xi32, #tpu.memory_space<hbm>>
        %dma_start3A_62 = arith.constant 0 : i32
        %dma_start3A_63 = tpu.memref_slice %arg3[%arg0, %arg1, %mul3A_22, %dma_start3A_62] : memref<2x16x80x128xi32, #tpu.memory_space<hbm>> -> memref<1x1x16x128xi32, #tpu.memory_space<hbm>>
        %dma_start3A_64 = tpu.memref_squeeze %dma_start3A_63 : memref<1x1x16x128xi32, #tpu.memory_space<hbm>> -> memref<16x128xi32, #tpu.memory_space<hbm>>
        tpu.enqueue_dma source(%dma_start3A_64 : memref<16x128xi32, #tpu.memory_space<hbm>>) target(%arg6 : memref<16x128xi32, #tpu.memory_space<vmem>>) target_semaphore(%run_scoped3A_58 : memref<!tpu.dma_semaphore, #tpu.memory_space<semaphore_mem>>)
        %dma_wait3A_65 = arith.constant 0 : i32
        %dma_wait3A_66 = tpu.memref_slice %arg3[%arg0, %arg1, %mul3A_22, %dma_wait3A_65] : memref<2x16x80x128xi32, #tpu.memory_space<hbm>> -> memref<1x1x16x128xi32, #tpu.memory_space<hbm>>
        %dma_wait3A_67 = tpu.memref_squeeze %dma_wait3A_66 : memref<1x1x16x128xi32, #tpu.memory_space<hbm>> -> memref<16x128xi32, #tpu.memory_space<hbm>>
        %dma_wait3A_68 = arith.constant 0 : i32
        %dma_wait3A_69 = tpu.memref_slice %arg3[%arg0, %arg1, %mul3A_22, %dma_wait3A_68] : memref<2x16x80x128xi32, #tpu.memory_space<hbm>> -> memref<1x1x16x128xi32, #tpu.memory_space<hbm>>
        %dma_wait3A_70 = tpu.memref_squeeze %dma_wait3A_69 : memref<1x1x16x128xi32, #tpu.memory_space<hbm>> -> memref<16x128xi32, #tpu.memory_space<hbm>>
        tpu.wait_dma2 semaphore(%run_scoped3A_58 : memref<!tpu.dma_semaphore, #tpu.memory_space<semaphore_mem>>) src(%dma_wait3A_70 : memref<16x128xi32, #tpu.memory_space<hbm>>) dst(%arg6 : memref<16x128xi32, #tpu.memory_space<vmem>>)
        tpu.yield
      }) : () -> ()
      %mul3A_23 = arith.constant 16 : i32
      %mul3A_24 = arith.muli %scan3A_20, %mul3A_23 : i32
      "tpu.region"() ({
        %run_scoped3A_58 = tpu.sem_alloc : memref<!tpu.dma_semaphore, #tpu.memory_space<semaphore_mem>>
        %dma_start3A_59 = arith.constant 0 : i32
        %dma_start3A_60 = tpu.memref_slice %arg4[%arg0, %arg1, %mul3A_24, %dma_start3A_59] : memref<2x16x80x128xi32, #tpu.memory_space<hbm>> -> memref<1x1x16x128xi32, #tpu.memory_space<hbm>>
        %dma_start3A_61 = tpu.memref_squeeze %dma_start3A_60 : memref<1x1x16x128xi32, #tpu.memory_space<hbm>> -> memref<16x128xi32, #tpu.memory_space<hbm>>
        %dma_start3A_62 = arith.constant 0 : i32
        %dma_start3A_63 = tpu.memref_slice %arg4[%arg0, %arg1, %mul3A_24, %dma_start3A_62] : memref<2x16x80x128xi32, #tpu.memory_space<hbm>> -> memref<1x1x16x128xi32, #tpu.memory_space<hbm>>
        %dma_start3A_64 = tpu.memref_squeeze %dma_start3A_63 : memref<1x1x16x128xi32, #tpu.memory_space<hbm>> -> memref<16x128xi32, #tpu.memory_space<hbm>>
        tpu.enqueue_dma source(%dma_start3A_64 : memref<16x128xi32, #tpu.memory_space<hbm>>) target(%arg7 : memref<16x128xi32, #tpu.memory_space<vmem>>) target_semaphore(%run_scoped3A_58 : memref<!tpu.dma_semaphore, #tpu.memory_space<semaphore_mem>>)
        %dma_wait3A_65 = arith.constant 0 : i32
        %dma_wait3A_66 = tpu.memref_slice %arg4[%arg0, %arg1, %mul3A_24, %dma_wait3A_65] : memref<2x16x80x128xi32, #tpu.memory_space<hbm>> -> memref<1x1x16x128xi32, #tpu.memory_space<hbm>>
        %dma_wait3A_67 = tpu.memref_squeeze %dma_wait3A_66 : memref<1x1x16x128xi32, #tpu.memory_space<hbm>> -> memref<16x128xi32, #tpu.memory_space<hbm>>
        %dma_wait3A_68 = arith.constant 0 : i32
        %dma_wait3A_69 = tpu.memref_slice %arg4[%arg0, %arg1, %mul3A_24, %dma_wait3A_68] : memref<2x16x80x128xi32, #tpu.memory_space<hbm>> -> memref<1x1x16x128xi32, #tpu.memory_space<hbm>>
        %dma_wait3A_70 = tpu.memref_squeeze %dma_wait3A_69 : memref<1x1x16x128xi32, #tpu.memory_space<hbm>> -> memref<16x128xi32, #tpu.memory_space<hbm>>
        tpu.wait_dma2 semaphore(%run_scoped3A_58 : memref<!tpu.dma_semaphore, #tpu.memory_space<semaphore_mem>>) src(%dma_wait3A_70 : memref<16x128xi32, #tpu.memory_space<hbm>>) dst(%arg7 : memref<16x128xi32, #tpu.memory_space<vmem>>)
        tpu.yield
      }) : () -> ()
      %dma_start3A = arith.constant 0 : i32
      %dma_start3A_25 = arith.constant 0 : i32
      %dma_start3A_26 = tpu.memref_slice %arg6[%dma_start3A, %dma_start3A_25] : memref<16x128xi32, #tpu.memory_space<vmem>> -> memref<1x128xi32, #tpu.memory_space<vmem>>
      %dma_start3A_27 = tpu.memref_squeeze %dma_start3A_26 : memref<1x128xi32, #tpu.memory_space<vmem>> -> memref<128xi32, #tpu.memory_space<vmem>>
      %dma_start3A_28 = arith.constant 0 : i32
      %dma_start3A_29 = arith.constant 0 : i32
      %dma_start3A_30 = tpu.memref_slice %arg2[%dma_start3A_28, %dma_start3A_29] : memref<10112x128xf32, #tpu.memory_space<hbm>> -> memref<10112x128xf32, #tpu.memory_space<hbm>>
      tpu.enqueue_indirect_dma source(%dma_start3A_30 : memref<10112x128xf32, #tpu.memory_space<hbm>>) target(%arg8 : memref<128x128xf32, #tpu.memory_space<vmem>>) offsets(%dma_start3A_27 : memref<128xi32, #tpu.memory_space<vmem>>) semaphore(%arg11 : memref<!tpu.dma_semaphore, #tpu.memory_space<semaphore_mem>>)
      %scan3A_31 = arith.constant 0 : i32
      %scan3A_32 = arith.constant 0 : i32
      %scan3A_33 = arith.constant 7 : i32
      %scan3A_34 = arith.addi %scan3A_32, %scan3A_33 : i32
      %scan3A_35 = arith.constant 1 : i32
      scf.for %scan3A_58 = %scan3A_32 to %scan3A_34 step %scan3A_35  : i32 {
        %mul3A_59 = arith.constant 2 : i32
        %mul3A_60 = arith.muli %scan3A_58, %mul3A_59 : i32
        %add3A = arith.constant 0 : i32
        %add3A_61 = arith.addi %mul3A_60, %add3A : i32
        %add3A_62 = arith.constant 1 : i32
        %add3A_63 = arith.addi %add3A_61, %add3A_62 : i32
        %dma_start3A_64 = arith.constant 0 : i32
        %dma_start3A_65 = tpu.memref_slice %arg6[%add3A_63, %dma_start3A_64] : memref<16x128xi32, #tpu.memory_space<vmem>> -> memref<1x128xi32, #tpu.memory_space<vmem>>
        %dma_start3A_66 = tpu.memref_squeeze %dma_start3A_65 : memref<1x128xi32, #tpu.memory_space<vmem>> -> memref<128xi32, #tpu.memory_space<vmem>>
        %dma_start3A_67 = arith.constant 0 : i32
        %dma_start3A_68 = arith.constant 0 : i32
        %dma_start3A_69 = tpu.memref_slice %arg2[%dma_start3A_67, %dma_start3A_68] : memref<10112x128xf32, #tpu.memory_space<hbm>> -> memref<10112x128xf32, #tpu.memory_space<hbm>>
        tpu.enqueue_indirect_dma source(%dma_start3A_69 : memref<10112x128xf32, #tpu.memory_space<hbm>>) target(%arg9 : memref<128x128xf32, #tpu.memory_space<vmem>>) offsets(%dma_start3A_66 : memref<128xi32, #tpu.memory_space<vmem>>) semaphore(%arg12 : memref<!tpu.dma_semaphore, #tpu.memory_space<semaphore_mem>>)
        %dma_wait3A_70 = arith.constant 0 : i32
        %dma_wait3A_71 = tpu.memref_slice %arg6[%add3A_61, %dma_wait3A_70] : memref<16x128xi32, #tpu.memory_space<vmem>> -> memref<1x128xi32, #tpu.memory_space<vmem>>
        %dma_wait3A_72 = tpu.memref_squeeze %dma_wait3A_71 : memref<1x128xi32, #tpu.memory_space<vmem>> -> memref<128xi32, #tpu.memory_space<vmem>>
        %dma_wait3A_73 = arith.constant 0 : i32
        %dma_wait3A_74 = arith.constant 0 : i32
        %dma_wait3A_75 = tpu.memref_slice %arg2[%dma_wait3A_73, %dma_wait3A_74] : memref<10112x128xf32, #tpu.memory_space<hbm>> -> memref<10112x128xf32, #tpu.memory_space<hbm>>
        tpu.wait_indirect_dma semaphore(%arg11 : memref<!tpu.dma_semaphore, #tpu.memory_space<semaphore_mem>>) src(%dma_wait3A_75 : memref<10112x128xf32, #tpu.memory_space<hbm>>) dst(%arg8 : memref<128x128xf32, #tpu.memory_space<vmem>>)
        "tpu.region"() ({
          %run_scoped3A_94 = tpu.sem_alloc : memref<!tpu.dma_semaphore, #tpu.memory_space<semaphore_mem>>
          %dma_start3A_95 = arith.constant 0 : i32
          %dma_start3A_96 = tpu.memref_slice %arg7[%add3A_61, %dma_start3A_95] : memref<16x128xi32, #tpu.memory_space<vmem>> -> memref<1x128xi32, #tpu.memory_space<vmem>>
          %dma_start3A_97 = tpu.memref_squeeze %dma_start3A_96 : memref<1x128xi32, #tpu.memory_space<vmem>> -> memref<128xi32, #tpu.memory_space<vmem>>
          %dma_start3A_98 = arith.constant 0 : i32
          %dma_start3A_99 = arith.constant 0 : i32
          %dma_start3A_100 = tpu.memref_slice %arg10[%dma_start3A_98, %dma_start3A_99] : memref<10112x128xf32, #tpu.memory_space<vmem_shared>> -> memref<10112x128xf32, #tpu.memory_space<vmem_shared>>
          tpu.enqueue_indirect_dma source(%arg8 : memref<128x128xf32, #tpu.memory_space<vmem>>) target(%dma_start3A_100 : memref<10112x128xf32, #tpu.memory_space<vmem_shared>>) offsets(%dma_start3A_97 : memref<128xi32, #tpu.memory_space<vmem>>) semaphore(%run_scoped3A_94 : memref<!tpu.dma_semaphore, #tpu.memory_space<semaphore_mem>>) {add = true}
          %dma_wait3A_101 = arith.constant 0 : i32
          %dma_wait3A_102 = tpu.memref_slice %arg7[%add3A_61, %dma_wait3A_101] : memref<16x128xi32, #tpu.memory_space<vmem>> -> memref<1x128xi32, #tpu.memory_space<vmem>>
          %dma_wait3A_103 = tpu.memref_squeeze %dma_wait3A_102 : memref<1x128xi32, #tpu.memory_space<vmem>> -> memref<128xi32, #tpu.memory_space<vmem>>
          %dma_wait3A_104 = arith.constant 0 : i32
          %dma_wait3A_105 = arith.constant 0 : i32
          %dma_wait3A_106 = tpu.memref_slice %arg10[%dma_wait3A_104, %dma_wait3A_105] : memref<10112x128xf32, #tpu.memory_space<vmem_shared>> -> memref<10112x128xf32, #tpu.memory_space<vmem_shared>>
          tpu.wait_indirect_dma semaphore(%run_scoped3A_94 : memref<!tpu.dma_semaphore, #tpu.memory_space<semaphore_mem>>) src(%arg8 : memref<128x128xf32, #tpu.memory_space<vmem>>) dst(%dma_wait3A_106 : memref<10112x128xf32, #tpu.memory_space<vmem_shared>>)
          tpu.yield
        }) : () -> ()
        %mul3A_76 = arith.constant 2 : i32
        %mul3A_77 = arith.muli %scan3A_58, %mul3A_76 : i32
        %add3A_78 = arith.constant 1 : i32
        %add3A_79 = arith.addi %mul3A_77, %add3A_78 : i32
        %add3A_80 = arith.constant 1 : i32
        %add3A_81 = arith.addi %add3A_79, %add3A_80 : i32
        %dma_start3A_82 = arith.constant 0 : i32
        %dma_start3A_83 = tpu.memref_slice %arg6[%add3A_81, %dma_start3A_82] : memref<16x128xi32, #tpu.memory_space<vmem>> -> memref<1x128xi32, #tpu.memory_space<vmem>>
        %dma_start3A_84 = tpu.memref_squeeze %dma_start3A_83 : memref<1x128xi32, #tpu.memory_space<vmem>> -> memref<128xi32, #tpu.memory_space<vmem>>
        %dma_start3A_85 = arith.constant 0 : i32
        %dma_start3A_86 = arith.constant 0 : i32
        %dma_start3A_87 = tpu.memref_slice %arg2[%dma_start3A_85, %dma_start3A_86] : memref<10112x128xf32, #tpu.memory_space<hbm>> -> memref<10112x128xf32, #tpu.memory_space<hbm>>
        tpu.enqueue_indirect_dma source(%dma_start3A_87 : memref<10112x128xf32, #tpu.memory_space<hbm>>) target(%arg8 : memref<128x128xf32, #tpu.memory_space<vmem>>) offsets(%dma_start3A_84 : memref<128xi32, #tpu.memory_space<vmem>>) semaphore(%arg11 : memref<!tpu.dma_semaphore, #tpu.memory_space<semaphore_mem>>)
        %dma_wait3A_88 = arith.constant 0 : i32
        %dma_wait3A_89 = tpu.memref_slice %arg6[%add3A_79, %dma_wait3A_88] : memref<16x128xi32, #tpu.memory_space<vmem>> -> memref<1x128xi32, #tpu.memory_space<vmem>>
        %dma_wait3A_90 = tpu.memref_squeeze %dma_wait3A_89 : memref<1x128xi32, #tpu.memory_space<vmem>> -> memref<128xi32, #tpu.memory_space<vmem>>
        %dma_wait3A_91 = arith.constant 0 : i32
        %dma_wait3A_92 = arith.constant 0 : i32
        %dma_wait3A_93 = tpu.memref_slice %arg2[%dma_wait3A_91, %dma_wait3A_92] : memref<10112x128xf32, #tpu.memory_space<hbm>> -> memref<10112x128xf32, #tpu.memory_space<hbm>>
        tpu.wait_indirect_dma semaphore(%arg12 : memref<!tpu.dma_semaphore, #tpu.memory_space<semaphore_mem>>) src(%dma_wait3A_93 : memref<10112x128xf32, #tpu.memory_space<hbm>>) dst(%arg9 : memref<128x128xf32, #tpu.memory_space<vmem>>)
        "tpu.region"() ({
          %run_scoped3A_94 = tpu.sem_alloc : memref<!tpu.dma_semaphore, #tpu.memory_space<semaphore_mem>>
          %dma_start3A_95 = arith.constant 0 : i32
          %dma_start3A_96 = tpu.memref_slice %arg7[%add3A_79, %dma_start3A_95] : memref<16x128xi32, #tpu.memory_space<vmem>> -> memref<1x128xi32, #tpu.memory_space<vmem>>
          %dma_start3A_97 = tpu.memref_squeeze %dma_start3A_96 : memref<1x128xi32, #tpu.memory_space<vmem>> -> memref<128xi32, #tpu.memory_space<vmem>>
          %dma_start3A_98 = arith.constant 0 : i32
          %dma_start3A_99 = arith.constant 0 : i32
          %dma_start3A_100 = tpu.memref_slice %arg10[%dma_start3A_98, %dma_start3A_99] : memref<10112x128xf32, #tpu.memory_space<vmem_shared>> -> memref<10112x128xf32, #tpu.memory_space<vmem_shared>>
          tpu.enqueue_indirect_dma source(%arg9 : memref<128x128xf32, #tpu.memory_space<vmem>>) target(%dma_start3A_100 : memref<10112x128xf32, #tpu.memory_space<vmem_shared>>) offsets(%dma_start3A_97 : memref<128xi32, #tpu.memory_space<vmem>>) semaphore(%run_scoped3A_94 : memref<!tpu.dma_semaphore, #tpu.memory_space<semaphore_mem>>) {add = true}
          %dma_wait3A_101 = arith.constant 0 : i32
          %dma_wait3A_102 = tpu.memref_slice %arg7[%add3A_79, %dma_wait3A_101] : memref<16x128xi32, #tpu.memory_space<vmem>> -> memref<1x128xi32, #tpu.memory_space<vmem>>
          %dma_wait3A_103 = tpu.memref_squeeze %dma_wait3A_102 : memref<1x128xi32, #tpu.memory_space<vmem>> -> memref<128xi32, #tpu.memory_space<vmem>>
          %dma_wait3A_104 = arith.constant 0 : i32
          %dma_wait3A_105 = arith.constant 0 : i32
          %dma_wait3A_106 = tpu.memref_slice %arg10[%dma_wait3A_104, %dma_wait3A_105] : memref<10112x128xf32, #tpu.memory_space<vmem_shared>> -> memref<10112x128xf32, #tpu.memory_space<vmem_shared>>
          tpu.wait_indirect_dma semaphore(%run_scoped3A_94 : memref<!tpu.dma_semaphore, #tpu.memory_space<semaphore_mem>>) src(%arg9 : memref<128x128xf32, #tpu.memory_space<vmem>>) dst(%dma_wait3A_106 : memref<10112x128xf32, #tpu.memory_space<vmem_shared>>)
          tpu.yield
        }) : () -> ()
      }
      %scan3A_36 = arith.constant 7 : i32
      %dma_start3A_37 = arith.constant 15 : i32
      %dma_start3A_38 = arith.constant 0 : i32
      %dma_start3A_39 = tpu.memref_slice %arg6[%dma_start3A_37, %dma_start3A_38] : memref<16x128xi32, #tpu.memory_space<vmem>> -> memref<1x128xi32, #tpu.memory_space<vmem>>
      %dma_start3A_40 = tpu.memref_squeeze %dma_start3A_39 : memref<1x128xi32, #tpu.memory_space<vmem>> -> memref<128xi32, #tpu.memory_space<vmem>>
      %dma_start3A_41 = arith.constant 0 : i32
      %dma_start3A_42 = arith.constant 0 : i32
      %dma_start3A_43 = tpu.memref_slice %arg2[%dma_start3A_41, %dma_start3A_42] : memref<10112x128xf32, #tpu.memory_space<hbm>> -> memref<10112x128xf32, #tpu.memory_space<hbm>>
      tpu.enqueue_indirect_dma source(%dma_start3A_43 : memref<10112x128xf32, #tpu.memory_space<hbm>>) target(%arg9 : memref<128x128xf32, #tpu.memory_space<vmem>>) offsets(%dma_start3A_40 : memref<128xi32, #tpu.memory_space<vmem>>) semaphore(%arg12 : memref<!tpu.dma_semaphore, #tpu.memory_space<semaphore_mem>>)
      %dma_wait3A = arith.constant 14 : i32
      %dma_wait3A_44 = arith.constant 0 : i32
      %dma_wait3A_45 = tpu.memref_slice %arg6[%dma_wait3A, %dma_wait3A_44] : memref<16x128xi32, #tpu.memory_space<vmem>> -> memref<1x128xi32, #tpu.memory_space<vmem>>
      %dma_wait3A_46 = tpu.memref_squeeze %dma_wait3A_45 : memref<1x128xi32, #tpu.memory_space<vmem>> -> memref<128xi32, #tpu.memory_space<vmem>>
      %dma_wait3A_47 = arith.constant 0 : i32
      %dma_wait3A_48 = arith.constant 0 : i32
      %dma_wait3A_49 = tpu.memref_slice %arg2[%dma_wait3A_47, %dma_wait3A_48] : memref<10112x128xf32, #tpu.memory_space<hbm>> -> memref<10112x128xf32, #tpu.memory_space<hbm>>
      tpu.wait_indirect_dma semaphore(%arg11 : memref<!tpu.dma_semaphore, #tpu.memory_space<semaphore_mem>>) src(%dma_wait3A_49 : memref<10112x128xf32, #tpu.memory_space<hbm>>) dst(%arg8 : memref<128x128xf32, #tpu.memory_space<vmem>>)
      %run_scoped3A = arith.constant 14 : i32
      "tpu.region"() ({
        %run_scoped3A_58 = tpu.sem_alloc : memref<!tpu.dma_semaphore, #tpu.memory_space<semaphore_mem>>
        %dma_start3A_59 = arith.constant 0 : i32
        %dma_start3A_60 = tpu.memref_slice %arg7[%run_scoped3A, %dma_start3A_59] : memref<16x128xi32, #tpu.memory_space<vmem>> -> memref<1x128xi32, #tpu.memory_space<vmem>>
        %dma_start3A_61 = tpu.memref_squeeze %dma_start3A_60 : memref<1x128xi32, #tpu.memory_space<vmem>> -> memref<128xi32, #tpu.memory_space<vmem>>
        %dma_start3A_62 = arith.constant 0 : i32
        %dma_start3A_63 = arith.constant 0 : i32
        %dma_start3A_64 = tpu.memref_slice %arg10[%dma_start3A_62, %dma_start3A_63] : memref<10112x128xf32, #tpu.memory_space<vmem_shared>> -> memref<10112x128xf32, #tpu.memory_space<vmem_shared>>
        tpu.enqueue_indirect_dma source(%arg8 : memref<128x128xf32, #tpu.memory_space<vmem>>) target(%dma_start3A_64 : memref<10112x128xf32, #tpu.memory_space<vmem_shared>>) offsets(%dma_start3A_61 : memref<128xi32, #tpu.memory_space<vmem>>) semaphore(%run_scoped3A_58 : memref<!tpu.dma_semaphore, #tpu.memory_space<semaphore_mem>>) {add = true}
        %dma_wait3A_65 = arith.constant 0 : i32
        %dma_wait3A_66 = tpu.memref_slice %arg7[%run_scoped3A, %dma_wait3A_65] : memref<16x128xi32, #tpu.memory_space<vmem>> -> memref<1x128xi32, #tpu.memory_space<vmem>>
        %dma_wait3A_67 = tpu.memref_squeeze %dma_wait3A_66 : memref<1x128xi32, #tpu.memory_space<vmem>> -> memref<128xi32, #tpu.memory_space<vmem>>
        %dma_wait3A_68 = arith.constant 0 : i32
        %dma_wait3A_69 = arith.constant 0 : i32
        %dma_wait3A_70 = tpu.memref_slice %arg10[%dma_wait3A_68, %dma_wait3A_69] : memref<10112x128xf32, #tpu.memory_space<vmem_shared>> -> memref<10112x128xf32, #tpu.memory_space<vmem_shared>>
        tpu.wait_indirect_dma semaphore(%run_scoped3A_58 : memref<!tpu.dma_semaphore, #tpu.memory_space<semaphore_mem>>) src(%arg8 : memref<128x128xf32, #tpu.memory_space<vmem>>) dst(%dma_wait3A_70 : memref<10112x128xf32, #tpu.memory_space<vmem_shared>>)
        tpu.yield
      }) : () -> ()
      %dma_wait3A_50 = arith.constant 15 : i32
      %dma_wait3A_51 = arith.constant 0 : i32
      %dma_wait3A_52 = tpu.memref_slice %arg6[%dma_wait3A_50, %dma_wait3A_51] : memref<16x128xi32, #tpu.memory_space<vmem>> -> memref<1x128xi32, #tpu.memory_space<vmem>>
      %dma_wait3A_53 = tpu.memref_squeeze %dma_wait3A_52 : memref<1x128xi32, #tpu.memory_space<vmem>> -> memref<128xi32, #tpu.memory_space<vmem>>
      %dma_wait3A_54 = arith.constant 0 : i32
      %dma_wait3A_55 = arith.constant 0 : i32
      %dma_wait3A_56 = tpu.memref_slice %arg2[%dma_wait3A_54, %dma_wait3A_55] : memref<10112x128xf32, #tpu.memory_space<hbm>> -> memref<10112x128xf32, #tpu.memory_space<hbm>>
      tpu.wait_indirect_dma semaphore(%arg12 : memref<!tpu.dma_semaphore, #tpu.memory_space<semaphore_mem>>) src(%dma_wait3A_56 : memref<10112x128xf32, #tpu.memory_space<hbm>>) dst(%arg9 : memref<128x128xf32, #tpu.memory_space<vmem>>)
      %run_scoped3A_57 = arith.constant 15 : i32
      "tpu.region"() ({
        %run_scoped3A_58 = tpu.sem_alloc : memref<!tpu.dma_semaphore, #tpu.memory_space<semaphore_mem>>
        %dma_start3A_59 = arith.constant 0 : i32
        %dma_start3A_60 = tpu.memref_slice %arg7[%run_scoped3A_57, %dma_start3A_59] : memref<16x128xi32, #tpu.memory_space<vmem>> -> memref<1x128xi32, #tpu.memory_space<vmem>>
        %dma_start3A_61 = tpu.memref_squeeze %dma_start3A_60 : memref<1x128xi32, #tpu.memory_space<vmem>> -> memref<128xi32, #tpu.memory_space<vmem>>
        %dma_start3A_62 = arith.constant 0 : i32
        %dma_start3A_63 = arith.constant 0 : i32
        %dma_start3A_64 = tpu.memref_slice %arg10[%dma_start3A_62, %dma_start3A_63] : memref<10112x128xf32, #tpu.memory_space<vmem_shared>> -> memref<10112x128xf32, #tpu.memory_space<vmem_shared>>
        tpu.enqueue_indirect_dma source(%arg9 : memref<128x128xf32, #tpu.memory_space<vmem>>) target(%dma_start3A_64 : memref<10112x128xf32, #tpu.memory_space<vmem_shared>>) offsets(%dma_start3A_61 : memref<128xi32, #tpu.memory_space<vmem>>) semaphore(%run_scoped3A_58 : memref<!tpu.dma_semaphore, #tpu.memory_space<semaphore_mem>>) {add = true}
        %dma_wait3A_65 = arith.constant 0 : i32
        %dma_wait3A_66 = tpu.memref_slice %arg7[%run_scoped3A_57, %dma_wait3A_65] : memref<16x128xi32, #tpu.memory_space<vmem>> -> memref<1x128xi32, #tpu.memory_space<vmem>>
        %dma_wait3A_67 = tpu.memref_squeeze %dma_wait3A_66 : memref<1x128xi32, #tpu.memory_space<vmem>> -> memref<128xi32, #tpu.memory_space<vmem>>
        %dma_wait3A_68 = arith.constant 0 : i32
        %dma_wait3A_69 = arith.constant 0 : i32
        %dma_wait3A_70 = tpu.memref_slice %arg10[%dma_wait3A_68, %dma_wait3A_69] : memref<10112x128xf32, #tpu.memory_space<vmem_shared>> -> memref<10112x128xf32, #tpu.memory_space<vmem_shared>>
        tpu.wait_indirect_dma semaphore(%run_scoped3A_58 : memref<!tpu.dma_semaphore, #tpu.memory_space<semaphore_mem>>) src(%arg9 : memref<128x128xf32, #tpu.memory_space<vmem>>) dst(%dma_wait3A_70 : memref<10112x128xf32, #tpu.memory_space<vmem_shared>>)
        tpu.yield
      }) : () -> ()
    }
    %scan3A_18 = arith.constant 5 : i32
    %barrier3A_19 = arith.constant 0 : index
    tpu.barrier barrier_id(%barrier3A_19)
    "tpu.region"() ({
      %run_scoped3A = tpu.sem_alloc : memref<!tpu.dma_semaphore, #tpu.memory_space<semaphore_mem>>
      %dma_start3A = arith.constant 0 : i32
      %dma_start3A_20 = tpu.memref_slice %arg5[%arg0, %mul3A_0, %dma_start3A] : memref<2x10112x128xf32, #tpu.memory_space<hbm>> -> memref<1x632x128xf32, #tpu.memory_space<hbm>>
      %dma_start3A_21 = tpu.memref_squeeze %dma_start3A_20 : memref<1x632x128xf32, #tpu.memory_space<hbm>> -> memref<632x128xf32, #tpu.memory_space<hbm>>
      %dma_start3A_22 = arith.constant 0 : i32
      %dma_start3A_23 = tpu.memref_slice %arg10[%mul3A_0, %dma_start3A_22] : memref<10112x128xf32, #tpu.memory_space<vmem_shared>> -> memref<632x128xf32, #tpu.memory_space<vmem_shared>>
      tpu.enqueue_dma source(%dma_start3A_23 : memref<632x128xf32, #tpu.memory_space<vmem_shared>>) target(%dma_start3A_21 : memref<632x128xf32, #tpu.memory_space<hbm>>) target_semaphore(%run_scoped3A : memref<!tpu.dma_semaphore, #tpu.memory_space<semaphore_mem>>)
      %dma_wait3A = arith.constant 0 : i32
      %dma_wait3A_24 = tpu.memref_slice %arg5[%arg0, %mul3A_0, %dma_wait3A] : memref<2x10112x128xf32, #tpu.memory_space<hbm>> -> memref<1x632x128xf32, #tpu.memory_space<hbm>>
      %dma_wait3A_25 = tpu.memref_squeeze %dma_wait3A_24 : memref<1x632x128xf32, #tpu.memory_space<hbm>> -> memref<632x128xf32, #tpu.memory_space<hbm>>
      %dma_wait3A_26 = arith.constant 0 : i32
      %dma_wait3A_27 = tpu.memref_slice %arg10[%mul3A_0, %dma_wait3A_26] : memref<10112x128xf32, #tpu.memory_space<vmem_shared>> -> memref<632x128xf32, #tpu.memory_space<vmem_shared>>
      tpu.wait_dma2 semaphore(%run_scoped3A : memref<!tpu.dma_semaphore, #tpu.memory_space<semaphore_mem>>) src(%dma_wait3A_27 : memref<632x128xf32, #tpu.memory_space<vmem_shared>>) dst(%dma_wait3A_25 : memref<632x128xf32, #tpu.memory_space<hbm>>)
      tpu.yield
    }) : () -> ()
    return
  }
}

module attributes {stable_mosaic.version = 14 : i64} {
  func.func @_tc1_body(%arg0: i32, %arg1: memref<128x128xf32, #tpu.memory_space<vmem>>, %arg2: memref<2x128x128xf32, #tpu.memory_space<vmem>>, %arg3: memref<2x16x128xf32, #tpu.memory_space<vmem>>, %arg4: memref<128x128xf32, #tpu.memory_space<vmem>>, %arg5: memref<128x128xf32, #tpu.memory_space<vmem>>, %arg6: memref<128x128xf32, #tpu.memory_space<vmem>>) attributes {dimension_semantics = [#tpu.dimension_semantics<arbitrary>], iteration_bounds = array<i64: 79>, scalar_prefetch = 0 : i64, scratch_operands = 0 : i64, tpu.core_type = #tpu.core_type<tc>, window_params = [{transform_indices = @transform_0, window_bounds = array<i64: 128, 128>}, {transform_indices = @transform_1, window_bounds = array<i64: 2, 128, 128>}, {transform_indices = @transform_2, window_bounds = array<i64: 2, 16, 128>}, {pipeline_mode = #tpu.pipeline_mode<synchronous>, transform_indices = @transform_3, window_bounds = array<i64: 128, 128>}, {pipeline_mode = #tpu.pipeline_mode<synchronous>, transform_indices = @transform_4, window_bounds = array<i64: 128, 128>}, {transform_indices = @transform_5, window_bounds = array<i64: 128, 128>}]} {
    %get3A = arith.constant 0 : index
    %get3A_0 = arith.constant 0 : index
    %get3A_1 = arith.constant 0 : index
    %get3A_2 = vector.load %arg3[%get3A, %get3A_0, %get3A_1] : memref<2x16x128xf32, #tpu.memory_space<vmem>>, vector<2x16x128xf32>
    %reduce_sum3A = arith.constant dense<0.000000e+00> : vector<128xf32>
    %reduce_sum3A_3 = vector.multi_reduction <add>, %get3A_2, %reduce_sum3A [0, 1] : vector<2x16x128xf32> to vector<128xf32>
    %broadcast_in_dim3A = vector.shape_cast %reduce_sum3A_3 : vector<128xf32> to vector<128x1xf32>
    %get3A_4 = arith.constant 0 : index
    %get3A_5 = arith.constant 0 : index
    %get3A_6 = arith.constant 0 : index
    %get3A_7 = vector.load %arg2[%get3A_4, %get3A_5, %get3A_6] : memref<2x128x128xf32, #tpu.memory_space<vmem>>, vector<1x128x128xf32>
    %get3A_8 = vector.shape_cast %get3A_7 : vector<1x128x128xf32> to vector<128x128xf32>
    %get3A_9 = arith.constant 1 : index
    %get3A_10 = arith.constant 0 : index
    %get3A_11 = arith.constant 0 : index
    %get3A_12 = vector.load %arg2[%get3A_9, %get3A_10, %get3A_11] : memref<2x128x128xf32, #tpu.memory_space<vmem>>, vector<1x128x128xf32>
    %get3A_13 = vector.shape_cast %get3A_12 : vector<1x128x128xf32> to vector<128x128xf32>
    %add3A = arith.addf %get3A_8, %get3A_13 : vector<128x128xf32>
    %max3A = arith.constant 1.000000e+00 : f32
    %max3A_14 = vector.broadcast %max3A : f32 to vector<128x1xf32>
    %max3A_15 = arith.maximumf %broadcast_in_dim3A, %max3A_14 : vector<128x1xf32>
    %div3A = vector.broadcast %max3A_15 : vector<128x1xf32> to vector<128x128xf32>
    %div3A_16 = arith.divf %add3A, %div3A : vector<128x128xf32>
    %get3A_17 = arith.constant 0 : index
    %get3A_18 = arith.constant 0 : index
    %get3A_19 = vector.load %arg1[%get3A_17, %get3A_18] : memref<128x128xf32, #tpu.memory_space<vmem>>, vector<128x128xf32>
    %get3A_20 = arith.constant 0 : index
    %get3A_21 = arith.constant 0 : index
    %get3A_22 = vector.load %arg4[%get3A_20, %get3A_21] : memref<128x128xf32, #tpu.memory_space<vmem>>, vector<128x128xf32>
    %dot_general3A = arith.constant dense<0.000000e+00> : vector<128x128xf32>
    %dot_general3A_23 = tpu.matmul %get3A_19, %get3A_22, %dot_general3A {dimension_numbers = #tpu.dot_dimension_numbers<[1], [1], [0], [0], [0, 0, 1, 0], [], []>, transpose_lhs_hint = false} : vector<128x128xf32>, vector<128x128xf32>, vector<128x128xf32> -> vector<128x128xf32>
    %get3A_24 = arith.constant 0 : index
    %get3A_25 = arith.constant 0 : index
    %get3A_26 = vector.load %arg5[%get3A_24, %get3A_25] : memref<128x128xf32, #tpu.memory_space<vmem>>, vector<128x128xf32>
    %dot_general3A_27 = arith.constant dense<0.000000e+00> : vector<128x128xf32>
    %dot_general3A_28 = tpu.matmul %div3A_16, %get3A_26, %dot_general3A_27 {dimension_numbers = #tpu.dot_dimension_numbers<[1], [1], [0], [0], [0, 0, 1, 0], [], []>, transpose_lhs_hint = false} : vector<128x128xf32>, vector<128x128xf32>, vector<128x128xf32> -> vector<128x128xf32>
    %add3A_29 = arith.addf %dot_general3A_23, %dot_general3A_28 : vector<128x128xf32>
    %mul3A = arith.mulf %add3A_29, %add3A_29 : vector<128x128xf32>
    %reduce_sum3A_30 = arith.constant dense<0.000000e+00> : vector<128xf32>
    %reduce_sum3A_31 = vector.multi_reduction <add>, %mul3A, %reduce_sum3A_30 [1] : vector<128x128xf32> to vector<128xf32>
    %broadcast_in_dim3A_32 = vector.shape_cast %reduce_sum3A_31 : vector<128xf32> to vector<128x1xf32>
    %sqrt3A = math.sqrt %broadcast_in_dim3A_32 : vector<128x1xf32>
    %max3A_33 = arith.constant 9.99999996E-13 : f32
    %max3A_34 = vector.broadcast %max3A_33 : f32 to vector<128x1xf32>
    %max3A_35 = arith.maximumf %sqrt3A, %max3A_34 : vector<128x1xf32>
    %div3A_36 = vector.broadcast %max3A_35 : vector<128x1xf32> to vector<128x128xf32>
    %div3A_37 = arith.divf %add3A_29, %div3A_36 : vector<128x128xf32>
    %max3A_38 = arith.constant 0.000000e+00 : f32
    %max3A_39 = vector.broadcast %max3A_38 : f32 to vector<128x128xf32>
    %max3A_40 = arith.maximumf %div3A_37, %max3A_39 : vector<128x128xf32>
    %swap3A = arith.constant 0 : index
    %swap3A_41 = arith.constant 0 : index
    %swap3A_42 = vector.load %arg6[%swap3A, %swap3A_41] : memref<128x128xf32, #tpu.memory_space<vmem>>, vector<128x128xf32>
    tpu.vector_store %arg6[%swap3A, %swap3A_41], %max3A_40 {strides = array<i32>} : memref<128x128xf32, #tpu.memory_space<vmem>>, vector<128x128xf32>,
    return
  }
  func.func @transform_0(%arg0: i32) -> (i32, i32) {
    %c0_i32 = arith.constant 0 : i32
    %c0_i32_0 = arith.constant 0 : i32
    return %arg0, %c0_i32 : i32, i32
  }
  func.func @transform_1(%arg0: i32) -> (i32, i32, i32) {
    %c0_i32 = arith.constant 0 : i32
    %c0_i32_0 = arith.constant 0 : i32
    %c0_i32_1 = arith.constant 0 : i32
    return %c0_i32, %arg0, %c0_i32_0 : i32, i32, i32
  }
  func.func @transform_2(%arg0: i32) -> (i32, i32, i32) {
    %c0_i32 = arith.constant 0 : i32
    %c0_i32_0 = arith.constant 0 : i32
    %c0_i32_1 = arith.constant 0 : i32
    return %c0_i32, %c0_i32_0, %arg0 : i32, i32, i32
  }
  func.func @transform_3(%arg0: i32) -> (i32, i32) {
    %c0_i32 = arith.constant 0 : i32
    %c0_i32_0 = arith.constant 0 : i32
    %c0_i32_1 = arith.constant 0 : i32
    return %c0_i32, %c0_i32_0 : i32, i32
  }
  func.func @transform_4(%arg0: i32) -> (i32, i32) {
    %c0_i32 = arith.constant 0 : i32
    %c0_i32_0 = arith.constant 0 : i32
    %c0_i32_1 = arith.constant 0 : i32
    return %c0_i32, %c0_i32_0 : i32, i32
  }
  func.func @transform_5(%arg0: i32) -> (i32, i32) {
    %c0_i32 = arith.constant 0 : i32
    %c0_i32_0 = arith.constant 0 : i32
    return %arg0, %c0_i32 : i32, i32
  }
}

module attributes {stable_mosaic.version = 14 : i64} {
  func.func @_tc2_body(%arg0: i32, %arg1: memref<128x128xf32, #tpu.memory_space<vmem>>, %arg2: memref<2x128x128xf32, #tpu.memory_space<vmem>>, %arg3: memref<2x16x128xf32, #tpu.memory_space<vmem>>, %arg4: memref<128x128xf32, #tpu.memory_space<vmem>>, %arg5: memref<128x128xf32, #tpu.memory_space<vmem>>, %arg6: memref<128x128xf32, #tpu.memory_space<vmem>>, %arg7: memref<1x128xf32, #tpu.memory_space<vmem>>, %arg8: memref<128x128xf32, #tpu.memory_space<vmem>>, %arg9: memref<1x128xf32, #tpu.memory_space<vmem>>, %arg10: memref<128x128xf32, #tpu.memory_space<vmem>>) attributes {dimension_semantics = [#tpu.dimension_semantics<arbitrary>], iteration_bounds = array<i64: 79>, scalar_prefetch = 0 : i64, scratch_operands = 0 : i64, tpu.core_type = #tpu.core_type<tc>, window_params = [{transform_indices = @transform_0, window_bounds = array<i64: 128, 128>}, {transform_indices = @transform_1, window_bounds = array<i64: 2, 128, 128>}, {transform_indices = @transform_2, window_bounds = array<i64: 2, 16, 128>}, {pipeline_mode = #tpu.pipeline_mode<synchronous>, transform_indices = @transform_3, window_bounds = array<i64: 128, 128>}, {pipeline_mode = #tpu.pipeline_mode<synchronous>, transform_indices = @transform_4, window_bounds = array<i64: 128, 128>}, {pipeline_mode = #tpu.pipeline_mode<synchronous>, transform_indices = @transform_5, window_bounds = array<i64: 128, 128>}, {pipeline_mode = #tpu.pipeline_mode<synchronous>, transform_indices = @transform_6, window_bounds = array<i64: 1, 128>}, {pipeline_mode = #tpu.pipeline_mode<synchronous>, transform_indices = @transform_7, window_bounds = array<i64: 128, 128>}, {pipeline_mode = #tpu.pipeline_mode<synchronous>, transform_indices = @transform_8, window_bounds = array<i64: 1, 128>}, {transform_indices = @transform_9, window_bounds = array<i64: 128, 128>}]} {
    %get3A = arith.constant 0 : index
    %get3A_0 = arith.constant 0 : index
    %get3A_1 = arith.constant 0 : index
    %get3A_2 = vector.load %arg3[%get3A, %get3A_0, %get3A_1] : memref<2x16x128xf32, #tpu.memory_space<vmem>>, vector<2x16x128xf32>
    %reduce_sum3A = arith.constant dense<0.000000e+00> : vector<128xf32>
    %reduce_sum3A_3 = vector.multi_reduction <add>, %get3A_2, %reduce_sum3A [0, 1] : vector<2x16x128xf32> to vector<128xf32>
    %broadcast_in_dim3A = vector.shape_cast %reduce_sum3A_3 : vector<128xf32> to vector<128x1xf32>
    %get3A_4 = arith.constant 0 : index
    %get3A_5 = arith.constant 0 : index
    %get3A_6 = arith.constant 0 : index
    %get3A_7 = vector.load %arg2[%get3A_4, %get3A_5, %get3A_6] : memref<2x128x128xf32, #tpu.memory_space<vmem>>, vector<1x128x128xf32>
    %get3A_8 = vector.shape_cast %get3A_7 : vector<1x128x128xf32> to vector<128x128xf32>
    %get3A_9 = arith.constant 1 : index
    %get3A_10 = arith.constant 0 : index
    %get3A_11 = arith.constant 0 : index
    %get3A_12 = vector.load %arg2[%get3A_9, %get3A_10, %get3A_11] : memref<2x128x128xf32, #tpu.memory_space<vmem>>, vector<1x128x128xf32>
    %get3A_13 = vector.shape_cast %get3A_12 : vector<1x128x128xf32> to vector<128x128xf32>
    %add3A = arith.addf %get3A_8, %get3A_13 : vector<128x128xf32>
    %max3A = arith.constant 1.000000e+00 : f32
    %max3A_14 = vector.broadcast %max3A : f32 to vector<128x1xf32>
    %max3A_15 = arith.maximumf %broadcast_in_dim3A, %max3A_14 : vector<128x1xf32>
    %div3A = vector.broadcast %max3A_15 : vector<128x1xf32> to vector<128x128xf32>
    %div3A_16 = arith.divf %add3A, %div3A : vector<128x128xf32>
    %get3A_17 = arith.constant 0 : index
    %get3A_18 = arith.constant 0 : index
    %get3A_19 = vector.load %arg1[%get3A_17, %get3A_18] : memref<128x128xf32, #tpu.memory_space<vmem>>, vector<128x128xf32>
    %get3A_20 = arith.constant 0 : index
    %get3A_21 = arith.constant 0 : index
    %get3A_22 = vector.load %arg4[%get3A_20, %get3A_21] : memref<128x128xf32, #tpu.memory_space<vmem>>, vector<128x128xf32>
    %dot_general3A = arith.constant dense<0.000000e+00> : vector<128x128xf32>
    %dot_general3A_23 = tpu.matmul %get3A_19, %get3A_22, %dot_general3A {dimension_numbers = #tpu.dot_dimension_numbers<[1], [1], [0], [0], [0, 0, 1, 0], [], []>, transpose_lhs_hint = false} : vector<128x128xf32>, vector<128x128xf32>, vector<128x128xf32> -> vector<128x128xf32>
    %get3A_24 = arith.constant 0 : index
    %get3A_25 = arith.constant 0 : index
    %get3A_26 = vector.load %arg5[%get3A_24, %get3A_25] : memref<128x128xf32, #tpu.memory_space<vmem>>, vector<128x128xf32>
    %dot_general3A_27 = arith.constant dense<0.000000e+00> : vector<128x128xf32>
    %dot_general3A_28 = tpu.matmul %div3A_16, %get3A_26, %dot_general3A_27 {dimension_numbers = #tpu.dot_dimension_numbers<[1], [1], [0], [0], [0, 0, 1, 0], [], []>, transpose_lhs_hint = false} : vector<128x128xf32>, vector<128x128xf32>, vector<128x128xf32> -> vector<128x128xf32>
    %add3A_29 = arith.addf %dot_general3A_23, %dot_general3A_28 : vector<128x128xf32>
    %mul3A = arith.mulf %add3A_29, %add3A_29 : vector<128x128xf32>
    %reduce_sum3A_30 = arith.constant dense<0.000000e+00> : vector<128xf32>
    %reduce_sum3A_31 = vector.multi_reduction <add>, %mul3A, %reduce_sum3A_30 [1] : vector<128x128xf32> to vector<128xf32>
    %broadcast_in_dim3A_32 = vector.shape_cast %reduce_sum3A_31 : vector<128xf32> to vector<128x1xf32>
    %sqrt3A = math.sqrt %broadcast_in_dim3A_32 : vector<128x1xf32>
    %max3A_33 = arith.constant 9.99999996E-13 : f32
    %max3A_34 = vector.broadcast %max3A_33 : f32 to vector<128x1xf32>
    %max3A_35 = arith.maximumf %sqrt3A, %max3A_34 : vector<128x1xf32>
    %div3A_36 = vector.broadcast %max3A_35 : vector<128x1xf32> to vector<128x128xf32>
    %div3A_37 = arith.divf %add3A_29, %div3A_36 : vector<128x128xf32>
    %max3A_38 = arith.constant 0.000000e+00 : f32
    %max3A_39 = vector.broadcast %max3A_38 : f32 to vector<128x128xf32>
    %max3A_40 = arith.maximumf %div3A_37, %max3A_39 : vector<128x128xf32>
    %get3A_41 = arith.constant 0 : index
    %get3A_42 = arith.constant 0 : index
    %get3A_43 = vector.load %arg6[%get3A_41, %get3A_42] : memref<128x128xf32, #tpu.memory_space<vmem>>, vector<128x128xf32>
    %dot_general3A_44 = arith.constant dense<0.000000e+00> : vector<128x128xf32>
    %dot_general3A_45 = tpu.matmul %max3A_40, %get3A_43, %dot_general3A_44 {dimension_numbers = #tpu.dot_dimension_numbers<[1], [1], [0], [0], [0, 0, 1, 0], [], []>, transpose_lhs_hint = false} : vector<128x128xf32>, vector<128x128xf32>, vector<128x128xf32> -> vector<128x128xf32>
    %get3A_46 = arith.constant 0 : index
    %get3A_47 = arith.constant 0 : index
    %get3A_48 = vector.load %arg7[%get3A_46, %get3A_47] : memref<1x128xf32, #tpu.memory_space<vmem>>, vector<1x128xf32>
    %add3A_49 = vector.broadcast %get3A_48 : vector<1x128xf32> to vector<128x128xf32>
    %add3A_50 = arith.addf %dot_general3A_45, %add3A_49 : vector<128x128xf32>
    %get3A_51 = arith.constant 0 : index
    %get3A_52 = arith.constant 0 : index
    %get3A_53 = vector.load %arg8[%get3A_51, %get3A_52] : memref<128x128xf32, #tpu.memory_space<vmem>>, vector<128x128xf32>
    %dot_general3A_54 = arith.constant dense<0.000000e+00> : vector<128x128xf32>
    %dot_general3A_55 = tpu.matmul %add3A_50, %get3A_53, %dot_general3A_54 {dimension_numbers = #tpu.dot_dimension_numbers<[1], [1], [0], [0], [0, 0, 1, 0], [], []>, transpose_lhs_hint = false} : vector<128x128xf32>, vector<128x128xf32>, vector<128x128xf32> -> vector<128x128xf32>
    %get3A_56 = arith.constant 0 : index
    %get3A_57 = arith.constant 0 : index
    %get3A_58 = vector.load %arg9[%get3A_56, %get3A_57] : memref<1x128xf32, #tpu.memory_space<vmem>>, vector<1x128xf32>
    %add3A_59 = vector.broadcast %get3A_58 : vector<1x128xf32> to vector<128x128xf32>
    %add3A_60 = arith.addf %dot_general3A_55, %add3A_59 : vector<128x128xf32>
    %swap3A = arith.constant 0 : index
    %swap3A_61 = arith.constant 0 : index
    %swap3A_62 = vector.load %arg10[%swap3A, %swap3A_61] : memref<128x128xf32, #tpu.memory_space<vmem>>, vector<128x128xf32>
    tpu.vector_store %arg10[%swap3A, %swap3A_61], %add3A_60 {strides = array<i32>} : memref<128x128xf32, #tpu.memory_space<vmem>>, vector<128x128xf32>,
    return
  }
  func.func @transform_0(%arg0: i32) -> (i32, i32) {
    %c0_i32 = arith.constant 0 : i32
    %c0_i32_0 = arith.constant 0 : i32
    return %arg0, %c0_i32 : i32, i32
  }
  func.func @transform_1(%arg0: i32) -> (i32, i32, i32) {
    %c0_i32 = arith.constant 0 : i32
    %c0_i32_0 = arith.constant 0 : i32
    %c0_i32_1 = arith.constant 0 : i32
    return %c0_i32, %arg0, %c0_i32_0 : i32, i32, i32
  }
  func.func @transform_2(%arg0: i32) -> (i32, i32, i32) {
    %c0_i32 = arith.constant 0 : i32
    %c0_i32_0 = arith.constant 0 : i32
    %c0_i32_1 = arith.constant 0 : i32
    return %c0_i32, %c0_i32_0, %arg0 : i32, i32, i32
  }
  func.func @transform_3(%arg0: i32) -> (i32, i32) {
    %c0_i32 = arith.constant 0 : i32
    %c0_i32_0 = arith.constant 0 : i32
    %c0_i32_1 = arith.constant 0 : i32
    return %c0_i32, %c0_i32_0 : i32, i32
  }
  func.func @transform_4(%arg0: i32) -> (i32, i32) {
    %c0_i32 = arith.constant 0 : i32
    %c0_i32_0 = arith.constant 0 : i32
    %c0_i32_1 = arith.constant 0 : i32
    return %c0_i32, %c0_i32_0 : i32, i32
  }
  func.func @transform_5(%arg0: i32) -> (i32, i32) {
    %c0_i32 = arith.constant 0 : i32
    %c0_i32_0 = arith.constant 0 : i32
    %c0_i32_1 = arith.constant 0 : i32
    return %c0_i32, %c0_i32_0 : i32, i32
  }
  func.func @transform_6(%arg0: i32) -> (i32, i32) {
    %c0_i32 = arith.constant 0 : i32
    %c0_i32_0 = arith.constant 0 : i32
    %c0_i32_1 = arith.constant 0 : i32
    return %c0_i32, %c0_i32_0 : i32, i32
  }
  func.func @transform_7(%arg0: i32) -> (i32, i32) {
    %c0_i32 = arith.constant 0 : i32
    %c0_i32_0 = arith.constant 0 : i32
    %c0_i32_1 = arith.constant 0 : i32
    return %c0_i32, %c0_i32_0 : i32, i32
  }
  func.func @transform_8(%arg0: i32) -> (i32, i32) {
    %c0_i32 = arith.constant 0 : i32
    %c0_i32_0 = arith.constant 0 : i32
    %c0_i32_1 = arith.constant 0 : i32
    return %c0_i32, %c0_i32_0 : i32, i32
  }
  func.func @transform_9(%arg0: i32) -> (i32, i32) {
    %c0_i32 = arith.constant 0 : i32
    %c0_i32_0 = arith.constant 0 : i32
    return %arg0, %c0_i32 : i32, i32
  }
}

</mosaic_0001>

<sc_bundles>
// kernel: kernel.10.cloned.1.call-start
scs
__scs_entry_jumppad:
0x0: {  	(pc) =	sbr.rel $0x88, $3  }
0x1: {  	(tag) =	ssettag $0x0;
	lr =	simm.s32 $0x1  }
0x2: {  	[smem:$0x3F97] =	sst lr;
	_ =	strace $0xD0000000  }
0x3: {  	_ = 	snop  }
0x4: {  	_ = 	snop  }
0x5: {  	_ = 	snop  }
0x6: {  	_ = 	snop  }
0x7: {  	_ = 	snop  }
__scs_overlays_trampoline_lowered:
0x8: {  	[smem:$0x3FA6] =	sst s0  }
0x9: {  	[smem:$0x3FA7] =	sst s1  }
0xa: {  	[smem:$0x3FA8] =	sst s2  }
0xb: {  	[smem:$0x3FA9] =	sst s3  }
0xc: {  	[smem:$0x3FAA] =	sst s4  }
0xd: {  	[smem:$0x3FAB] =	sst s5  }
0xe: {  	[smem:$0x3FAC] =	sst s6  }
0xf: {  	[smem:$0x3FAD] =	sst s7  }
0x10: {  	[smem:$0x3FAE] =	sst s8  }
0x11: {  	[smem:$0x3FAF] =	sst s9;
	s0 =	simm.s32 @!p0 $0x0  }
0x12: {  	s1 =	sld [smem:$0x3F95];
	s0 =	simm.s32 @p0 $0x1  }
0x13: {  	[smem:$0x3FB0] =	sst s0;
	s0 =	simm.s32 @!p1 $0x0  }
0x14: {  	s2 =	sld [smem:$0x3F94];
	s0 =	simm.s32 @p1 $0x1  }
0x15: {  	[smem:$0x3FB1] =	sst s0;
	s0 =	simm.s32 @!p2 $0x0  }
0x16: {  	s3 =	sld [smem:$0x3FDB];
	s0 =	simm.s32 @p2 $0x1  }
0x17: {  	s4 =	simm.s32 $0x1BF5;
	[smem:$0x3FB3] =	sst s0  }
0x18: {  	s0 =	sld [smem:$0x3F96];
	_ =	swait.ge [sflag:s4], $0x0  }
0x19: {  	s7 =	sld [smem:$0x3F97]  }
0x1a: {  	s8 =	sadd.s32 $0xFFFFE003, lr  }
0x1b: {  	s9 =	sadd.s32 $0xFFFFFEF7, lr;
	s5 =	simm.s32 $0xFFFFFFFF;
	p2 =	slt.u32 s8, $0xFFFFF086  }
0x1c: {  	p1 =	slt.u32 s9, $0xF7A;
	s5 =	simm.s32 @!p2 $0x0  }
0x1d: {  	s5 =	simm.s32 @p1 $0x1;
	p0 =	seq.s32 s7, s2  }
0x1e: {  	s7 =	smul.u32 @!p0 $0xF7A, s2;
	p2 =	seq.s32 @!p0 s5, $0x0  }
0x1f: {  	s9 =	smul.u32 $0xF7A, s1;
	s8 =	simm.s32 @!p0 $0x1BF5;
	p2 =	por !p2, p0  }
0x20: {  	[sflag:s8] =	ssyncset.s32 @!p0 $0xFFFFF086;
	s6 =	sadd.s32 @!p0 s3, s7;
	s7 =	simm.s32 @!p0 $0x108  }
0x21: {  	s3 =	sadd.s32 s3, s9;
	s6 =	sadd.s32 @!p0 $0x88, s6;
	s7 =	simm.s32 @p2 $0x1082  }
0x22: {  	[simem:s7], [sflag:s8] =	dma.local @!p0 [hbm:s6], $0xF7A  }
0x23: {  	s9 =	sor.u32 $0xD0000000, s2;
	s6 =	simm.s32 $0x108;
	_ =	swait.ge @!p0 [sflag:s8], $0x0  }
0x24: {  	s3 =	sadd.s32 $0x88, s3;
	s6 =	simm.s32 @!p1 $0x1082;
	[sflag:s4] =	ssyncset.s32 $0xFFFFF086  }
0x25: {  	[simem:s6], [sflag:s4] =	dma.local [hbm:s3], $0xF7A  }
0x26: {  	[smem:$0x3F97] =	sst s1;
	(tag) =	ssettag s2;
	_ =	strace s9  }
0x27: {  	s1 =	sld [smem:$0x3FA7]  }
0x28: {  	s2 =	sld [smem:$0x3FA8]  }
0x29: {  	s4 =	sld [smem:$0x3FAA]  }
0x2a: {  	p0 =	seq.s32 s5, $0x0;
	s5 =	sld [smem:$0x3FAB]  }
0x2b: {  	s6 =	sld [smem:$0x3FAC]  }
0x2c: {  	s7 =	sld [smem:$0x3FAD]  }
0x2d: {  	s3 =	simm.s32 $0x108;
	s8 =	sld [smem:$0x3FAE]  }
0x2e: {  	s3 =	simm.s32 @!p0 $0x1082;
	s9 =	sld [smem:$0x3FAF]  }
0x2f: {  	lr =	sadd.s32 s0, s3;
	s0 =	sld [smem:$0x3FA6]  }
0x30: {  	s3 =	sld [smem:$0x3FA9]  }
0x31: {  	[smem:$0x3FB2] =	sst s10  }
0x32: {  	s10 =	sld [smem:$0x3FB0];
	_ =	sdelay $0x3  }
0x33: {  	p0 =	seq.s32 s10, $0x1;
	s10 =	sld [smem:$0x3FB2];
	_ =	sdelay $0x3  }
0x34: {  	[smem:$0x3FB2] =	sst s10  }
0x35: {  	s10 =	sld [smem:$0x3FB1];
	_ =	sdelay $0x3  }
0x36: {  	p1 =	seq.s32 s10, $0x1;
	s10 =	sld [smem:$0x3FB2];
	_ =	sdelay $0x3  }
0x37: {  	[smem:$0x3FB2] =	sst s10  }
0x38: {  	s10 =	sld [smem:$0x3FB3]  }
0x39: {  	_ = 	snop;
	(pc) =	sbr.ind lr, $3  }
0x3a: {  	_ = 	snop  }
0x3b: {  	_ = 	snop  }
0x3c: {  	p2 =	seq.s32 s10, $0x1;
	s10 =	sld [smem:$0x3FB2]  }
0x3d: {  	_ =	shalt  }
0x3e: {  	_ =	shalt  }
0x3f: {  	_ =	shalt  }
0x40: {  	_ =	shalt  }
0x41: {  	_ =	shalt  }
0x42: {  	_ =	shalt  }
0x43: {  	_ =	shalt  }
0x44: {  	_ =	shalt  }
0x45: {  	_ =	shalt  }
0x46: {  	_ =	shalt  }
0x47: {  	_ =	shalt  }
0x48: {  	_ =	shalt  }
0x49: {  	_ =	shalt  }
0x4a: {  	_ =	shalt  }
0x4b: {  	_ =	shalt  }
0x4c: {  	_ =	shalt  }
0x4d: {  	_ =	shalt  }
0x4e: {  	_ =	shalt  }
0x4f: {  	_ =	shalt  }
0x50: {  	_ =	shalt  }
0x51: {  	_ =	shalt  }
0x52: {  	_ =	shalt  }
0x53: {  	_ =	shalt  }
0x54: {  	_ =	shalt  }
0x55: {  	_ =	shalt  }
0x56: {  	_ =	shalt  }
0x57: {  	_ =	shalt  }
0x58: {  	_ =	shalt  }
0x59: {  	_ =	shalt  }
0x5a: {  	_ =	shalt  }
0x5b: {  	_ =	shalt  }
0x5c: {  	_ =	shalt  }
0x5d: {  	_ =	shalt  }
0x5e: {  	_ =	shalt  }
0x5f: {  	_ =	shalt  }
0x60: {  	_ =	shalt  }
0x61: {  	_ =	shalt  }
0x62: {  	_ =	shalt  }
0x63: {  	_ =	shalt  }
0x64: {  	_ =	shalt  }
0x65: {  	_ =	shalt  }
0x66: {  	_ =	shalt  }
0x67: {  	_ =	shalt  }
0x68: {  	_ =	shalt  }
0x69: {  	_ =	shalt  }
0x6a: {  	_ =	shalt  }
0x6b: {  	_ =	shalt  }
0x6c: {  	_ =	shalt  }
0x6d: {  	_ =	shalt  }
0x6e: {  	_ =	shalt  }
0x6f: {  	_ =	shalt  }
0x70: {  	_ =	shalt  }
0x71: {  	_ =	shalt  }
0x72: {  	_ =	shalt  }
0x73: {  	_ =	shalt  }
0x74: {  	_ =	shalt  }
0x75: {  	_ =	shalt  }
0x76: {  	_ =	shalt  }
0x77: {  	_ =	shalt  }
0x78: {  	_ =	shalt  }
0x79: {  	_ =	shalt  }
0x7a: {  	_ =	shalt  }
0x7b: {  	_ =	shalt  }
0x7c: {  	_ =	shalt  }
0x7d: {  	_ =	shalt  }
0x7e: {  	_ =	shalt  }
0x7f: {  	_ =	shalt  }
0x80: {  	_ =	shalt  }
0x81: {  	_ =	shalt  }
0x82: {  	_ =	shalt  }
0x83: {  	_ =	shalt  }
0x84: {  	_ =	shalt  }
0x85: {  	_ =	shalt  }
0x86: {  	_ =	shalt  }
0x87: {  	_ =	shalt  }
.Lfunc_end0:
.L_simem_size_0:
called_computation.1_lowered:
.L_overlay_start_0:
0x88: {  	s2 =	sld [smem:$0x3FD9]  }
0x89: {  	s3 =	sld [smem:$0x3FFE];
	_ =	sdelay $0x1  }
0x8a: {  	s1 =	srdreg.scid  }
0x8b: {  	s0 =	sand.u32 $0x1, s1  }
0x8c: {  	s17 =	sshll.u32 s0, $0xA;
	s2 =	sadd.s32 s3, s2  }
0x8d: {  	s2 =	sadd.s32 s2, s17  }
0x8e: {  	[smem:$0x3FBE] =	sst s2  }
0x8f: {  	_ = 	snop  }
0x90: {  	s18 =	sld [smem:$0x3FD0];
	(tm) =	ssettm $0x1  }
0x91: {  	s19 =	sld [smem:$0x3FFB];
	_ =	sdelay $0x3  }
0x92: {  	_ =	strace s19  }
0x93: {  	s2 =	sld [smem:$0x3FFC];
	_ =	sdelay $0x3  }
0x94: {  	_ =	strace s2  }
0x95: {  	s2 =	sld [smem:$0x3FFD];
	_ =	sdelay $0x3  }
0x96: {  	_ =	strace s2  }
0x97: {  	_ =	strace $0x8FFFFFFF  }
0x98: {  	s20 =	sld [smem:$0x3FDB];
	_ =	sdelay $0x1  }
0x99: {  	s4 =	simm.s32 $_scs_section_size  }
0x9a: {  	s5 =	simm.s32 $_size__tile_overlayer_lowered;
	s6 =	simm.s32 $_tile_overlayer_lowered  }
0x9b: {  	s7 =	simm.s32 $0x1BFF;
	s21 =	sshll.u32 s6, $0x1;
	s4 =	sadd.s32 s4, s20  }
0x9c: {  	s22 =	simm.s32 $0x0;
	s5 =	sshll.u32 s5, $0x1;
	s6 =	sadd.s32 s21, s4  }
0x9d: {  	[timem:s22], [sflag:s7] =	dma.local [hbm:s6], s5  }
0x9e: {  	_ =	swait.ge [sflag:s7], s5  }
0x9f: {  	s5 =	ssub.s32 $0x0, s5;
	[sflag:s7] =	ssyncset.done $0x0  }
0xa0: {  	[sflag:s7] =	ssyncadd.s32 s5;
	_ =	sdelay $0x1  }
0xa1: {  	s23 =	simm.s32 $0x1B8B  }
0xa2: {  	_ =	swait.ge [sflag:s23], $0x1  }
0xa3: {  	[sflag:s23] =	ssyncset.done $0x0  }
0xa4: {  	[sflag:s23] =	ssyncadd.s32 $0xFFFFFFFF  }
0xa5: {  	s5 =	sld [smem:$0x0]  }
0xa6: {  	s6 =	sand.u32 $0xFFFFFFFE, s1  }
0xa7: {  	p0 =	sne.s32 s1, s6  }
0xa8: {  	s6 =	sshll.u32 @p0 s6, $0xE  }
0xa9: {  	s6 =	sadd.s32 @p0 $0x11B8D, s6;
	s7 =	sshll.u32 @p0 s5, $0x11  }
0xaa: {  	s6 =	sor.u32 @p0 s7, s6  }
0xab: {  	[sflag:s6] =	ssyncadd.remote.s32 @p0 $0x1;
	_ =	sdelay $0x1  }
0xac: {  	s6 =	simm.s32 @p0 $0x1B8D  }
0xad: {  	_ =	swait.eq @p0 [sflag:s6], $0x1  }
0xae: {  	[sflag:s6] =	ssyncadd.s32 @p0 $0xFFFFFFFF  }
0xaf: {  	s7 =	sshll.u32 @!p0 s1, $0xE  }
0xb0: {  	s7 =	sor.u32 @!p0 $0x4000, s7;
	s6 =	simm.s32 @!p0 $0x1B8D  }
0xb1: {  	s5 =	sshll.u32 @!p0 s5, $0x11;
	s7 =	sadd.s32 @!p0 $0x11B8D, s7;
	_ =	swait.eq @!p0 [sflag:s6], $0x1  }
0xb2: {  	s5 =	sor.u32 @!p0 s5, s7;
	[sflag:s6] =	ssyncadd.s32 @!p0 $0xFFFFFFFF  }
0xb3: {  	s25 =	simm.s32 $0x1B8E;
	s24 =	sld [smem:$0x3FFE];
	[sflag:s5] =	ssyncadd.remote.s32 @!p0 $0x1  }
0xb4: {  	s26 =	simm.s32 $execute0_lowered;
	[smem:$0x3FD2] =	sst s25  }
0xb5: {  	s6 =	sshll.u32 s26, $0x1;
	_ =	strace $0x80000049;
	[dreg:$0x1] =	wrdreg $0xFFFFFFFF  }
0xb6: {  	s28 =	simm.s32 $_size_execute0_lowered;
	s4 =	sadd.s32 s4, s6;
	[dreg:$0x0] =	wrdreg $0x0  }
0xb7: {  	s6 =	sshll.u32 s28, $0x1;
	[dreg:$0x2] =	wrdreg s4  }
0xb8: {  	[dreg:$0x3] =	wrdreg s6  }
0xb9: {  	[dreg:$0x4] =	wrdreg $0xC0  }
0xba: {  	_ =	task [dreg:s22], $0x5FFFF  }
0xbb: {  	[dreg:$0x1] =	wrdreg $0xFFFFFFFF  }
0xbc: {  	[dreg:$0x0] =	wrdreg $0x60  }
0xbd: {  	[dreg:$0x2] =	wrdreg s24  }
0xbe: {  	[dreg:$0x3] =	wrdreg s18  }
0xbf: {  	[dreg:$0x4] =	wrdreg $0x90000  }
0xc0: {  	[dreg:$0x5] =	wrdreg $0xA  }
0xc1: {  	_ =	task.clear_ibuf [dreg:s22], $0x6FFFF;
	_ =	strace $0x90000049  }
0xc2: {  	s29 =	simm.s32 $0xA;
	_ =	strace $0x8000004B  }
0xc3: {  	_ =	swait.ge [sflag:s29], $0x1  }
0xc4: {  	[sflag:s29] =	ssyncadd.s32 $0xFFFFFFFF  }
0xc5: {  	_ =	strace $0x9000004B  }
0xc6: {  	_ =	sfence  }
0xc7: {  	s30 =	sld [smem:$0x0];
	_ =	sdelay $0x2  }
0xc8: {  	s31 =	sshll.u32 s1, $0xD;
	s1 =	sshrl.u32 s1, $0x2  }
0xc9: {  	s4 =	sand.u32 $0x4000, s31;
	s1 =	sadd.s32 s1, s30  }
0xca: {  	s0 =	sor.u32 s4, s0;
	s1 =	sshll.u32 s1, $0x11  }
0xcb: {  	s0 =	sor.u32 s1, s0  }
0xcc: {  	s0 =	sadd.s32 $0x8F2B, s0  }
0xcd: {  	[sflag:s0] =	ssyncadd.remote.s32 $0x1  }
0xce: {  	_ =	sfence.sel $0xFFFF  }
0xcf: {  	[dreg:$0x0] =	wrdreg $0xFFFFFFFF;
	(pc) =	sbr.abs _section_cstart, $3  }
0xd0: {  	[dreg:$0x1] =	wrdreg $0xFFFFFFFF  }
0xd1: {  	_ =	task.clear_ibuf [dreg:s22], $0x2FFFF;
	_ =	strace $0x9FFFFFFF  }
0xd2: {  	(tm) =	ssettm $0x7FFFFFFF  }
0xd3: {  	_ =	shalt  }
tec
execute0_lowered:
.L_overlay_start_1:
0x0: {  	(tag) =	ssettag $0x1  }
0x1: {  	s0 =	rddreg [dreg:$0x0]  }
0x2: {  	s1 =	srdreg.scid;
	s5 =	rddreg [dreg:$0x1]  }
0x3: {  	s10 =	stileid.u32;
	s2 =	rddreg [dreg:$0x2]  }
0x4: {  	s3 =	simm.s32 $0x0;
	s23 =	simm.s32 $0x100;
	s25 =	simm.s32 $0x880  }
0x5: {  	s26 =	simm.s32 $0x180;
	s18 =	simm.s32 $0x200;
	s19 =	simm.s32 $0x980  }
0x6: {  	s20 =	simm.s32 $0x280;
	s21 =	simm.s32 $0xA00;
	s11 =	simm.s32 $0x80  }
0x7: {  	s12 =	simm.s32 $0x5000;
	s13 =	simm.s32 $0x1;
	s14 =	simm.s32 $0x2  }
0x8: {  	s15 =	simm.s32 $0x400;
	s16 =	simm.s32 $0xB80;
	[smem:$0x7FF] =	sst s3  }
0x9: {  	s17 =	simm.s32 $0x480;
	_ =	strace $0x8000004A;
	[dreg:$0x6] =	wrdreg s23  }
0xa: {  	s28 =	simm.s32 $0xE00;
	s6 =	smul.u32 $0x2800, s10;
	[dreg:$0x7] =	wrdreg s25  }
0xb: {  	s29 =	simm.s32 $0x700;
	s8 =	smul.u32 $0x13C00, s10;
	[dreg:$0x8] =	wrdreg s26  }
0xc: {  	s1 =	sand.u32 $0x1, s1;
	s10 =	smul.u32 $0x4F000, s10;
	[dreg:$0xa] =	wrdreg s18  }
0xd: {  	s30 =	simm.s32 $0xE80;
	s4 =	smul.u32 $0x28000, s1;
	[dreg:$0xb] =	wrdreg s19  }
0xe: {  	s31 =	simm.s32 $0x780;
	s7 =	smul.u32 $0x13C000, s1;
	[dreg:$0xc] =	wrdreg s20  }
0xf: {  	s1 =	ssub.s32 $0x2, s1;
	[dreg:$0xd] =	wrdreg s21;
	s23 =	simm.s32 $0xA80  }
0x10: {  	s25 =	simm.s32 $0xB00;
	s18 =	simm.s32 $0xC00;
	s19 =	simm.s32 $0x500  }
0x11: {  	s20 =	simm.s32 $0xC80;
	s21 =	simm.s32 $0x580;
	s22 =	sshrl.u32 s1, $0x1  }
0x12: {  	s24 =	sshrl.u32 s10, $0x2;
	s10 =	simm.s32 $0x800;
	[dreg:$0xf] =	wrdreg s23  }
0x13: {  	[dreg:$0x11] =	wrdreg s25;
	s23 =	simm.s32 $0x600;
	s6 =	sadd.s32 s6, s4  }
0x14: {  	s4 =	sadd.s32 $0x66800, s0;
	s7 =	sadd.s32 s8, s7;
	s1 =	ssub.s32 s1, s22  }
0x15: {  	s22 =	simm.s32 $0x300;
	s6 =	sshrl.u32 s6, $0x3;
	s7 =	sshrl.u32 s7, $0x3  }
0x16: {  	s1 =	smax.u32 s1, $0x1;
	[dreg:$0xe] =	wrdreg s22;
	s22 =	simm.s32 $0xD00  }
0x17: {  	s9 =	sadd.s32 s6, s0;
	s0 =	sadd.s32 s7, s0;
	s5 =	sadd.s32 s6, s5  }
0x18: {  	s6 =	simm.s32 $0x900;
	s7 =	sadd.s32 s8, s2;
	[dreg:$0x13] =	wrdreg s1  }
0x19: {  	s8 =	simm.s32 $0x1000;
	s1 =	simm.s32 $0xF00;
	[dreg:$0x5] =	wrdreg s5  }
0x1a: {  	s9 =	sadd.s32 $0x5C800, s9;
	s5 =	sadd.s32 s24, s2;
	[dreg:$0x9] =	wrdreg s6  }
0x1b: {  	s0 =	sadd.s32 $0x8E000, s0;
	s24 =	simm.s32 $0x380;
	[dreg:$0x4] =	wrdreg s9  }
0x1c: {  	s26 =	sshrl.u32 s7, $0x3;
	s7 =	simm.s32 $0x0;
	[dreg:$0x12] =	wrdreg s0  }
0x1d: {  	s9 =	simm.s32 $0x3;
	[dreg:$0x10] =	wrdreg s24;
	s24 =	simm.s32 $0xD80  }
0x1e: {  	v0 =	vimm.f32 $0.0e+00;
	[dreg:$0x14] =	wrdreg s26;
	s26 =	simm.s32 $0x680;
	s0 =	simm.s32 $0xF80  }
.LBB2_1:
0x1f: {  	[tilespmem:$0x1000] =	vst v0  }
0x20: {  	[tilespmem:$0x1010] =	vst v0  }
0x21: {  	[tilespmem:$0x1020] =	vst v0  }
0x22: {  	[tilespmem:$0x1030] =	vst v0  }
0x23: {  	[tilespmem:$0x1040] =	vst v0  }
0x24: {  	[tilespmem:$0x1050] =	vst v0  }
0x25: {  	[tilespmem:$0x1060] =	vst v0  }
0x26: {  	[tilespmem:$0x1070] =	vst v0  }
0x27: {  	[tilespmem:$0x1080] =	vst v0  }
0x28: {  	[tilespmem:$0x1090] =	vst v0  }
0x29: {  	[tilespmem:$0x10A0] =	vst v0  }
0x2a: {  	[tilespmem:$0x10B0] =	vst v0  }
0x2b: {  	[tilespmem:$0x10C0] =	vst v0  }
0x2c: {  	[tilespmem:$0x10D0] =	vst v0  }
0x2d: {  	[tilespmem:$0x10E0] =	vst v0  }
0x2e: {  	[tilespmem:$0x10F0] =	vst v0  }
0x2f: {  	[tilespmem:$0x1100] =	vst v0  }
0x30: {  	[tilespmem:$0x1110] =	vst v0  }
0x31: {  	[tilespmem:$0x1120] =	vst v0  }
0x32: {  	[tilespmem:$0x1130] =	vst v0  }
0x33: {  	[tilespmem:$0x1140] =	vst v0  }
0x34: {  	[tilespmem:$0x1150] =	vst v0  }
0x35: {  	[tilespmem:$0x1160] =	vst v0  }
0x36: {  	[tilespmem:$0x1170] =	vst v0  }
0x37: {  	[tilespmem:$0x1180] =	vst v0  }
0x38: {  	[tilespmem:$0x1190] =	vst v0  }
0x39: {  	[tilespmem:$0x11A0] =	vst v0  }
0x3a: {  	[tilespmem:$0x11B0] =	vst v0  }
0x3b: {  	[tilespmem:$0x11C0] =	vst v0  }
0x3c: {  	[tilespmem:$0x11D0] =	vst v0  }
0x3d: {  	[tilespmem:$0x11E0] =	vst v0  }
0x3e: {  	[tilespmem:$0x11F0] =	vst v0  }
0x3f: {  	[tilespmem:$0x1200] =	vst v0  }
0x40: {  	[tilespmem:$0x1210] =	vst v0  }
0x41: {  	[tilespmem:$0x1220] =	vst v0  }
0x42: {  	[tilespmem:$0x1230] =	vst v0  }
0x43: {  	[tilespmem:$0x1240] =	vst v0  }
0x44: {  	[tilespmem:$0x1250] =	vst v0  }
0x45: {  	[tilespmem:$0x1260] =	vst v0  }
0x46: {  	[tilespmem:$0x1270] =	vst v0  }
0x47: {  	[tilespmem:$0x1280] =	vst v0  }
0x48: {  	[tilespmem:$0x1290] =	vst v0  }
0x49: {  	[tilespmem:$0x12A0] =	vst v0  }
0x4a: {  	[tilespmem:$0x12B0] =	vst v0  }
0x4b: {  	[tilespmem:$0x12C0] =	vst v0  }
0x4c: {  	[tilespmem:$0x12D0] =	vst v0  }
0x4d: {  	[tilespmem:$0x12E0] =	vst v0  }
0x4e: {  	[tilespmem:$0x12F0] =	vst v0  }
0x4f: {  	[tilespmem:$0x1300] =	vst v0  }
0x50: {  	[tilespmem:$0x1310] =	vst v0  }
0x51: {  	[tilespmem:$0x1320] =	vst v0  }
0x52: {  	[tilespmem:$0x1330] =	vst v0  }
0x53: {  	[tilespmem:$0x1340] =	vst v0  }
0x54: {  	[tilespmem:$0x1350] =	vst v0  }
0x55: {  	[tilespmem:$0x1360] =	vst v0  }
0x56: {  	[tilespmem:$0x1370] =	vst v0  }
0x57: {  	[tilespmem:$0x1380] =	vst v0  }
0x58: {  	[tilespmem:$0x1390] =	vst v0  }
0x59: {  	[tilespmem:$0x13A0] =	vst v0  }
0x5a: {  	[tilespmem:$0x13B0] =	vst v0  }
0x5b: {  	[tilespmem:$0x13C0] =	vst v0  }
0x5c: {  	[tilespmem:$0x13D0] =	vst v0  }
0x5d: {  	[tilespmem:$0x13E0] =	vst v0  }
0x5e: {  	[dreg:$0x15] =	wrdreg s7;
	[tilespmem:$0x13F0] =	vst v0;
	s6 =	sadd.s32 $0x0, s5  }
0x5f: {  	[spmem:s6] =	stream.linear.scatter [tilespmem:s8], [sflag:$0x3], $0x400, $0x38;
	[tilespmem:$0x1CC00] =	vst v63  }
0x60: {  	s7 =	simm.s32 $0x1000;
	_ =	swait.ge [sflag:s9], $0x400  }
.LBB2_2:
0x61: {  	s6 =	sshra.s32 s7, $0x2;
	[sflag:s9] =	ssyncset.done $0x0;
	p0 =	sne.s32 s7, $0x4E000  }
.Ltmp0:
0x62: {  	s6 =	sadd.s32 s6, s5;
	[sflag:s9] =	ssyncadd.s32 $0xFFFFFC00;
	(pc) =	sbr.rel @p0 .LBB2_2-.Ltmp0, $3  }
0x63: {  	[spmem:s6] =	stream.linear.scatter [tilespmem:s8], [sflag:$0x3], $0x400, $0x38;
	[tilespmem:$0x1CC00] =	vst v63  }
0x64: {  	s7 =	sadd.s32 $0x1000, s7;
	_ =	sdelay $0x1  }
0x65: {  	_ =	swait.ge [sflag:s9], $0x400  }
0x66: {  	[sflag:s9] =	ssyncset.done $0x0  }
0x67: {  	[sflag:s9] =	ssyncadd.s32 $0xFFFFFC00  }
0x68: {  	[bflag:$0x0] =	sbarrier.arrive $0xFFFF  }
0x69: {  	s6 =	rddreg [dreg:$0x5]  }
0x6a: {  	s6 =	sadd.s32 $0x0, s6  }
0x6b: {  	[tilespmem:s3], [sflag:$0x3] =	stream.linear.gather [hbm4b:s6+s3], $0x800, $0x38;
	[tilespmem:$0x1CC00] =	vst v63  }
0x6c: {  	_ =	swait.ge [sflag:s9], $0x800  }
0x6d: {  	s25 =	rddreg [dreg:$0x4];
	[sflag:s9] =	ssyncset.done $0x0  }
0x6e: {  	[sflag:s9] =	ssyncadd.s32 $0xFFFFF800;
	s6 =	sadd.s32 $0x0, s25  }
0x6f: {  	[tilespmem:s10], [sflag:$0x3] =	stream.linear.gather [hbm4b:s6+s3], $0x800, $0x38;
	[tilespmem:$0x1CC00] =	vst v63  }
0x70: {  	_ =	swait.ge [sflag:s9], $0x800  }
0x71: {  	[sflag:s9] =	ssyncset.done $0x0  }
0x72: {  	[sflag:s9] =	ssyncadd.s32 $0xFFFFF800  }
0x73: {  	[tilespmem:s8], [sflag:$0x1] =	stream.indirect.gather [hbm4b:s4+s11], $0x80, s3, s11, $0xb8;
	[tilespmem:$0x1CC00] =	vst v63  }
0x74: {  	_ = 	snop  }
0x75: {  	[tilespmem:s12], [sflag:$0x2] =	stream.indirect.gather [hbm4b:s4+s11], $0x80, s11, s11, $0xb8;
	[tilespmem:$0x1CC00] =	vst v63  }
0x76: {  	_ =	swait.ge [sflag:s13], $0x4000  }
0x77: {  	[sflag:s13] =	ssyncset.done $0x0  }
0x78: {  	[sflag:s13] =	ssyncadd.s32 $0xFFFFC000  }
0x79: {  	[spmem:s2] =	stream.indirect.scatter.add.f32 [tilespmem:s8], [sflag:$0x3], $0x80, s10, s11, $0xb8;
	[tilespmem:$0x1CC00] =	vst v63  }
0x7a: {  	_ =	swait.ge [sflag:s9], $0x4000  }
0x7b: {  	[sflag:s9] =	ssyncset.done $0x0  }
0x7c: {  	s7 =	rddreg [dreg:$0x6];
	[sflag:s9] =	ssyncadd.s32 $0xFFFFC000  }
0x7d: {  	[tilespmem:s8], [sflag:$0x1] =	stream.indirect.gather [hbm4b:s4+s11], $0x80, s7, s11, $0xb8;
	[tilespmem:$0x1CC00] =	vst v63  }
0x7e: {  	_ =	swait.ge [sflag:s14], $0x4000  }
0x7f: {  	[sflag:s14] =	ssyncset.done $0x0  }
0x80: {  	s25 =	rddreg [dreg:$0x7];
	[sflag:s14] =	ssyncadd.s32 $0xFFFFC000  }
0x81: {  	[spmem:s2] =	stream.indirect.scatter.add.f32 [tilespmem:s12], [sflag:$0x3], $0x80, s25, s11, $0xb8;
	[tilespmem:$0x1CC00] =	vst v63  }
0x82: {  	_ =	swait.ge [sflag:s9], $0x4000  }
0x83: {  	[sflag:s9] =	ssyncset.done $0x0  }
0x84: {  	s7 =	rddreg [dreg:$0x8];
	[sflag:s9] =	ssyncadd.s32 $0xFFFFC000  }
0x85: {  	[tilespmem:s12], [sflag:$0x2] =	stream.indirect.gather [hbm4b:s4+s11], $0x80, s7, s11, $0xb8;
	[tilespmem:$0x1CC00] =	vst v63  }
0x86: {  	_ =	swait.ge [sflag:s13], $0x4000  }
0x87: {  	[sflag:s13] =	ssyncset.done $0x0  }
0x88: {  	s25 =	rddreg [dreg:$0x9];
	[sflag:s13] =	ssyncadd.s32 $0xFFFFC000  }
0x89: {  	[spmem:s2] =	stream.indirect.scatter.add.f32 [tilespmem:s8], [sflag:$0x3], $0x80, s25, s11, $0xb8;
	[tilespmem:$0x1CC00] =	vst v63  }
0x8a: {  	_ =	swait.ge [sflag:s9], $0x4000  }
0x8b: {  	[sflag:s9] =	ssyncset.done $0x0  }
0x8c: {  	s7 =	rddreg [dreg:$0xa];
	[sflag:s9] =	ssyncadd.s32 $0xFFFFC000  }
0x8d: {  	[tilespmem:s8], [sflag:$0x1] =	stream.indirect.gather [hbm4b:s4+s11], $0x80, s7, s11, $0xb8;
	[tilespmem:$0x1CC00] =	vst v63  }
0x8e: {  	_ =	swait.ge [sflag:s14], $0x4000  }
0x8f: {  	[sflag:s14] =	ssyncset.done $0x0  }
0x90: {  	s25 =	rddreg [dreg:$0xb];
	[sflag:s14] =	ssyncadd.s32 $0xFFFFC000  }
0x91: {  	[spmem:s2] =	stream.indirect.scatter.add.f32 [tilespmem:s12], [sflag:$0x3], $0x80, s25, s11, $0xb8;
	[tilespmem:$0x1CC00] =	vst v63  }
0x92: {  	_ =	swait.ge [sflag:s9], $0x4000  }
0x93: {  	[sflag:s9] =	ssyncset.done $0x0  }
0x94: {  	s7 =	rddreg [dreg:$0xc];
	[sflag:s9] =	ssyncadd.s32 $0xFFFFC000  }
0x95: {  	[tilespmem:s12], [sflag:$0x2] =	stream.indirect.gather [hbm4b:s4+s11], $0x80, s7, s11, $0xb8;
	[tilespmem:$0x1CC00] =	vst v63  }
0x96: {  	_ =	swait.ge [sflag:s13], $0x4000  }
0x97: {  	[sflag:s13] =	ssyncset.done $0x0  }
0x98: {  	s25 =	rddreg [dreg:$0xd];
	[sflag:s13] =	ssyncadd.s32 $0xFFFFC000  }
0x99: {  	[spmem:s2] =	stream.indirect.scatter.add.f32 [tilespmem:s8], [sflag:$0x3], $0x80, s25, s11, $0xb8;
	[tilespmem:$0x1CC00] =	vst v63  }
0x9a: {  	_ =	swait.ge [sflag:s9], $0x4000  }
0x9b: {  	[sflag:s9] =	ssyncset.done $0x0  }
0x9c: {  	s7 =	rddreg [dreg:$0xe];
	[sflag:s9] =	ssyncadd.s32 $0xFFFFC000  }
0x9d: {  	[tilespmem:s8], [sflag:$0x1] =	stream.indirect.gather [hbm4b:s4+s11], $0x80, s7, s11, $0xb8;
	[tilespmem:$0x1CC00] =	vst v63  }
0x9e: {  	_ =	swait.ge [sflag:s14], $0x4000  }
0x9f: {  	[sflag:s14] =	ssyncset.done $0x0  }
0xa0: {  	s25 =	rddreg [dreg:$0xf];
	[sflag:s14] =	ssyncadd.s32 $0xFFFFC000  }
0xa1: {  	[spmem:s2] =	stream.indirect.scatter.add.f32 [tilespmem:s12], [sflag:$0x3], $0x80, s25, s11, $0xb8;
	[tilespmem:$0x1CC00] =	vst v63  }
0xa2: {  	_ =	swait.ge [sflag:s9], $0x4000  }
0xa3: {  	[sflag:s9] =	ssyncset.done $0x0  }
0xa4: {  	s7 =	rddreg [dreg:$0x10];
	[sflag:s9] =	ssyncadd.s32 $0xFFFFC000  }
0xa5: {  	[tilespmem:s12], [sflag:$0x2] =	stream.indirect.gather [hbm4b:s4+s11], $0x80, s7, s11, $0xb8;
	[tilespmem:$0x1CC00] =	vst v63  }
0xa6: {  	_ =	swait.ge [sflag:s13], $0x4000  }
0xa7: {  	[sflag:s13] =	ssyncset.done $0x0  }
0xa8: {  	s25 =	rddreg [dreg:$0x11];
	[sflag:s13] =	ssyncadd.s32 $0xFFFFC000  }
0xa9: {  	[spmem:s2] =	stream.indirect.scatter.add.f32 [tilespmem:s8], [sflag:$0x3], $0x80, s25, s11, $0xb8;
	[tilespmem:$0x1CC00] =	vst v63  }
0xaa: {  	_ =	swait.ge [sflag:s9], $0x4000  }
0xab: {  	[sflag:s9] =	ssyncset.done $0x0  }
0xac: {  	[sflag:s9] =	ssyncadd.s32 $0xFFFFC000  }
0xad: {  	[tilespmem:s8], [sflag:$0x1] =	stream.indirect.gather [hbm4b:s4+s11], $0x80, s15, s11, $0xb8;
	[tilespmem:$0x1CC00] =	vst v63  }
0xae: {  	_ =	swait.ge [sflag:s14], $0x4000  }
0xaf: {  	[sflag:s14] =	ssyncset.done $0x0  }
0xb0: {  	[sflag:s14] =	ssyncadd.s32 $0xFFFFC000  }
0xb1: {  	[spmem:s2] =	stream.indirect.scatter.add.f32 [tilespmem:s12], [sflag:$0x3], $0x80, s16, s11, $0xb8;
	[tilespmem:$0x1CC00] =	vst v63  }
0xb2: {  	_ =	swait.ge [sflag:s9], $0x4000  }
0xb3: {  	[sflag:s9] =	ssyncset.done $0x0  }
0xb4: {  	[sflag:s9] =	ssyncadd.s32 $0xFFFFC000  }
0xb5: {  	[tilespmem:s12], [sflag:$0x2] =	stream.indirect.gather [hbm4b:s4+s11], $0x80, s17, s11, $0xb8;
	[tilespmem:$0x1CC00] =	vst v63  }
0xb6: {  	_ =	swait.ge [sflag:s13], $0x4000  }
0xb7: {  	[sflag:s13] =	ssyncset.done $0x0  }
0xb8: {  	[sflag:s13] =	ssyncadd.s32 $0xFFFFC000  }
0xb9: {  	[spmem:s2] =	stream.indirect.scatter.add.f32 [tilespmem:s8], [sflag:$0x3], $0x80, s18, s11, $0xb8;
	[tilespmem:$0x1CC00] =	vst v63  }
0xba: {  	_ =	swait.ge [sflag:s9], $0x4000  }
0xbb: {  	[sflag:s9] =	ssyncset.done $0x0  }
0xbc: {  	[sflag:s9] =	ssyncadd.s32 $0xFFFFC000  }
0xbd: {  	[tilespmem:s8], [sflag:$0x1] =	stream.indirect.gather [hbm4b:s4+s11], $0x80, s19, s11, $0xb8;
	[tilespmem:$0x1CC00] =	vst v63  }
0xbe: {  	_ =	swait.ge [sflag:s14], $0x4000  }
0xbf: {  	[sflag:s14] =	ssyncset.done $0x0  }
0xc0: {  	[sflag:s14] =	ssyncadd.s32 $0xFFFFC000  }
0xc1: {  	[spmem:s2] =	stream.indirect.scatter.add.f32 [tilespmem:s12], [sflag:$0x3], $0x80, s20, s11, $0xb8;
	[tilespmem:$0x1CC00] =	vst v63  }
0xc2: {  	_ =	swait.ge [sflag:s9], $0x4000  }
0xc3: {  	[sflag:s9] =	ssyncset.done $0x0  }
0xc4: {  	[sflag:s9] =	ssyncadd.s32 $0xFFFFC000  }
0xc5: {  	[tilespmem:s12], [sflag:$0x2] =	stream.indirect.gather [hbm4b:s4+s11], $0x80, s21, s11, $0xb8;
	[tilespmem:$0x1CC00] =	vst v63  }
0xc6: {  	_ =	swait.ge [sflag:s13], $0x4000  }
0xc7: {  	[sflag:s13] =	ssyncset.done $0x0  }
0xc8: {  	[sflag:s13] =	ssyncadd.s32 $0xFFFFC000  }
0xc9: {  	[spmem:s2] =	stream.indirect.scatter.add.f32 [tilespmem:s8], [sflag:$0x3], $0x80, s22, s11, $0xb8;
	[tilespmem:$0x1CC00] =	vst v63  }
0xca: {  	_ =	swait.ge [sflag:s9], $0x4000  }
0xcb: {  	[sflag:s9] =	ssyncset.done $0x0  }
0xcc: {  	[sflag:s9] =	ssyncadd.s32 $0xFFFFC000  }
0xcd: {  	[tilespmem:s8], [sflag:$0x1] =	stream.indirect.gather [hbm4b:s4+s11], $0x80, s23, s11, $0xb8;
	[tilespmem:$0x1CC00] =	vst v63  }
0xce: {  	_ =	swait.ge [sflag:s14], $0x4000  }
0xcf: {  	[sflag:s14] =	ssyncset.done $0x0  }
0xd0: {  	[sflag:s14] =	ssyncadd.s32 $0xFFFFC000  }
0xd1: {  	[spmem:s2] =	stream.indirect.scatter.add.f32 [tilespmem:s12], [sflag:$0x3], $0x80, s24, s11, $0xb8;
	[tilespmem:$0x1CC00] =	vst v63  }
0xd2: {  	_ =	swait.ge [sflag:s9], $0x4000  }
0xd3: {  	[sflag:s9] =	ssyncset.done $0x0  }
0xd4: {  	[sflag:s9] =	ssyncadd.s32 $0xFFFFC000  }
0xd5: {  	[tilespmem:s12], [sflag:$0x2] =	stream.indirect.gather [hbm4b:s4+s11], $0x80, s26, s11, $0xb8;
	[tilespmem:$0x1CC00] =	vst v63  }
0xd6: {  	_ =	swait.ge [sflag:s13], $0x4000  }
0xd7: {  	[sflag:s13] =	ssyncset.done $0x0  }
0xd8: {  	[sflag:s13] =	ssyncadd.s32 $0xFFFFC000  }
0xd9: {  	[spmem:s2] =	stream.indirect.scatter.add.f32 [tilespmem:s8], [sflag:$0x3], $0x80, s28, s11, $0xb8;
	[tilespmem:$0x1CC00] =	vst v63  }
0xda: {  	_ =	swait.ge [sflag:s9], $0x4000  }
0xdb: {  	[sflag:s9] =	ssyncset.done $0x0  }
0xdc: {  	[sflag:s9] =	ssyncadd.s32 $0xFFFFC000  }
0xdd: {  	[tilespmem:s8], [sflag:$0x1] =	stream.indirect.gather [hbm4b:s4+s11], $0x80, s29, s11, $0xb8;
	[tilespmem:$0x1CC00] =	vst v63  }
0xde: {  	_ =	swait.ge [sflag:s14], $0x4000  }
0xdf: {  	[sflag:s14] =	ssyncset.done $0x0  }
0xe0: {  	[sflag:s14] =	ssyncadd.s32 $0xFFFFC000  }
0xe1: {  	[spmem:s2] =	stream.indirect.scatter.add.f32 [tilespmem:s12], [sflag:$0x3], $0x80, s30, s11, $0xb8;
	[tilespmem:$0x1CC00] =	vst v63  }
0xe2: {  	_ =	swait.ge [sflag:s9], $0x4000  }
0xe3: {  	[sflag:s9] =	ssyncset.done $0x0  }
0xe4: {  	[sflag:s9] =	ssyncadd.s32 $0xFFFFC000  }
0xe5: {  	[tilespmem:s12], [sflag:$0x2] =	stream.indirect.gather [hbm4b:s4+s11], $0x80, s31, s11, $0xb8;
	[tilespmem:$0x1CC00] =	vst v63  }
0xe6: {  	_ =	swait.ge [sflag:s13], $0x4000  }
0xe7: {  	[sflag:s13] =	ssyncset.done $0x0  }
0xe8: {  	[sflag:s13] =	ssyncadd.s32 $0xFFFFC000  }
0xe9: {  	[spmem:s2] =	stream.indirect.scatter.add.f32 [tilespmem:s8], [sflag:$0x3], $0x80, s1, s11, $0xb8;
	[tilespmem:$0x1CC00] =	vst v63  }
0xea: {  	_ =	swait.ge [sflag:s9], $0x4000  }
0xeb: {  	[sflag:s9] =	ssyncset.done $0x0  }
0xec: {  	[sflag:s9] =	ssyncadd.s32 $0xFFFFC000  }
0xed: {  	_ =	swait.ge [sflag:s14], $0x4000  }
0xee: {  	[sflag:s14] =	ssyncset.done $0x0  }
0xef: {  	[sflag:s14] =	ssyncadd.s32 $0xFFFFC000  }
0xf0: {  	[spmem:s2] =	stream.indirect.scatter.add.f32 [tilespmem:s12], [sflag:$0x3], $0x80, s0, s11, $0xb8;
	[tilespmem:$0x1CC00] =	vst v63  }
0xf1: {  	s7 =	simm.s32 $0x100;
	_ =	swait.ge [sflag:s9], $0x4000  }
0xf2: {  	s25 =	simm.s32 $0x200;
	s6 =	rddreg [dreg:$0x5];
	[sflag:s9] =	ssyncset.done $0x0  }
.LBB2_4:
0xf3: {  	[sflag:s9] =	ssyncadd.s32 $0xFFFFC000;
	s6 =	sadd.s32 s7, s6  }
0xf4: {  	[tilespmem:s3], [sflag:$0x3] =	stream.linear.gather [hbm4b:s6+s3], $0x800, $0x38;
	[tilespmem:$0x1CC00] =	vst v63  }
0xf5: {  	_ =	swait.ge [sflag:s9], $0x800  }
0xf6: {  	s6 =	rddreg [dreg:$0x4];
	[sflag:s9] =	ssyncset.done $0x0  }
0xf7: {  	[sflag:s9] =	ssyncadd.s32 $0xFFFFF800;
	s6 =	sadd.s32 s7, s6  }
0xf8: {  	[tilespmem:s10], [sflag:$0x3] =	stream.linear.gather [hbm4b:s6+s3], $0x800, $0x38;
	[tilespmem:$0x1CC00] =	vst v63  }
0xf9: {  	_ =	swait.ge [sflag:s9], $0x800  }
0xfa: {  	[sflag:s9] =	ssyncset.done $0x0  }
0xfb: {  	[sflag:s9] =	ssyncadd.s32 $0xFFFFF800  }
0xfc: {  	[tilespmem:s8], [sflag:$0x1] =	stream.indirect.gather [hbm4b:s4+s11], $0x80, s3, s11, $0xb8;
	[tilespmem:$0x1CC00] =	vst v63  }
0xfd: {  	_ = 	snop  }
0xfe: {  	[tilespmem:s12], [sflag:$0x2] =	stream.indirect.gather [hbm4b:s4+s11], $0x80, s11, s11, $0xb8;
	[tilespmem:$0x1CC00] =	vst v63  }
0xff: {  	_ =	swait.ge [sflag:s13], $0x4000  }
0x100: {  	[sflag:s13] =	ssyncset.done $0x0  }
0x101: {  	[sflag:s13] =	ssyncadd.s32 $0xFFFFC000  }
0x102: {  	[spmem:s2] =	stream.indirect.scatter.add.f32 [tilespmem:s8], [sflag:$0x3], $0x80, s10, s11, $0xb8;
	[tilespmem:$0x1CC00] =	vst v63  }
0x103: {  	_ =	swait.ge [sflag:s9], $0x4000  }
0x104: {  	[sflag:s9] =	ssyncset.done $0x0  }
0x105: {  	s6 =	rddreg [dreg:$0x6];
	[sflag:s9] =	ssyncadd.s32 $0xFFFFC000  }
0x106: {  	[tilespmem:s8], [sflag:$0x1] =	stream.indirect.gather [hbm4b:s4+s11], $0x80, s6, s11, $0xb8;
	[tilespmem:$0x1CC00] =	vst v63  }
0x107: {  	_ =	swait.ge [sflag:s14], $0x4000  }
0x108: {  	[sflag:s14] =	ssyncset.done $0x0  }
0x109: {  	s6 =	rddreg [dreg:$0x7];
	[sflag:s14] =	ssyncadd.s32 $0xFFFFC000  }
0x10a: {  	[spmem:s2] =	stream.indirect.scatter.add.f32 [tilespmem:s12], [sflag:$0x3], $0x80, s6, s11, $0xb8;
	[tilespmem:$0x1CC00] =	vst v63  }
0x10b: {  	_ =	swait.ge [sflag:s9], $0x4000  }
0x10c: {  	[sflag:s9] =	ssyncset.done $0x0  }
0x10d: {  	s6 =	rddreg [dreg:$0x8];
	[sflag:s9] =	ssyncadd.s32 $0xFFFFC000  }
0x10e: {  	[tilespmem:s12], [sflag:$0x2] =	stream.indirect.gather [hbm4b:s4+s11], $0x80, s6, s11, $0xb8;
	[tilespmem:$0x1CC00] =	vst v63  }
0x10f: {  	_ =	swait.ge [sflag:s13], $0x4000  }
0x110: {  	[sflag:s13] =	ssyncset.done $0x0  }
0x111: {  	s6 =	rddreg [dreg:$0x9];
	[sflag:s13] =	ssyncadd.s32 $0xFFFFC000  }
0x112: {  	[spmem:s2] =	stream.indirect.scatter.add.f32 [tilespmem:s8], [sflag:$0x3], $0x80, s6, s11, $0xb8;
	[tilespmem:$0x1CC00] =	vst v63  }
0x113: {  	_ =	swait.ge [sflag:s9], $0x4000  }
0x114: {  	[sflag:s9] =	ssyncset.done $0x0  }
0x115: {  	s6 =	rddreg [dreg:$0xa];
	[sflag:s9] =	ssyncadd.s32 $0xFFFFC000  }
0x116: {  	[tilespmem:s8], [sflag:$0x1] =	stream.indirect.gather [hbm4b:s4+s11], $0x80, s6, s11, $0xb8;
	[tilespmem:$0x1CC00] =	vst v63  }
0x117: {  	_ =	swait.ge [sflag:s14], $0x4000  }
0x118: {  	[sflag:s14] =	ssyncset.done $0x0  }
0x119: {  	s6 =	rddreg [dreg:$0xb];
	[sflag:s14] =	ssyncadd.s32 $0xFFFFC000  }
0x11a: {  	[spmem:s2] =	stream.indirect.scatter.add.f32 [tilespmem:s12], [sflag:$0x3], $0x80, s6, s11, $0xb8;
	[tilespmem:$0x1CC00] =	vst v63  }
0x11b: {  	_ =	swait.ge [sflag:s9], $0x4000  }
0x11c: {  	[sflag:s9] =	ssyncset.done $0x0  }
0x11d: {  	s6 =	rddreg [dreg:$0xc];
	[sflag:s9] =	ssyncadd.s32 $0xFFFFC000  }
0x11e: {  	[tilespmem:s12], [sflag:$0x2] =	stream.indirect.gather [hbm4b:s4+s11], $0x80, s6, s11, $0xb8;
	[tilespmem:$0x1CC00] =	vst v63  }
0x11f: {  	_ =	swait.ge [sflag:s13], $0x4000  }
0x120: {  	[sflag:s13] =	ssyncset.done $0x0  }
0x121: {  	s6 =	rddreg [dreg:$0xd];
	[sflag:s13] =	ssyncadd.s32 $0xFFFFC000  }
0x122: {  	[spmem:s2] =	stream.indirect.scatter.add.f32 [tilespmem:s8], [sflag:$0x3], $0x80, s6, s11, $0xb8;
	[tilespmem:$0x1CC00] =	vst v63  }
0x123: {  	_ =	swait.ge [sflag:s9], $0x4000  }
0x124: {  	[sflag:s9] =	ssyncset.done $0x0  }
0x125: {  	s6 =	rddreg [dreg:$0xe];
	[sflag:s9] =	ssyncadd.s32 $0xFFFFC000  }
0x126: {  	[tilespmem:s8], [sflag:$0x1] =	stream.indirect.gather [hbm4b:s4+s11], $0x80, s6, s11, $0xb8;
	[tilespmem:$0x1CC00] =	vst v63  }
0x127: {  	_ =	swait.ge [sflag:s14], $0x4000  }
0x128: {  	[sflag:s14] =	ssyncset.done $0x0  }
0x129: {  	s6 =	rddreg [dreg:$0xf];
	[sflag:s14] =	ssyncadd.s32 $0xFFFFC000  }
0x12a: {  	[spmem:s2] =	stream.indirect.scatter.add.f32 [tilespmem:s12], [sflag:$0x3], $0x80, s6, s11, $0xb8;
	[tilespmem:$0x1CC00] =	vst v63  }
0x12b: {  	_ =	swait.ge [sflag:s9], $0x4000  }
0x12c: {  	[sflag:s9] =	ssyncset.done $0x0  }
0x12d: {  	s6 =	rddreg [dreg:$0x10];
	[sflag:s9] =	ssyncadd.s32 $0xFFFFC000  }
0x12e: {  	[tilespmem:s12], [sflag:$0x2] =	stream.indirect.gather [hbm4b:s4+s11], $0x80, s6, s11, $0xb8;
	[tilespmem:$0x1CC00] =	vst v63  }
0x12f: {  	_ =	swait.ge [sflag:s13], $0x4000  }
0x130: {  	[sflag:s13] =	ssyncset.done $0x0  }
0x131: {  	s6 =	rddreg [dreg:$0x11];
	[sflag:s13] =	ssyncadd.s32 $0xFFFFC000  }
0x132: {  	[spmem:s2] =	stream.indirect.scatter.add.f32 [tilespmem:s8], [sflag:$0x3], $0x80, s6, s11, $0xb8;
	[tilespmem:$0x1CC00] =	vst v63  }
0x133: {  	_ =	swait.ge [sflag:s9], $0x4000  }
0x134: {  	s15 =	smov.u32 s25;
	[sflag:s9] =	ssyncset.done $0x0  }
0x135: {  	s7 =	smov.u32 s15;
	s15 =	simm.s32 $0x400;
	[sflag:s9] =	ssyncadd.s32 $0xFFFFC000  }
0x136: {  	[tilespmem:s8], [sflag:$0x1] =	stream.indirect.gather [hbm4b:s4+s11], $0x80, s15, s11, $0xb8;
	[tilespmem:$0x1CC00] =	vst v63  }
0x137: {  	_ =	swait.ge [sflag:s14], $0x4000  }
0x138: {  	[sflag:s14] =	ssyncset.done $0x0  }
0x139: {  	[sflag:s14] =	ssyncadd.s32 $0xFFFFC000  }
0x13a: {  	[spmem:s2] =	stream.indirect.scatter.add.f32 [tilespmem:s12], [sflag:$0x3], $0x80, s16, s11, $0xb8;
	[tilespmem:$0x1CC00] =	vst v63  }
0x13b: {  	_ =	swait.ge [sflag:s9], $0x4000  }
0x13c: {  	[sflag:s9] =	ssyncset.done $0x0  }
0x13d: {  	[sflag:s9] =	ssyncadd.s32 $0xFFFFC000  }
0x13e: {  	[tilespmem:s12], [sflag:$0x2] =	stream.indirect.gather [hbm4b:s4+s11], $0x80, s17, s11, $0xb8;
	[tilespmem:$0x1CC00] =	vst v63  }
0x13f: {  	_ =	swait.ge [sflag:s13], $0x4000  }
0x140: {  	[sflag:s13] =	ssyncset.done $0x0  }
0x141: {  	[sflag:s13] =	ssyncadd.s32 $0xFFFFC000  }
0x142: {  	[spmem:s2] =	stream.indirect.scatter.add.f32 [tilespmem:s8], [sflag:$0x3], $0x80, s18, s11, $0xb8;
	[tilespmem:$0x1CC00] =	vst v63  }
0x143: {  	_ =	swait.ge [sflag:s9], $0x4000  }
0x144: {  	[sflag:s9] =	ssyncset.done $0x0  }
0x145: {  	[sflag:s9] =	ssyncadd.s32 $0xFFFFC000  }
0x146: {  	[tilespmem:s8], [sflag:$0x1] =	stream.indirect.gather [hbm4b:s4+s11], $0x80, s19, s11, $0xb8;
	[tilespmem:$0x1CC00] =	vst v63  }
0x147: {  	_ =	swait.ge [sflag:s14], $0x4000  }
0x148: {  	[sflag:s14] =	ssyncset.done $0x0  }
0x149: {  	[sflag:s14] =	ssyncadd.s32 $0xFFFFC000  }
0x14a: {  	[spmem:s2] =	stream.indirect.scatter.add.f32 [tilespmem:s12], [sflag:$0x3], $0x80, s20, s11, $0xb8;
	[tilespmem:$0x1CC00] =	vst v63  }
0x14b: {  	_ =	swait.ge [sflag:s9], $0x4000  }
0x14c: {  	[sflag:s9] =	ssyncset.done $0x0  }
0x14d: {  	[sflag:s9] =	ssyncadd.s32 $0xFFFFC000  }
0x14e: {  	[tilespmem:s12], [sflag:$0x2] =	stream.indirect.gather [hbm4b:s4+s11], $0x80, s21, s11, $0xb8;
	[tilespmem:$0x1CC00] =	vst v63  }
0x14f: {  	_ =	swait.ge [sflag:s13], $0x4000  }
0x150: {  	[sflag:s13] =	ssyncset.done $0x0  }
0x151: {  	[sflag:s13] =	ssyncadd.s32 $0xFFFFC000  }
0x152: {  	[spmem:s2] =	stream.indirect.scatter.add.f32 [tilespmem:s8], [sflag:$0x3], $0x80, s22, s11, $0xb8;
	[tilespmem:$0x1CC00] =	vst v63  }
0x153: {  	_ =	swait.ge [sflag:s9], $0x4000  }
0x154: {  	[sflag:s9] =	ssyncset.done $0x0  }
0x155: {  	[sflag:s9] =	ssyncadd.s32 $0xFFFFC000  }
0x156: {  	[tilespmem:s8], [sflag:$0x1] =	stream.indirect.gather [hbm4b:s4+s11], $0x80, s23, s11, $0xb8;
	[tilespmem:$0x1CC00] =	vst v63  }
0x157: {  	_ =	swait.ge [sflag:s14], $0x4000  }
0x158: {  	[sflag:s14] =	ssyncset.done $0x0  }
0x159: {  	[sflag:s14] =	ssyncadd.s32 $0xFFFFC000  }
0x15a: {  	[spmem:s2] =	stream.indirect.scatter.add.f32 [tilespmem:s12], [sflag:$0x3], $0x80, s24, s11, $0xb8;
	[tilespmem:$0x1CC00] =	vst v63  }
0x15b: {  	_ =	swait.ge [sflag:s9], $0x4000  }
0x15c: {  	[sflag:s9] =	ssyncset.done $0x0  }
0x15d: {  	[sflag:s9] =	ssyncadd.s32 $0xFFFFC000  }
0x15e: {  	[tilespmem:s12], [sflag:$0x2] =	stream.indirect.gather [hbm4b:s4+s11], $0x80, s26, s11, $0xb8;
	[tilespmem:$0x1CC00] =	vst v63  }
0x15f: {  	_ =	swait.ge [sflag:s13], $0x4000  }
0x160: {  	[sflag:s13] =	ssyncset.done $0x0  }
0x161: {  	[sflag:s13] =	ssyncadd.s32 $0xFFFFC000  }
0x162: {  	[spmem:s2] =	stream.indirect.scatter.add.f32 [tilespmem:s8], [sflag:$0x3], $0x80, s28, s11, $0xb8;
	[tilespmem:$0x1CC00] =	vst v63  }
0x163: {  	_ =	swait.ge [sflag:s9], $0x4000  }
0x164: {  	[sflag:s9] =	ssyncset.done $0x0  }
0x165: {  	[sflag:s9] =	ssyncadd.s32 $0xFFFFC000  }
0x166: {  	[tilespmem:s8], [sflag:$0x1] =	stream.indirect.gather [hbm4b:s4+s11], $0x80, s29, s11, $0xb8;
	[tilespmem:$0x1CC00] =	vst v63  }
0x167: {  	_ =	swait.ge [sflag:s14], $0x4000  }
0x168: {  	[sflag:s14] =	ssyncset.done $0x0  }
0x169: {  	[sflag:s14] =	ssyncadd.s32 $0xFFFFC000  }
0x16a: {  	[spmem:s2] =	stream.indirect.scatter.add.f32 [tilespmem:s12], [sflag:$0x3], $0x80, s30, s11, $0xb8;
	[tilespmem:$0x1CC00] =	vst v63  }
0x16b: {  	_ =	swait.ge [sflag:s9], $0x4000  }
0x16c: {  	[sflag:s9] =	ssyncset.done $0x0  }
0x16d: {  	[sflag:s9] =	ssyncadd.s32 $0xFFFFC000  }
0x16e: {  	[tilespmem:s12], [sflag:$0x2] =	stream.indirect.gather [hbm4b:s4+s11], $0x80, s31, s11, $0xb8;
	[tilespmem:$0x1CC00] =	vst v63  }
0x16f: {  	_ =	swait.ge [sflag:s13], $0x4000  }
0x170: {  	[sflag:s13] =	ssyncset.done $0x0  }
0x171: {  	[sflag:s13] =	ssyncadd.s32 $0xFFFFC000  }
0x172: {  	[spmem:s2] =	stream.indirect.scatter.add.f32 [tilespmem:s8], [sflag:$0x3], $0x80, s1, s11, $0xb8;
	[tilespmem:$0x1CC00] =	vst v63  }
0x173: {  	_ =	swait.ge [sflag:s9], $0x4000  }
0x174: {  	[sflag:s9] =	ssyncset.done $0x0  }
0x175: {  	[sflag:s9] =	ssyncadd.s32 $0xFFFFC000  }
0x176: {  	p0 =	sne.s32 s25, $0x400;
	_ =	swait.ge [sflag:s14], $0x4000  }
.Ltmp1:
0x177: {  	[sflag:s14] =	ssyncset.done $0x0;
	(pc) =	sbr.rel @p0 .LBB2_4-.Ltmp1, $4  }
0x178: {  	[sflag:s14] =	ssyncadd.s32 $0xFFFFC000  }
0x179: {  	[spmem:s2] =	stream.indirect.scatter.add.f32 [tilespmem:s12], [sflag:$0x3], $0x80, s0, s11, $0xb8;
	[tilespmem:$0x1CC00] =	vst v63  }
0x17a: {  	_ =	swait.ge [sflag:s9], $0x4000  }
0x17b: {  	s25 =	sadd.s32 $0x100, s25;
	s6 =	rddreg [dreg:$0x5];
	[sflag:s9] =	ssyncset.done $0x0  }
0x17c: {  	[sflag:s9] =	ssyncadd.s32 $0xFFFFC000;
	s6 =	sadd.s32 s7, s6  }
0x17d: {  	[tilespmem:s3], [sflag:$0x3] =	stream.linear.gather [hbm4b:s6+s3], $0x800, $0x38;
	[tilespmem:$0x1CC00] =	vst v63  }
0x17e: {  	_ =	swait.ge [sflag:s9], $0x800  }
0x17f: {  	s25 =	rddreg [dreg:$0x4];
	[sflag:s9] =	ssyncset.done $0x0  }
0x180: {  	s6 =	sadd.s32 s7, s25;
	[sflag:s9] =	ssyncadd.s32 $0xFFFFF800  }
0x181: {  	[tilespmem:s10], [sflag:$0x3] =	stream.linear.gather [hbm4b:s6+s3], $0x800, $0x38;
	[tilespmem:$0x1CC00] =	vst v63  }
0x182: {  	_ =	swait.ge [sflag:s9], $0x800  }
0x183: {  	[sflag:s9] =	ssyncset.done $0x0  }
0x184: {  	[sflag:s9] =	ssyncadd.s32 $0xFFFFF800  }
0x185: {  	[tilespmem:s8], [sflag:$0x1] =	stream.indirect.gather [hbm4b:s4+s11], $0x80, s3, s11, $0xb8;
	[tilespmem:$0x1CC00] =	vst v63  }
0x186: {  	_ = 	snop  }
0x187: {  	[tilespmem:s12], [sflag:$0x2] =	stream.indirect.gather [hbm4b:s4+s11], $0x80, s11, s11, $0xb8;
	[tilespmem:$0x1CC00] =	vst v63  }
0x188: {  	_ =	swait.ge [sflag:s13], $0x4000  }
0x189: {  	[sflag:s13] =	ssyncset.done $0x0  }
0x18a: {  	[sflag:s13] =	ssyncadd.s32 $0xFFFFC000  }
0x18b: {  	[spmem:s2] =	stream.indirect.scatter.add.f32 [tilespmem:s8], [sflag:$0x3], $0x80, s10, s11, $0xb8;
	[tilespmem:$0x1CC00] =	vst v63  }
0x18c: {  	_ =	swait.ge [sflag:s9], $0x4000  }
0x18d: {  	[sflag:s9] =	ssyncset.done $0x0  }
0x18e: {  	s25 =	rddreg [dreg:$0x6];
	[sflag:s9] =	ssyncadd.s32 $0xFFFFC000  }
0x18f: {  	[tilespmem:s8], [sflag:$0x1] =	stream.indirect.gather [hbm4b:s4+s11], $0x80, s25, s11, $0xb8;
	[tilespmem:$0x1CC00] =	vst v63  }
0x190: {  	_ =	swait.ge [sflag:s14], $0x4000  }
0x191: {  	[sflag:s14] =	ssyncset.done $0x0  }
0x192: {  	s7 =	rddreg [dreg:$0x7];
	[sflag:s14] =	ssyncadd.s32 $0xFFFFC000  }
0x193: {  	[spmem:s2] =	stream.indirect.scatter.add.f32 [tilespmem:s12], [sflag:$0x3], $0x80, s7, s11, $0xb8;
	[tilespmem:$0x1CC00] =	vst v63  }
0x194: {  	_ =	swait.ge [sflag:s9], $0x4000  }
0x195: {  	[sflag:s9] =	ssyncset.done $0x0  }
0x196: {  	s25 =	rddreg [dreg:$0x8];
	[sflag:s9] =	ssyncadd.s32 $0xFFFFC000  }
0x197: {  	[tilespmem:s12], [sflag:$0x2] =	stream.indirect.gather [hbm4b:s4+s11], $0x80, s25, s11, $0xb8;
	[tilespmem:$0x1CC00] =	vst v63  }
0x198: {  	_ =	swait.ge [sflag:s13], $0x4000  }
0x199: {  	[sflag:s13] =	ssyncset.done $0x0  }
0x19a: {  	s7 =	rddreg [dreg:$0x9];
	[sflag:s13] =	ssyncadd.s32 $0xFFFFC000  }
0x19b: {  	[spmem:s2] =	stream.indirect.scatter.add.f32 [tilespmem:s8], [sflag:$0x3], $0x80, s7, s11, $0xb8;
	[tilespmem:$0x1CC00] =	vst v63  }
0x19c: {  	_ =	swait.ge [sflag:s9], $0x4000  }
0x19d: {  	[sflag:s9] =	ssyncset.done $0x0  }
0x19e: {  	s25 =	rddreg [dreg:$0xa];
	[sflag:s9] =	ssyncadd.s32 $0xFFFFC000  }
0x19f: {  	[tilespmem:s8], [sflag:$0x1] =	stream.indirect.gather [hbm4b:s4+s11], $0x80, s25, s11, $0xb8;
	[tilespmem:$0x1CC00] =	vst v63  }
0x1a0: {  	_ =	swait.ge [sflag:s14], $0x4000  }
0x1a1: {  	[sflag:s14] =	ssyncset.done $0x0  }
0x1a2: {  	s7 =	rddreg [dreg:$0xb];
	[sflag:s14] =	ssyncadd.s32 $0xFFFFC000  }
0x1a3: {  	[spmem:s2] =	stream.indirect.scatter.add.f32 [tilespmem:s12], [sflag:$0x3], $0x80, s7, s11, $0xb8;
	[tilespmem:$0x1CC00] =	vst v63  }
0x1a4: {  	_ =	swait.ge [sflag:s9], $0x4000  }
0x1a5: {  	[sflag:s9] =	ssyncset.done $0x0  }
0x1a6: {  	s25 =	rddreg [dreg:$0xc];
	[sflag:s9] =	ssyncadd.s32 $0xFFFFC000  }
0x1a7: {  	[tilespmem:s12], [sflag:$0x2] =	stream.indirect.gather [hbm4b:s4+s11], $0x80, s25, s11, $0xb8;
	[tilespmem:$0x1CC00] =	vst v63  }
0x1a8: {  	_ =	swait.ge [sflag:s13], $0x4000  }
0x1a9: {  	[sflag:s13] =	ssyncset.done $0x0  }
0x1aa: {  	s7 =	rddreg [dreg:$0xd];
	[sflag:s13] =	ssyncadd.s32 $0xFFFFC000  }
0x1ab: {  	[spmem:s2] =	stream.indirect.scatter.add.f32 [tilespmem:s8], [sflag:$0x3], $0x80, s7, s11, $0xb8;
	[tilespmem:$0x1CC00] =	vst v63  }
0x1ac: {  	_ =	swait.ge [sflag:s9], $0x4000  }
0x1ad: {  	[sflag:s9] =	ssyncset.done $0x0  }
0x1ae: {  	s25 =	rddreg [dreg:$0xe];
	[sflag:s9] =	ssyncadd.s32 $0xFFFFC000  }
0x1af: {  	[tilespmem:s8], [sflag:$0x1] =	stream.indirect.gather [hbm4b:s4+s11], $0x80, s25, s11, $0xb8;
	[tilespmem:$0x1CC00] =	vst v63  }
0x1b0: {  	_ =	swait.ge [sflag:s14], $0x4000  }
0x1b1: {  	[sflag:s14] =	ssyncset.done $0x0  }
0x1b2: {  	s7 =	rddreg [dreg:$0xf];
	[sflag:s14] =	ssyncadd.s32 $0xFFFFC000  }
0x1b3: {  	[spmem:s2] =	stream.indirect.scatter.add.f32 [tilespmem:s12], [sflag:$0x3], $0x80, s7, s11, $0xb8;
	[tilespmem:$0x1CC00] =	vst v63  }
0x1b4: {  	_ =	swait.ge [sflag:s9], $0x4000  }
0x1b5: {  	[sflag:s9] =	ssyncset.done $0x0  }
0x1b6: {  	s25 =	rddreg [dreg:$0x10];
	[sflag:s9] =	ssyncadd.s32 $0xFFFFC000  }
0x1b7: {  	[tilespmem:s12], [sflag:$0x2] =	stream.indirect.gather [hbm4b:s4+s11], $0x80, s25, s11, $0xb8;
	[tilespmem:$0x1CC00] =	vst v63  }
0x1b8: {  	_ =	swait.ge [sflag:s13], $0x4000  }
0x1b9: {  	[sflag:s13] =	ssyncset.done $0x0  }
0x1ba: {  	s7 =	rddreg [dreg:$0x11];
	[sflag:s13] =	ssyncadd.s32 $0xFFFFC000  }
0x1bb: {  	[spmem:s2] =	stream.indirect.scatter.add.f32 [tilespmem:s8], [sflag:$0x3], $0x80, s7, s11, $0xb8;
	[tilespmem:$0x1CC00] =	vst v63  }
0x1bc: {  	_ =	swait.ge [sflag:s9], $0x4000  }
0x1bd: {  	[sflag:s9] =	ssyncset.done $0x0  }
0x1be: {  	[sflag:s9] =	ssyncadd.s32 $0xFFFFC000  }
0x1bf: {  	[tilespmem:s8], [sflag:$0x1] =	stream.indirect.gather [hbm4b:s4+s11], $0x80, s15, s11, $0xb8;
	[tilespmem:$0x1CC00] =	vst v63  }
0x1c0: {  	_ =	swait.ge [sflag:s14], $0x4000  }
0x1c1: {  	[sflag:s14] =	ssyncset.done $0x0  }
0x1c2: {  	[sflag:s14] =	ssyncadd.s32 $0xFFFFC000  }
0x1c3: {  	[spmem:s2] =	stream.indirect.scatter.add.f32 [tilespmem:s12], [sflag:$0x3], $0x80, s16, s11, $0xb8;
	[tilespmem:$0x1CC00] =	vst v63  }
0x1c4: {  	_ =	swait.ge [sflag:s9], $0x4000  }
0x1c5: {  	[sflag:s9] =	ssyncset.done $0x0  }
0x1c6: {  	[sflag:s9] =	ssyncadd.s32 $0xFFFFC000  }
0x1c7: {  	[tilespmem:s12], [sflag:$0x2] =	stream.indirect.gather [hbm4b:s4+s11], $0x80, s17, s11, $0xb8;
	[tilespmem:$0x1CC00] =	vst v63  }
0x1c8: {  	_ =	swait.ge [sflag:s13], $0x4000  }
0x1c9: {  	[sflag:s13] =	ssyncset.done $0x0  }
0x1ca: {  	[sflag:s13] =	ssyncadd.s32 $0xFFFFC000  }
0x1cb: {  	[spmem:s2] =	stream.indirect.scatter.add.f32 [tilespmem:s8], [sflag:$0x3], $0x80, s18, s11, $0xb8;
	[tilespmem:$0x1CC00] =	vst v63  }
0x1cc: {  	_ =	swait.ge [sflag:s9], $0x4000  }
0x1cd: {  	[sflag:s9] =	ssyncset.done $0x0  }
0x1ce: {  	[sflag:s9] =	ssyncadd.s32 $0xFFFFC000  }
0x1cf: {  	[tilespmem:s8], [sflag:$0x1] =	stream.indirect.gather [hbm4b:s4+s11], $0x80, s19, s11, $0xb8;
	[tilespmem:$0x1CC00] =	vst v63  }
0x1d0: {  	_ =	swait.ge [sflag:s14], $0x4000  }
0x1d1: {  	[sflag:s14] =	ssyncset.done $0x0  }
0x1d2: {  	[sflag:s14] =	ssyncadd.s32 $0xFFFFC000  }
0x1d3: {  	[spmem:s2] =	stream.indirect.scatter.add.f32 [tilespmem:s12], [sflag:$0x3], $0x80, s20, s11, $0xb8;
	[tilespmem:$0x1CC00] =	vst v63  }
0x1d4: {  	_ =	swait.ge [sflag:s9], $0x4000  }
0x1d5: {  	[sflag:s9] =	ssyncset.done $0x0  }
0x1d6: {  	[sflag:s9] =	ssyncadd.s32 $0xFFFFC000  }
0x1d7: {  	[tilespmem:s12], [sflag:$0x2] =	stream.indirect.gather [hbm4b:s4+s11], $0x80, s21, s11, $0xb8;
	[tilespmem:$0x1CC00] =	vst v63  }
0x1d8: {  	_ =	swait.ge [sflag:s13], $0x4000  }
0x1d9: {  	[sflag:s13] =	ssyncset.done $0x0  }
0x1da: {  	[sflag:s13] =	ssyncadd.s32 $0xFFFFC000  }
0x1db: {  	[spmem:s2] =	stream.indirect.scatter.add.f32 [tilespmem:s8], [sflag:$0x3], $0x80, s22, s11, $0xb8;
	[tilespmem:$0x1CC00] =	vst v63  }
0x1dc: {  	_ =	swait.ge [sflag:s9], $0x4000  }
0x1dd: {  	[sflag:s9] =	ssyncset.done $0x0  }
0x1de: {  	[sflag:s9] =	ssyncadd.s32 $0xFFFFC000  }
0x1df: {  	[tilespmem:s8], [sflag:$0x1] =	stream.indirect.gather [hbm4b:s4+s11], $0x80, s23, s11, $0xb8;
	[tilespmem:$0x1CC00] =	vst v63  }
0x1e0: {  	_ =	swait.ge [sflag:s14], $0x4000  }
0x1e1: {  	[sflag:s14] =	ssyncset.done $0x0  }
0x1e2: {  	[sflag:s14] =	ssyncadd.s32 $0xFFFFC000  }
0x1e3: {  	[spmem:s2] =	stream.indirect.scatter.add.f32 [tilespmem:s12], [sflag:$0x3], $0x80, s24, s11, $0xb8;
	[tilespmem:$0x1CC00] =	vst v63  }
0x1e4: {  	_ =	swait.ge [sflag:s9], $0x4000  }
0x1e5: {  	[sflag:s9] =	ssyncset.done $0x0  }
0x1e6: {  	[sflag:s9] =	ssyncadd.s32 $0xFFFFC000  }
0x1e7: {  	[tilespmem:s12], [sflag:$0x2] =	stream.indirect.gather [hbm4b:s4+s11], $0x80, s26, s11, $0xb8;
	[tilespmem:$0x1CC00] =	vst v63  }
0x1e8: {  	_ =	swait.ge [sflag:s13], $0x4000  }
0x1e9: {  	[sflag:s13] =	ssyncset.done $0x0  }
0x1ea: {  	[sflag:s13] =	ssyncadd.s32 $0xFFFFC000  }
0x1eb: {  	[spmem:s2] =	stream.indirect.scatter.add.f32 [tilespmem:s8], [sflag:$0x3], $0x80, s28, s11, $0xb8;
	[tilespmem:$0x1CC00] =	vst v63  }
0x1ec: {  	_ =	swait.ge [sflag:s9], $0x4000  }
0x1ed: {  	[sflag:s9] =	ssyncset.done $0x0  }
0x1ee: {  	[sflag:s9] =	ssyncadd.s32 $0xFFFFC000  }
0x1ef: {  	[tilespmem:s8], [sflag:$0x1] =	stream.indirect.gather [hbm4b:s4+s11], $0x80, s29, s11, $0xb8;
	[tilespmem:$0x1CC00] =	vst v63  }
0x1f0: {  	_ =	swait.ge [sflag:s14], $0x4000  }
0x1f1: {  	[sflag:s14] =	ssyncset.done $0x0  }
0x1f2: {  	[sflag:s14] =	ssyncadd.s32 $0xFFFFC000  }
0x1f3: {  	[spmem:s2] =	stream.indirect.scatter.add.f32 [tilespmem:s12], [sflag:$0x3], $0x80, s30, s11, $0xb8;
	[tilespmem:$0x1CC00] =	vst v63  }
0x1f4: {  	_ =	swait.ge [sflag:s9], $0x4000  }
0x1f5: {  	[sflag:s9] =	ssyncset.done $0x0  }
0x1f6: {  	[sflag:s9] =	ssyncadd.s32 $0xFFFFC000  }
0x1f7: {  	[tilespmem:s12], [sflag:$0x2] =	stream.indirect.gather [hbm4b:s4+s11], $0x80, s31, s11, $0xb8;
	[tilespmem:$0x1CC00] =	vst v63  }
0x1f8: {  	_ =	swait.ge [sflag:s13], $0x4000  }
0x1f9: {  	[sflag:s13] =	ssyncset.done $0x0  }
0x1fa: {  	[sflag:s13] =	ssyncadd.s32 $0xFFFFC000  }
0x1fb: {  	[spmem:s2] =	stream.indirect.scatter.add.f32 [tilespmem:s8], [sflag:$0x3], $0x80, s1, s11, $0xb8;
	[tilespmem:$0x1CC00] =	vst v63  }
0x1fc: {  	_ =	swait.ge [sflag:s9], $0x4000  }
0x1fd: {  	[sflag:s9] =	ssyncset.done $0x0  }
0x1fe: {  	[sflag:s9] =	ssyncadd.s32 $0xFFFFC000  }
0x1ff: {  	_ =	swait.ge [sflag:s14], $0x4000  }
0x200: {  	[sflag:s14] =	ssyncset.done $0x0  }
0x201: {  	[sflag:s14] =	ssyncadd.s32 $0xFFFFC000  }
0x202: {  	[spmem:s2] =	stream.indirect.scatter.add.f32 [tilespmem:s12], [sflag:$0x3], $0x80, s0, s11, $0xb8;
	[tilespmem:$0x1CC00] =	vst v63  }
0x203: {  	_ =	swait.ge [sflag:s9], $0x4000  }
0x204: {  	[sflag:s9] =	ssyncset.done $0x0  }
0x205: {  	[sflag:s9] =	ssyncadd.s32 $0xFFFFC000  }
0x206: {  	s25 =	stileid.u32;
	[bflag:$0x0] =	sbarrier.arrive $0xFFFF  }
0x207: {  	s6 =	sshll.u32 s25, $0x6;
	s7 =	rddreg [dreg:$0x12]  }
0x208: {  	s6 =	sor.u32 $0x1C03, s6;
	s25 =	rddreg [dreg:$0x14]  }
0x209: {  	[hbm:s7], [sflag:s6] =	dma.local [spmem:s25], $0x2780  }
0x20a: {  	_ =	swait.ge [sflag:s9], $0x2780  }
0x20b: {  	s6 =	rddreg [dreg:$0x15]  }
0x20c: {  	s25 =	rddreg [dreg:$0x13];
	s7 =	sadd.s32 $0x1, s6  }
0x20d: {  	p0 =	sne.s32 s7, s25  }
.Ltmp2:
0x20e: {  	_ = 	snop;
	(pc) =	sbr.rel @p0 .LBB2_1-.Ltmp2, $3  }
0x20f: {  	_ =	sdelay $0x1  }
0x210: {  	[sflag:s9] =	ssyncset.done $0x0  }
0x211: {  	[sflag:s9] =	ssyncadd.s32 $0xFFFFD880  }
0x212: {  	_ =	sfence.sel $0x180000  }
0x213: {  	[bflag:$0x0] =	sbarrier.arrive $0xFFFF  }
0x214: {  	_ =	strace $0x9000004A  }
0x215: {  	s0 =	stileid.u32;
	[bflag:$0x2] =	sbarrier.arrive $0xFFFF  }
0x216: {  	p0 =	sne.s32 s0, $0x0;
	s0 =	rddreg [dreg:$0x3]  }
0x217: {  	s0 =	sadd.s32 @!p0 $0x100000, s0  }
0x218: {  	[sflag:s0] =	ssyncadd.tile.s32 @!p0 $0x1;
	_ =	shalt  }
.Lfunc_end2:
_tile_overlayer_lowered:
.L_overlay_start_2:
0x219: {  	(tag) =	ssettag $0x2  }
0x21a: {  	s0 =	rddreg [dreg:$0x0];
	s2 =	stileid.u32  }
0x21b: {  	s1 =	rddreg [dreg:$0x1];
	p0 =	sne.s32 s2, $0x0  }
0x21c: {  	s3 =	rddreg [dreg:$0x2];
	[bflag:$0x3] =	sbarrier.arrive $0xFFFF;
	s2 =	simm.s32 @!p0 $0x1C03  }
0x21d: {  	[timem:s3], [sflag:s2] =	dma.local @!p0 [hbm:s0], s1  }
0x21e: {  	s0 =	simm.s32 @!p0 $0x3  }
0x21f: {  	_ =	swait.ge @!p0 [sflag:s0], s1  }
0x220: {  	s1 =	ssub.s32 @!p0 $0x0, s1;
	[sflag:s0] =	ssyncset.done @!p0 $0x0  }
0x221: {  	[sflag:s0] =	ssyncadd.s32 @!p0 s1  }
0x222: {  	[bflag:$0x3] =	sbarrier.arrive $0xFFFF  }
0x223: {  	_ =	shalt  }

// kernel: kernel.13.cloned.1.call-start
scs
__scs_entry_jumppad:
0x0: {  	(pc) =	sbr.rel $0x88, $3  }
0x1: {  	(tag) =	ssettag $0x0;
	lr =	simm.s32 $0x1  }
0x2: {  	[smem:$0x3F97] =	sst lr;
	_ =	strace $0xD0000000  }
0x3: {  	_ = 	snop  }
0x4: {  	_ = 	snop  }
0x5: {  	_ = 	snop  }
0x6: {  	_ = 	snop  }
0x7: {  	_ = 	snop  }
__scs_overlays_trampoline_lowered:
0x8: {  	[smem:$0x3FA6] =	sst s0  }
0x9: {  	[smem:$0x3FA7] =	sst s1  }
0xa: {  	[smem:$0x3FA8] =	sst s2  }
0xb: {  	[smem:$0x3FA9] =	sst s3  }
0xc: {  	[smem:$0x3FAA] =	sst s4  }
0xd: {  	[smem:$0x3FAB] =	sst s5  }
0xe: {  	[smem:$0x3FAC] =	sst s6  }
0xf: {  	[smem:$0x3FAD] =	sst s7  }
0x10: {  	[smem:$0x3FAE] =	sst s8  }
0x11: {  	[smem:$0x3FAF] =	sst s9;
	s0 =	simm.s32 @!p0 $0x0  }
0x12: {  	s1 =	sld [smem:$0x3F95];
	s0 =	simm.s32 @p0 $0x1  }
0x13: {  	[smem:$0x3FB0] =	sst s0;
	s0 =	simm.s32 @!p1 $0x0  }
0x14: {  	s2 =	sld [smem:$0x3F94];
	s0 =	simm.s32 @p1 $0x1  }
0x15: {  	[smem:$0x3FB1] =	sst s0;
	s0 =	simm.s32 @!p2 $0x0  }
0x16: {  	s3 =	sld [smem:$0x3FDB];
	s0 =	simm.s32 @p2 $0x1  }
0x17: {  	s4 =	simm.s32 $0x1BF5;
	[smem:$0x3FB3] =	sst s0  }
0x18: {  	s0 =	sld [smem:$0x3F96];
	_ =	swait.ge [sflag:s4], $0x0  }
0x19: {  	s7 =	sld [smem:$0x3F97]  }
0x1a: {  	s8 =	sadd.s32 $0xFFFFE003, lr  }
0x1b: {  	s9 =	sadd.s32 $0xFFFFFEF7, lr;
	s5 =	simm.s32 $0xFFFFFFFF;
	p2 =	slt.u32 s8, $0xFFFFF086  }
0x1c: {  	p1 =	slt.u32 s9, $0xF7A;
	s5 =	simm.s32 @!p2 $0x0  }
0x1d: {  	s5 =	simm.s32 @p1 $0x1;
	p0 =	seq.s32 s7, s2  }
0x1e: {  	s7 =	smul.u32 @!p0 $0xF7A, s2;
	p2 =	seq.s32 @!p0 s5, $0x0  }
0x1f: {  	s9 =	smul.u32 $0xF7A, s1;
	s8 =	simm.s32 @!p0 $0x1BF5;
	p2 =	por !p2, p0  }
0x20: {  	[sflag:s8] =	ssyncset.s32 @!p0 $0xFFFFF086;
	s6 =	sadd.s32 @!p0 s3, s7;
	s7 =	simm.s32 @!p0 $0x108  }
0x21: {  	s3 =	sadd.s32 s3, s9;
	s6 =	sadd.s32 @!p0 $0x88, s6;
	s7 =	simm.s32 @p2 $0x1082  }
0x22: {  	[simem:s7], [sflag:s8] =	dma.local @!p0 [hbm:s6], $0xF7A  }
0x23: {  	s9 =	sor.u32 $0xD0000000, s2;
	s6 =	simm.s32 $0x108;
	_ =	swait.ge @!p0 [sflag:s8], $0x0  }
0x24: {  	s3 =	sadd.s32 $0x88, s3;
	s6 =	simm.s32 @!p1 $0x1082;
	[sflag:s4] =	ssyncset.s32 $0xFFFFF086  }
0x25: {  	[simem:s6], [sflag:s4] =	dma.local [hbm:s3], $0xF7A  }
0x26: {  	[smem:$0x3F97] =	sst s1;
	(tag) =	ssettag s2;
	_ =	strace s9  }
0x27: {  	s1 =	sld [smem:$0x3FA7]  }
0x28: {  	s2 =	sld [smem:$0x3FA8]  }
0x29: {  	s4 =	sld [smem:$0x3FAA]  }
0x2a: {  	p0 =	seq.s32 s5, $0x0;
	s5 =	sld [smem:$0x3FAB]  }
0x2b: {  	s6 =	sld [smem:$0x3FAC]  }
0x2c: {  	s7 =	sld [smem:$0x3FAD]  }
0x2d: {  	s3 =	simm.s32 $0x108;
	s8 =	sld [smem:$0x3FAE]  }
0x2e: {  	s3 =	simm.s32 @!p0 $0x1082;
	s9 =	sld [smem:$0x3FAF]  }
0x2f: {  	lr =	sadd.s32 s0, s3;
	s0 =	sld [smem:$0x3FA6]  }
0x30: {  	s3 =	sld [smem:$0x3FA9]  }
0x31: {  	[smem:$0x3FB2] =	sst s10  }
0x32: {  	s10 =	sld [smem:$0x3FB0];
	_ =	sdelay $0x3  }
0x33: {  	p0 =	seq.s32 s10, $0x1;
	s10 =	sld [smem:$0x3FB2];
	_ =	sdelay $0x3  }
0x34: {  	[smem:$0x3FB2] =	sst s10  }
0x35: {  	s10 =	sld [smem:$0x3FB1];
	_ =	sdelay $0x3  }
0x36: {  	p1 =	seq.s32 s10, $0x1;
	s10 =	sld [smem:$0x3FB2];
	_ =	sdelay $0x3  }
0x37: {  	[smem:$0x3FB2] =	sst s10  }
0x38: {  	s10 =	sld [smem:$0x3FB3]  }
0x39: {  	_ = 	snop;
	(pc) =	sbr.ind lr, $3  }
0x3a: {  	_ = 	snop  }
0x3b: {  	_ = 	snop  }
0x3c: {  	p2 =	seq.s32 s10, $0x1;
	s10 =	sld [smem:$0x3FB2]  }
0x3d: {  	_ =	shalt  }
0x3e: {  	_ =	shalt  }
0x3f: {  	_ =	shalt  }
0x40: {  	_ =	shalt  }
0x41: {  	_ =	shalt  }
0x42: {  	_ =	shalt  }
0x43: {  	_ =	shalt  }
0x44: {  	_ =	shalt  }
0x45: {  	_ =	shalt  }
0x46: {  	_ =	shalt  }
0x47: {  	_ =	shalt  }
0x48: {  	_ =	shalt  }
0x49: {  	_ =	shalt  }
0x4a: {  	_ =	shalt  }
0x4b: {  	_ =	shalt  }
0x4c: {  	_ =	shalt  }
0x4d: {  	_ =	shalt  }
0x4e: {  	_ =	shalt  }
0x4f: {  	_ =	shalt  }
0x50: {  	_ =	shalt  }
0x51: {  	_ =	shalt  }
0x52: {  	_ =	shalt  }
0x53: {  	_ =	shalt  }
0x54: {  	_ =	shalt  }
0x55: {  	_ =	shalt  }
0x56: {  	_ =	shalt  }
0x57: {  	_ =	shalt  }
0x58: {  	_ =	shalt  }
0x59: {  	_ =	shalt  }
0x5a: {  	_ =	shalt  }
0x5b: {  	_ =	shalt  }
0x5c: {  	_ =	shalt  }
0x5d: {  	_ =	shalt  }
0x5e: {  	_ =	shalt  }
0x5f: {  	_ =	shalt  }
0x60: {  	_ =	shalt  }
0x61: {  	_ =	shalt  }
0x62: {  	_ =	shalt  }
0x63: {  	_ =	shalt  }
0x64: {  	_ =	shalt  }
0x65: {  	_ =	shalt  }
0x66: {  	_ =	shalt  }
0x67: {  	_ =	shalt  }
0x68: {  	_ =	shalt  }
0x69: {  	_ =	shalt  }
0x6a: {  	_ =	shalt  }
0x6b: {  	_ =	shalt  }
0x6c: {  	_ =	shalt  }
0x6d: {  	_ =	shalt  }
0x6e: {  	_ =	shalt  }
0x6f: {  	_ =	shalt  }
0x70: {  	_ =	shalt  }
0x71: {  	_ =	shalt  }
0x72: {  	_ =	shalt  }
0x73: {  	_ =	shalt  }
0x74: {  	_ =	shalt  }
0x75: {  	_ =	shalt  }
0x76: {  	_ =	shalt  }
0x77: {  	_ =	shalt  }
0x78: {  	_ =	shalt  }
0x79: {  	_ =	shalt  }
0x7a: {  	_ =	shalt  }
0x7b: {  	_ =	shalt  }
0x7c: {  	_ =	shalt  }
0x7d: {  	_ =	shalt  }
0x7e: {  	_ =	shalt  }
0x7f: {  	_ =	shalt  }
0x80: {  	_ =	shalt  }
0x81: {  	_ =	shalt  }
0x82: {  	_ =	shalt  }
0x83: {  	_ =	shalt  }
0x84: {  	_ =	shalt  }
0x85: {  	_ =	shalt  }
0x86: {  	_ =	shalt  }
0x87: {  	_ =	shalt  }
.Lfunc_end0:
.L_simem_size_0:
called_computation.2_lowered:
.L_overlay_start_0:
0x88: {  	s2 =	sld [smem:$0x3FD9]  }
0x89: {  	s3 =	sld [smem:$0x3FFE];
	_ =	sdelay $0x1  }
0x8a: {  	s1 =	srdreg.scid  }
0x8b: {  	s0 =	sand.u32 $0x1, s1  }
0x8c: {  	s17 =	sshll.u32 s0, $0xA;
	s2 =	sadd.s32 s3, s2  }
0x8d: {  	s2 =	sadd.s32 s2, s17  }
0x8e: {  	[smem:$0x3FBE] =	sst s2  }
0x8f: {  	_ = 	snop  }
0x90: {  	s2 =	sld [smem:$0x3FD0];
	(tm) =	ssettm $0x1  }
0x91: {  	s18 =	sld [smem:$0x3FFB];
	_ =	sdelay $0x3  }
0x92: {  	_ =	strace s18  }
0x93: {  	s3 =	sld [smem:$0x3FFC];
	_ =	sdelay $0x3  }
0x94: {  	_ =	strace s3  }
0x95: {  	s3 =	sld [smem:$0x3FFD];
	_ =	sdelay $0x3  }
0x96: {  	_ =	strace s3  }
0x97: {  	_ =	strace $0x8FFFFFFF  }
0x98: {  	s19 =	sld [smem:$0x3FDB];
	_ =	sdelay $0x1  }
0x99: {  	s4 =	simm.s32 $_scs_section_size  }
0x9a: {  	s5 =	simm.s32 $_size__tile_overlayer_lowered;
	s6 =	simm.s32 $_tile_overlayer_lowered  }
0x9b: {  	s22 =	simm.s32 $0x1BFF;
	s21 =	sshll.u32 s6, $0x1;
	s3 =	sadd.s32 s4, s19  }
0x9c: {  	s7 =	simm.s32 $0x0;
	s20 =	sshll.u32 s5, $0x1;
	s5 =	sadd.s32 s21, s3  }
0x9d: {  	[timem:s7], [sflag:s22] =	dma.local [hbm:s5], s20  }
0x9e: {  	_ =	swait.ge [sflag:s22], s20  }
0x9f: {  	s4 =	ssub.s32 $0x0, s20;
	[sflag:s22] =	ssyncset.done $0x0  }
0xa0: {  	[sflag:s22] =	ssyncadd.s32 s4;
	_ =	sdelay $0x1  }
0xa1: {  	s23 =	simm.s32 $0x1B8B  }
0xa2: {  	_ =	swait.ge [sflag:s23], $0x1  }
0xa3: {  	[sflag:s23] =	ssyncset.done $0x0  }
0xa4: {  	s25 =	simm.s32 $0x1B8E;
	s24 =	sld [smem:$0x3FFE];
	[sflag:s23] =	ssyncadd.s32 $0xFFFFFFFF  }
0xa5: {  	s26 =	simm.s32 $execute0_lowered;
	[smem:$0x3FD2] =	sst s25  }
0xa6: {  	s5 =	sshll.u32 s26, $0x1;
	_ =	strace $0x8000004C;
	[dreg:$0x1] =	wrdreg $0xFFFFFFFF  }
0xa7: {  	s28 =	simm.s32 $_size_execute0_lowered;
	s3 =	sadd.s32 s3, s5;
	[dreg:$0x0] =	wrdreg $0x0  }
0xa8: {  	s5 =	sshll.u32 s28, $0x1;
	[dreg:$0x2] =	wrdreg s3  }
0xa9: {  	[dreg:$0x3] =	wrdreg s5  }
0xaa: {  	[dreg:$0x4] =	wrdreg $0xC0  }
0xab: {  	_ =	task [dreg:s7], $0x5FFFF  }
0xac: {  	[dreg:$0x1] =	wrdreg $0xFFFFFFFF  }
0xad: {  	[dreg:$0x0] =	wrdreg $0x60  }
0xae: {  	[dreg:$0x2] =	wrdreg s24  }
0xaf: {  	[dreg:$0x3] =	wrdreg s2  }
0xb0: {  	[dreg:$0x4] =	wrdreg $0x90000  }
0xb1: {  	[dreg:$0x5] =	wrdreg $0x9  }
0xb2: {  	_ =	task.clear_ibuf [dreg:s7], $0x6FFFF;
	_ =	strace $0x9000004C  }
0xb3: {  	s29 =	simm.s32 $0x9;
	_ =	strace $0x8000004E  }
0xb4: {  	_ =	swait.ge [sflag:s29], $0x1  }
0xb5: {  	[sflag:s29] =	ssyncadd.s32 $0xFFFFFFFF  }
0xb6: {  	_ =	strace $0x9000004E  }
0xb7: {  	_ =	sfence  }
0xb8: {  	s30 =	sld [smem:$0x0];
	_ =	sdelay $0x2  }
0xb9: {  	s31 =	sshll.u32 s1, $0xD;
	s1 =	sshrl.u32 s1, $0x2  }
0xba: {  	s3 =	sand.u32 $0x4000, s31;
	s1 =	sadd.s32 s1, s30  }
0xbb: {  	s0 =	sor.u32 s3, s0;
	s1 =	sshll.u32 s1, $0x11  }
0xbc: {  	s0 =	sor.u32 s1, s0  }
0xbd: {  	s0 =	sadd.s32 $0x8F2B, s0  }
0xbe: {  	[sflag:s0] =	ssyncadd.remote.s32 $0x1  }
0xbf: {  	_ =	sfence.sel $0xFFFF  }
0xc0: {  	[dreg:$0x0] =	wrdreg $0xFFFFFFFF;
	(pc) =	sbr.abs _section_cstart, $3  }
0xc1: {  	[dreg:$0x1] =	wrdreg $0xFFFFFFFF  }
0xc2: {  	_ =	task.clear_ibuf [dreg:s7], $0x2FFFF;
	_ =	strace $0x9FFFFFFF  }
0xc3: {  	(tm) =	ssettm $0x7FFFFFFF  }
tec
execute0_lowered:
.L_overlay_start_1:
0x0: {  	(tag) =	ssettag $0x1  }
0x1: {  	s0 =	rddreg [dreg:$0x0]  }
0x2: {  	s1 =	srdreg.scid;
	s5 =	rddreg [dreg:$0x1]  }
0x3: {  	s10 =	stileid.u32;
	s2 =	rddreg [dreg:$0x2]  }
0x4: {  	s3 =	simm.s32 $0x0;
	s23 =	simm.s32 $0x100;
	s25 =	simm.s32 $0x880  }
0x5: {  	s26 =	simm.s32 $0x180;
	s18 =	simm.s32 $0x200;
	s19 =	simm.s32 $0x980  }
0x6: {  	s20 =	simm.s32 $0x280;
	s21 =	simm.s32 $0xA00;
	s11 =	simm.s32 $0x80  }
0x7: {  	s12 =	simm.s32 $0x5000;
	s13 =	simm.s32 $0x1;
	s14 =	simm.s32 $0x2  }
0x8: {  	s15 =	simm.s32 $0x400;
	s16 =	simm.s32 $0xB80;
	[smem:$0x7FF] =	sst s3  }
0x9: {  	s17 =	simm.s32 $0x480;
	_ =	strace $0x8000004D;
	[dreg:$0x6] =	wrdreg s23  }
0xa: {  	s28 =	simm.s32 $0xE00;
	s6 =	smul.u32 $0x2800, s10;
	[dreg:$0x7] =	wrdreg s25  }
0xb: {  	s29 =	simm.s32 $0x700;
	s8 =	smul.u32 $0x13C00, s10;
	[dreg:$0x8] =	wrdreg s26  }
0xc: {  	s1 =	sand.u32 $0x1, s1;
	s10 =	smul.u32 $0x4F000, s10;
	[dreg:$0xa] =	wrdreg s18  }
0xd: {  	s30 =	simm.s32 $0xE80;
	s4 =	smul.u32 $0x28000, s1;
	[dreg:$0xb] =	wrdreg s19  }
0xe: {  	s31 =	simm.s32 $0x780;
	s7 =	smul.u32 $0x13C000, s1;
	[dreg:$0xc] =	wrdreg s20  }
0xf: {  	s1 =	ssub.s32 $0x2, s1;
	[dreg:$0xd] =	wrdreg s21;
	s23 =	simm.s32 $0xA80  }
0x10: {  	s25 =	simm.s32 $0xB00;
	s18 =	simm.s32 $0xC00;
	s19 =	simm.s32 $0x500  }
0x11: {  	s20 =	simm.s32 $0xC80;
	s21 =	simm.s32 $0x580;
	s22 =	sshrl.u32 s1, $0x1  }
0x12: {  	s24 =	sshrl.u32 s10, $0x2;
	s10 =	simm.s32 $0x800;
	[dreg:$0xf] =	wrdreg s23  }
0x13: {  	[dreg:$0x11] =	wrdreg s25;
	s23 =	simm.s32 $0x600;
	s6 =	sadd.s32 s6, s4  }
0x14: {  	s4 =	sadd.s32 $0x3200, s0;
	s7 =	sadd.s32 s8, s7;
	s1 =	ssub.s32 s1, s22  }
0x15: {  	s22 =	simm.s32 $0x300;
	s6 =	sshrl.u32 s6, $0x3;
	s7 =	sshrl.u32 s7, $0x3  }
0x16: {  	s1 =	smax.u32 s1, $0x1;
	[dreg:$0xe] =	wrdreg s22;
	s22 =	simm.s32 $0xD00  }
0x17: {  	s9 =	sadd.s32 s6, s0;
	s0 =	sadd.s32 s7, s0;
	s5 =	sadd.s32 s6, s5  }
0x18: {  	s6 =	simm.s32 $0x900;
	s7 =	sadd.s32 s8, s2;
	[dreg:$0x13] =	wrdreg s1  }
0x19: {  	s8 =	simm.s32 $0x1000;
	s1 =	simm.s32 $0xF00;
	[dreg:$0x5] =	wrdreg s5  }
0x1a: {  	s9 =	sadd.s32 $0x5C800, s9;
	s5 =	sadd.s32 s24, s2;
	[dreg:$0x9] =	wrdreg s6  }
0x1b: {  	s0 =	sadd.s32 $0x66800, s0;
	s24 =	simm.s32 $0x380;
	[dreg:$0x4] =	wrdreg s9  }
0x1c: {  	s26 =	sshrl.u32 s7, $0x3;
	s7 =	simm.s32 $0x0;
	[dreg:$0x12] =	wrdreg s0  }
0x1d: {  	s9 =	simm.s32 $0x3;
	[dreg:$0x10] =	wrdreg s24;
	s24 =	simm.s32 $0xD80  }
0x1e: {  	v0 =	vimm.f32 $0.0e+00;
	[dreg:$0x14] =	wrdreg s26;
	s26 =	simm.s32 $0x680;
	s0 =	simm.s32 $0xF80  }
.LBB2_1:
0x1f: {  	[tilespmem:$0x1000] =	vst v0  }
0x20: {  	[tilespmem:$0x1010] =	vst v0  }
0x21: {  	[tilespmem:$0x1020] =	vst v0  }
0x22: {  	[tilespmem:$0x1030] =	vst v0  }
0x23: {  	[tilespmem:$0x1040] =	vst v0  }
0x24: {  	[tilespmem:$0x1050] =	vst v0  }
0x25: {  	[tilespmem:$0x1060] =	vst v0  }
0x26: {  	[tilespmem:$0x1070] =	vst v0  }
0x27: {  	[tilespmem:$0x1080] =	vst v0  }
0x28: {  	[tilespmem:$0x1090] =	vst v0  }
0x29: {  	[tilespmem:$0x10A0] =	vst v0  }
0x2a: {  	[tilespmem:$0x10B0] =	vst v0  }
0x2b: {  	[tilespmem:$0x10C0] =	vst v0  }
0x2c: {  	[tilespmem:$0x10D0] =	vst v0  }
0x2d: {  	[tilespmem:$0x10E0] =	vst v0  }
0x2e: {  	[tilespmem:$0x10F0] =	vst v0  }
0x2f: {  	[tilespmem:$0x1100] =	vst v0  }
0x30: {  	[tilespmem:$0x1110] =	vst v0  }
0x31: {  	[tilespmem:$0x1120] =	vst v0  }
0x32: {  	[tilespmem:$0x1130] =	vst v0  }
0x33: {  	[tilespmem:$0x1140] =	vst v0  }
0x34: {  	[tilespmem:$0x1150] =	vst v0  }
0x35: {  	[tilespmem:$0x1160] =	vst v0  }
0x36: {  	[tilespmem:$0x1170] =	vst v0  }
0x37: {  	[tilespmem:$0x1180] =	vst v0  }
0x38: {  	[tilespmem:$0x1190] =	vst v0  }
0x39: {  	[tilespmem:$0x11A0] =	vst v0  }
0x3a: {  	[tilespmem:$0x11B0] =	vst v0  }
0x3b: {  	[tilespmem:$0x11C0] =	vst v0  }
0x3c: {  	[tilespmem:$0x11D0] =	vst v0  }
0x3d: {  	[tilespmem:$0x11E0] =	vst v0  }
0x3e: {  	[tilespmem:$0x11F0] =	vst v0  }
0x3f: {  	[tilespmem:$0x1200] =	vst v0  }
0x40: {  	[tilespmem:$0x1210] =	vst v0  }
0x41: {  	[tilespmem:$0x1220] =	vst v0  }
0x42: {  	[tilespmem:$0x1230] =	vst v0  }
0x43: {  	[tilespmem:$0x1240] =	vst v0  }
0x44: {  	[tilespmem:$0x1250] =	vst v0  }
0x45: {  	[tilespmem:$0x1260] =	vst v0  }
0x46: {  	[tilespmem:$0x1270] =	vst v0  }
0x47: {  	[tilespmem:$0x1280] =	vst v0  }
0x48: {  	[tilespmem:$0x1290] =	vst v0  }
0x49: {  	[tilespmem:$0x12A0] =	vst v0  }
0x4a: {  	[tilespmem:$0x12B0] =	vst v0  }
0x4b: {  	[tilespmem:$0x12C0] =	vst v0  }
0x4c: {  	[tilespmem:$0x12D0] =	vst v0  }
0x4d: {  	[tilespmem:$0x12E0] =	vst v0  }
0x4e: {  	[tilespmem:$0x12F0] =	vst v0  }
0x4f: {  	[tilespmem:$0x1300] =	vst v0  }
0x50: {  	[tilespmem:$0x1310] =	vst v0  }
0x51: {  	[tilespmem:$0x1320] =	vst v0  }
0x52: {  	[tilespmem:$0x1330] =	vst v0  }
0x53: {  	[tilespmem:$0x1340] =	vst v0  }
0x54: {  	[tilespmem:$0x1350] =	vst v0  }
0x55: {  	[tilespmem:$0x1360] =	vst v0  }
0x56: {  	[tilespmem:$0x1370] =	vst v0  }
0x57: {  	[tilespmem:$0x1380] =	vst v0  }
0x58: {  	[tilespmem:$0x1390] =	vst v0  }
0x59: {  	[tilespmem:$0x13A0] =	vst v0  }
0x5a: {  	[tilespmem:$0x13B0] =	vst v0  }
0x5b: {  	[tilespmem:$0x13C0] =	vst v0  }
0x5c: {  	[tilespmem:$0x13D0] =	vst v0  }
0x5d: {  	[tilespmem:$0x13E0] =	vst v0  }
0x5e: {  	[dreg:$0x15] =	wrdreg s7;
	[tilespmem:$0x13F0] =	vst v0;
	s6 =	sadd.s32 $0x0, s5  }
0x5f: {  	[spmem:s6] =	stream.linear.scatter [tilespmem:s8], [sflag:$0x3], $0x400, $0x38;
	[tilespmem:$0x1CC00] =	vst v63  }
0x60: {  	s7 =	simm.s32 $0x1000;
	_ =	swait.ge [sflag:s9], $0x400  }
.LBB2_2:
0x61: {  	s6 =	sshra.s32 s7, $0x2;
	[sflag:s9] =	ssyncset.done $0x0;
	p0 =	sne.s32 s7, $0x4E000  }
.Ltmp0:
0x62: {  	s6 =	sadd.s32 s6, s5;
	[sflag:s9] =	ssyncadd.s32 $0xFFFFFC00;
	(pc) =	sbr.rel @p0 .LBB2_2-.Ltmp0, $3  }
0x63: {  	[spmem:s6] =	stream.linear.scatter [tilespmem:s8], [sflag:$0x3], $0x400, $0x38;
	[tilespmem:$0x1CC00] =	vst v63  }
0x64: {  	s7 =	sadd.s32 $0x1000, s7;
	_ =	sdelay $0x1  }
0x65: {  	_ =	swait.ge [sflag:s9], $0x400  }
0x66: {  	[sflag:s9] =	ssyncset.done $0x0  }
0x67: {  	[sflag:s9] =	ssyncadd.s32 $0xFFFFFC00  }
0x68: {  	[bflag:$0x0] =	sbarrier.arrive $0xFFFF  }
0x69: {  	s6 =	rddreg [dreg:$0x5]  }
0x6a: {  	s6 =	sadd.s32 $0x0, s6  }
0x6b: {  	[tilespmem:s3], [sflag:$0x3] =	stream.linear.gather [hbm4b:s6+s3], $0x800, $0x38;
	[tilespmem:$0x1CC00] =	vst v63  }
0x6c: {  	_ =	swait.ge [sflag:s9], $0x800  }
0x6d: {  	s25 =	rddreg [dreg:$0x4];
	[sflag:s9] =	ssyncset.done $0x0  }
0x6e: {  	[sflag:s9] =	ssyncadd.s32 $0xFFFFF800;
	s6 =	sadd.s32 $0x0, s25  }
0x6f: {  	[tilespmem:s10], [sflag:$0x3] =	stream.linear.gather [hbm4b:s6+s3], $0x800, $0x38;
	[tilespmem:$0x1CC00] =	vst v63  }
0x70: {  	_ =	swait.ge [sflag:s9], $0x800  }
0x71: {  	[sflag:s9] =	ssyncset.done $0x0  }
0x72: {  	[sflag:s9] =	ssyncadd.s32 $0xFFFFF800  }
0x73: {  	[tilespmem:s8], [sflag:$0x1] =	stream.indirect.gather [hbm4b:s4+s11], $0x80, s3, s11, $0xb8;
	[tilespmem:$0x1CC00] =	vst v63  }
0x74: {  	_ = 	snop  }
0x75: {  	[tilespmem:s12], [sflag:$0x2] =	stream.indirect.gather [hbm4b:s4+s11], $0x80, s11, s11, $0xb8;
	[tilespmem:$0x1CC00] =	vst v63  }
0x76: {  	_ =	swait.ge [sflag:s13], $0x4000  }
0x77: {  	[sflag:s13] =	ssyncset.done $0x0  }
0x78: {  	[sflag:s13] =	ssyncadd.s32 $0xFFFFC000  }
0x79: {  	[spmem:s2] =	stream.indirect.scatter.add.f32 [tilespmem:s8], [sflag:$0x3], $0x80, s10, s11, $0xb8;
	[tilespmem:$0x1CC00] =	vst v63  }
0x7a: {  	_ =	swait.ge [sflag:s9], $0x4000  }
0x7b: {  	[sflag:s9] =	ssyncset.done $0x0  }
0x7c: {  	s7 =	rddreg [dreg:$0x6];
	[sflag:s9] =	ssyncadd.s32 $0xFFFFC000  }
0x7d: {  	[tilespmem:s8], [sflag:$0x1] =	stream.indirect.gather [hbm4b:s4+s11], $0x80, s7, s11, $0xb8;
	[tilespmem:$0x1CC00] =	vst v63  }
0x7e: {  	_ =	swait.ge [sflag:s14], $0x4000  }
0x7f: {  	[sflag:s14] =	ssyncset.done $0x0  }
0x80: {  	s25 =	rddreg [dreg:$0x7];
	[sflag:s14] =	ssyncadd.s32 $0xFFFFC000  }
0x81: {  	[spmem:s2] =	stream.indirect.scatter.add.f32 [tilespmem:s12], [sflag:$0x3], $0x80, s25, s11, $0xb8;
	[tilespmem:$0x1CC00] =	vst v63  }
0x82: {  	_ =	swait.ge [sflag:s9], $0x4000  }
0x83: {  	[sflag:s9] =	ssyncset.done $0x0  }
0x84: {  	s7 =	rddreg [dreg:$0x8];
	[sflag:s9] =	ssyncadd.s32 $0xFFFFC000  }
0x85: {  	[tilespmem:s12], [sflag:$0x2] =	stream.indirect.gather [hbm4b:s4+s11], $0x80, s7, s11, $0xb8;
	[tilespmem:$0x1CC00] =	vst v63  }
0x86: {  	_ =	swait.ge [sflag:s13], $0x4000  }
0x87: {  	[sflag:s13] =	ssyncset.done $0x0  }
0x88: {  	s25 =	rddreg [dreg:$0x9];
	[sflag:s13] =	ssyncadd.s32 $0xFFFFC000  }
0x89: {  	[spmem:s2] =	stream.indirect.scatter.add.f32 [tilespmem:s8], [sflag:$0x3], $0x80, s25, s11, $0xb8;
	[tilespmem:$0x1CC00] =	vst v63  }
0x8a: {  	_ =	swait.ge [sflag:s9], $0x4000  }
0x8b: {  	[sflag:s9] =	ssyncset.done $0x0  }
0x8c: {  	s7 =	rddreg [dreg:$0xa];
	[sflag:s9] =	ssyncadd.s32 $0xFFFFC000  }
0x8d: {  	[tilespmem:s8], [sflag:$0x1] =	stream.indirect.gather [hbm4b:s4+s11], $0x80, s7, s11, $0xb8;
	[tilespmem:$0x1CC00] =	vst v63  }
0x8e: {  	_ =	swait.ge [sflag:s14], $0x4000  }
0x8f: {  	[sflag:s14] =	ssyncset.done $0x0  }
0x90: {  	s25 =	rddreg [dreg:$0xb];
	[sflag:s14] =	ssyncadd.s32 $0xFFFFC000  }
0x91: {  	[spmem:s2] =	stream.indirect.scatter.add.f32 [tilespmem:s12], [sflag:$0x3], $0x80, s25, s11, $0xb8;
	[tilespmem:$0x1CC00] =	vst v63  }
0x92: {  	_ =	swait.ge [sflag:s9], $0x4000  }
0x93: {  	[sflag:s9] =	ssyncset.done $0x0  }
0x94: {  	s7 =	rddreg [dreg:$0xc];
	[sflag:s9] =	ssyncadd.s32 $0xFFFFC000  }
0x95: {  	[tilespmem:s12], [sflag:$0x2] =	stream.indirect.gather [hbm4b:s4+s11], $0x80, s7, s11, $0xb8;
	[tilespmem:$0x1CC00] =	vst v63  }
0x96: {  	_ =	swait.ge [sflag:s13], $0x4000  }
0x97: {  	[sflag:s13] =	ssyncset.done $0x0  }
0x98: {  	s25 =	rddreg [dreg:$0xd];
	[sflag:s13] =	ssyncadd.s32 $0xFFFFC000  }
0x99: {  	[spmem:s2] =	stream.indirect.scatter.add.f32 [tilespmem:s8], [sflag:$0x3], $0x80, s25, s11, $0xb8;
	[tilespmem:$0x1CC00] =	vst v63  }
0x9a: {  	_ =	swait.ge [sflag:s9], $0x4000  }
0x9b: {  	[sflag:s9] =	ssyncset.done $0x0  }
0x9c: {  	s7 =	rddreg [dreg:$0xe];
	[sflag:s9] =	ssyncadd.s32 $0xFFFFC000  }
0x9d: {  	[tilespmem:s8], [sflag:$0x1] =	stream.indirect.gather [hbm4b:s4+s11], $0x80, s7, s11, $0xb8;
	[tilespmem:$0x1CC00] =	vst v63  }
0x9e: {  	_ =	swait.ge [sflag:s14], $0x4000  }
0x9f: {  	[sflag:s14] =	ssyncset.done $0x0  }
0xa0: {  	s25 =	rddreg [dreg:$0xf];
	[sflag:s14] =	ssyncadd.s32 $0xFFFFC000  }
0xa1: {  	[spmem:s2] =	stream.indirect.scatter.add.f32 [tilespmem:s12], [sflag:$0x3], $0x80, s25, s11, $0xb8;
	[tilespmem:$0x1CC00] =	vst v63  }
0xa2: {  	_ =	swait.ge [sflag:s9], $0x4000  }
0xa3: {  	[sflag:s9] =	ssyncset.done $0x0  }
0xa4: {  	s7 =	rddreg [dreg:$0x10];
	[sflag:s9] =	ssyncadd.s32 $0xFFFFC000  }
0xa5: {  	[tilespmem:s12], [sflag:$0x2] =	stream.indirect.gather [hbm4b:s4+s11], $0x80, s7, s11, $0xb8;
	[tilespmem:$0x1CC00] =	vst v63  }
0xa6: {  	_ =	swait.ge [sflag:s13], $0x4000  }
0xa7: {  	[sflag:s13] =	ssyncset.done $0x0  }
0xa8: {  	s25 =	rddreg [dreg:$0x11];
	[sflag:s13] =	ssyncadd.s32 $0xFFFFC000  }
0xa9: {  	[spmem:s2] =	stream.indirect.scatter.add.f32 [tilespmem:s8], [sflag:$0x3], $0x80, s25, s11, $0xb8;
	[tilespmem:$0x1CC00] =	vst v63  }
0xaa: {  	_ =	swait.ge [sflag:s9], $0x4000  }
0xab: {  	[sflag:s9] =	ssyncset.done $0x0  }
0xac: {  	[sflag:s9] =	ssyncadd.s32 $0xFFFFC000  }
0xad: {  	[tilespmem:s8], [sflag:$0x1] =	stream.indirect.gather [hbm4b:s4+s11], $0x80, s15, s11, $0xb8;
	[tilespmem:$0x1CC00] =	vst v63  }
0xae: {  	_ =	swait.ge [sflag:s14], $0x4000  }
0xaf: {  	[sflag:s14] =	ssyncset.done $0x0  }
0xb0: {  	[sflag:s14] =	ssyncadd.s32 $0xFFFFC000  }
0xb1: {  	[spmem:s2] =	stream.indirect.scatter.add.f32 [tilespmem:s12], [sflag:$0x3], $0x80, s16, s11, $0xb8;
	[tilespmem:$0x1CC00] =	vst v63  }
0xb2: {  	_ =	swait.ge [sflag:s9], $0x4000  }
0xb3: {  	[sflag:s9] =	ssyncset.done $0x0  }
0xb4: {  	[sflag:s9] =	ssyncadd.s32 $0xFFFFC000  }
0xb5: {  	[tilespmem:s12], [sflag:$0x2] =	stream.indirect.gather [hbm4b:s4+s11], $0x80, s17, s11, $0xb8;
	[tilespmem:$0x1CC00] =	vst v63  }
0xb6: {  	_ =	swait.ge [sflag:s13], $0x4000  }
0xb7: {  	[sflag:s13] =	ssyncset.done $0x0  }
0xb8: {  	[sflag:s13] =	ssyncadd.s32 $0xFFFFC000  }
0xb9: {  	[spmem:s2] =	stream.indirect.scatter.add.f32 [tilespmem:s8], [sflag:$0x3], $0x80, s18, s11, $0xb8;
	[tilespmem:$0x1CC00] =	vst v63  }
0xba: {  	_ =	swait.ge [sflag:s9], $0x4000  }
0xbb: {  	[sflag:s9] =	ssyncset.done $0x0  }
0xbc: {  	[sflag:s9] =	ssyncadd.s32 $0xFFFFC000  }
0xbd: {  	[tilespmem:s8], [sflag:$0x1] =	stream.indirect.gather [hbm4b:s4+s11], $0x80, s19, s11, $0xb8;
	[tilespmem:$0x1CC00] =	vst v63  }
0xbe: {  	_ =	swait.ge [sflag:s14], $0x4000  }
0xbf: {  	[sflag:s14] =	ssyncset.done $0x0  }
0xc0: {  	[sflag:s14] =	ssyncadd.s32 $0xFFFFC000  }
0xc1: {  	[spmem:s2] =	stream.indirect.scatter.add.f32 [tilespmem:s12], [sflag:$0x3], $0x80, s20, s11, $0xb8;
	[tilespmem:$0x1CC00] =	vst v63  }
0xc2: {  	_ =	swait.ge [sflag:s9], $0x4000  }
0xc3: {  	[sflag:s9] =	ssyncset.done $0x0  }
0xc4: {  	[sflag:s9] =	ssyncadd.s32 $0xFFFFC000  }
0xc5: {  	[tilespmem:s12], [sflag:$0x2] =	stream.indirect.gather [hbm4b:s4+s11], $0x80, s21, s11, $0xb8;
	[tilespmem:$0x1CC00] =	vst v63  }
0xc6: {  	_ =	swait.ge [sflag:s13], $0x4000  }
0xc7: {  	[sflag:s13] =	ssyncset.done $0x0  }
0xc8: {  	[sflag:s13] =	ssyncadd.s32 $0xFFFFC000  }
0xc9: {  	[spmem:s2] =	stream.indirect.scatter.add.f32 [tilespmem:s8], [sflag:$0x3], $0x80, s22, s11, $0xb8;
	[tilespmem:$0x1CC00] =	vst v63  }
0xca: {  	_ =	swait.ge [sflag:s9], $0x4000  }
0xcb: {  	[sflag:s9] =	ssyncset.done $0x0  }
0xcc: {  	[sflag:s9] =	ssyncadd.s32 $0xFFFFC000  }
0xcd: {  	[tilespmem:s8], [sflag:$0x1] =	stream.indirect.gather [hbm4b:s4+s11], $0x80, s23, s11, $0xb8;
	[tilespmem:$0x1CC00] =	vst v63  }
0xce: {  	_ =	swait.ge [sflag:s14], $0x4000  }
0xcf: {  	[sflag:s14] =	ssyncset.done $0x0  }
0xd0: {  	[sflag:s14] =	ssyncadd.s32 $0xFFFFC000  }
0xd1: {  	[spmem:s2] =	stream.indirect.scatter.add.f32 [tilespmem:s12], [sflag:$0x3], $0x80, s24, s11, $0xb8;
	[tilespmem:$0x1CC00] =	vst v63  }
0xd2: {  	_ =	swait.ge [sflag:s9], $0x4000  }
0xd3: {  	[sflag:s9] =	ssyncset.done $0x0  }
0xd4: {  	[sflag:s9] =	ssyncadd.s32 $0xFFFFC000  }
0xd5: {  	[tilespmem:s12], [sflag:$0x2] =	stream.indirect.gather [hbm4b:s4+s11], $0x80, s26, s11, $0xb8;
	[tilespmem:$0x1CC00] =	vst v63  }
0xd6: {  	_ =	swait.ge [sflag:s13], $0x4000  }
0xd7: {  	[sflag:s13] =	ssyncset.done $0x0  }
0xd8: {  	[sflag:s13] =	ssyncadd.s32 $0xFFFFC000  }
0xd9: {  	[spmem:s2] =	stream.indirect.scatter.add.f32 [tilespmem:s8], [sflag:$0x3], $0x80, s28, s11, $0xb8;
	[tilespmem:$0x1CC00] =	vst v63  }
0xda: {  	_ =	swait.ge [sflag:s9], $0x4000  }
0xdb: {  	[sflag:s9] =	ssyncset.done $0x0  }
0xdc: {  	[sflag:s9] =	ssyncadd.s32 $0xFFFFC000  }
0xdd: {  	[tilespmem:s8], [sflag:$0x1] =	stream.indirect.gather [hbm4b:s4+s11], $0x80, s29, s11, $0xb8;
	[tilespmem:$0x1CC00] =	vst v63  }
0xde: {  	_ =	swait.ge [sflag:s14], $0x4000  }
0xdf: {  	[sflag:s14] =	ssyncset.done $0x0  }
0xe0: {  	[sflag:s14] =	ssyncadd.s32 $0xFFFFC000  }
0xe1: {  	[spmem:s2] =	stream.indirect.scatter.add.f32 [tilespmem:s12], [sflag:$0x3], $0x80, s30, s11, $0xb8;
	[tilespmem:$0x1CC00] =	vst v63  }
0xe2: {  	_ =	swait.ge [sflag:s9], $0x4000  }
0xe3: {  	[sflag:s9] =	ssyncset.done $0x0  }
0xe4: {  	[sflag:s9] =	ssyncadd.s32 $0xFFFFC000  }
0xe5: {  	[tilespmem:s12], [sflag:$0x2] =	stream.indirect.gather [hbm4b:s4+s11], $0x80, s31, s11, $0xb8;
	[tilespmem:$0x1CC00] =	vst v63  }
0xe6: {  	_ =	swait.ge [sflag:s13], $0x4000  }
0xe7: {  	[sflag:s13] =	ssyncset.done $0x0  }
0xe8: {  	[sflag:s13] =	ssyncadd.s32 $0xFFFFC000  }
0xe9: {  	[spmem:s2] =	stream.indirect.scatter.add.f32 [tilespmem:s8], [sflag:$0x3], $0x80, s1, s11, $0xb8;
	[tilespmem:$0x1CC00] =	vst v63  }
0xea: {  	_ =	swait.ge [sflag:s9], $0x4000  }
0xeb: {  	[sflag:s9] =	ssyncset.done $0x0  }
0xec: {  	[sflag:s9] =	ssyncadd.s32 $0xFFFFC000  }
0xed: {  	_ =	swait.ge [sflag:s14], $0x4000  }
0xee: {  	[sflag:s14] =	ssyncset.done $0x0  }
0xef: {  	[sflag:s14] =	ssyncadd.s32 $0xFFFFC000  }
0xf0: {  	[spmem:s2] =	stream.indirect.scatter.add.f32 [tilespmem:s12], [sflag:$0x3], $0x80, s0, s11, $0xb8;
	[tilespmem:$0x1CC00] =	vst v63  }
0xf1: {  	s7 =	simm.s32 $0x100;
	_ =	swait.ge [sflag:s9], $0x4000  }
0xf2: {  	s25 =	simm.s32 $0x200;
	s6 =	rddreg [dreg:$0x5];
	[sflag:s9] =	ssyncset.done $0x0  }
.LBB2_4:
0xf3: {  	[sflag:s9] =	ssyncadd.s32 $0xFFFFC000;
	s6 =	sadd.s32 s7, s6  }
0xf4: {  	[tilespmem:s3], [sflag:$0x3] =	stream.linear.gather [hbm4b:s6+s3], $0x800, $0x38;
	[tilespmem:$0x1CC00] =	vst v63  }
0xf5: {  	_ =	swait.ge [sflag:s9], $0x800  }
0xf6: {  	s6 =	rddreg [dreg:$0x4];
	[sflag:s9] =	ssyncset.done $0x0  }
0xf7: {  	[sflag:s9] =	ssyncadd.s32 $0xFFFFF800;
	s6 =	sadd.s32 s7, s6  }
0xf8: {  	[tilespmem:s10], [sflag:$0x3] =	stream.linear.gather [hbm4b:s6+s3], $0x800, $0x38;
	[tilespmem:$0x1CC00] =	vst v63  }
0xf9: {  	_ =	swait.ge [sflag:s9], $0x800  }
0xfa: {  	[sflag:s9] =	ssyncset.done $0x0  }
0xfb: {  	[sflag:s9] =	ssyncadd.s32 $0xFFFFF800  }
0xfc: {  	[tilespmem:s8], [sflag:$0x1] =	stream.indirect.gather [hbm4b:s4+s11], $0x80, s3, s11, $0xb8;
	[tilespmem:$0x1CC00] =	vst v63  }
0xfd: {  	_ = 	snop  }
0xfe: {  	[tilespmem:s12], [sflag:$0x2] =	stream.indirect.gather [hbm4b:s4+s11], $0x80, s11, s11, $0xb8;
	[tilespmem:$0x1CC00] =	vst v63  }
0xff: {  	_ =	swait.ge [sflag:s13], $0x4000  }
0x100: {  	[sflag:s13] =	ssyncset.done $0x0  }
0x101: {  	[sflag:s13] =	ssyncadd.s32 $0xFFFFC000  }
0x102: {  	[spmem:s2] =	stream.indirect.scatter.add.f32 [tilespmem:s8], [sflag:$0x3], $0x80, s10, s11, $0xb8;
	[tilespmem:$0x1CC00] =	vst v63  }
0x103: {  	_ =	swait.ge [sflag:s9], $0x4000  }
0x104: {  	[sflag:s9] =	ssyncset.done $0x0  }
0x105: {  	s6 =	rddreg [dreg:$0x6];
	[sflag:s9] =	ssyncadd.s32 $0xFFFFC000  }
0x106: {  	[tilespmem:s8], [sflag:$0x1] =	stream.indirect.gather [hbm4b:s4+s11], $0x80, s6, s11, $0xb8;
	[tilespmem:$0x1CC00] =	vst v63  }
0x107: {  	_ =	swait.ge [sflag:s14], $0x4000  }
0x108: {  	[sflag:s14] =	ssyncset.done $0x0  }
0x109: {  	s6 =	rddreg [dreg:$0x7];
	[sflag:s14] =	ssyncadd.s32 $0xFFFFC000  }
0x10a: {  	[spmem:s2] =	stream.indirect.scatter.add.f32 [tilespmem:s12], [sflag:$0x3], $0x80, s6, s11, $0xb8;
	[tilespmem:$0x1CC00] =	vst v63  }
0x10b: {  	_ =	swait.ge [sflag:s9], $0x4000  }
0x10c: {  	[sflag:s9] =	ssyncset.done $0x0  }
0x10d: {  	s6 =	rddreg [dreg:$0x8];
	[sflag:s9] =	ssyncadd.s32 $0xFFFFC000  }
0x10e: {  	[tilespmem:s12], [sflag:$0x2] =	stream.indirect.gather [hbm4b:s4+s11], $0x80, s6, s11, $0xb8;
	[tilespmem:$0x1CC00] =	vst v63  }
0x10f: {  	_ =	swait.ge [sflag:s13], $0x4000  }
0x110: {  	[sflag:s13] =	ssyncset.done $0x0  }
0x111: {  	s6 =	rddreg [dreg:$0x9];
	[sflag:s13] =	ssyncadd.s32 $0xFFFFC000  }
0x112: {  	[spmem:s2] =	stream.indirect.scatter.add.f32 [tilespmem:s8], [sflag:$0x3], $0x80, s6, s11, $0xb8;
	[tilespmem:$0x1CC00] =	vst v63  }
0x113: {  	_ =	swait.ge [sflag:s9], $0x4000  }
0x114: {  	[sflag:s9] =	ssyncset.done $0x0  }
0x115: {  	s6 =	rddreg [dreg:$0xa];
	[sflag:s9] =	ssyncadd.s32 $0xFFFFC000  }
0x116: {  	[tilespmem:s8], [sflag:$0x1] =	stream.indirect.gather [hbm4b:s4+s11], $0x80, s6, s11, $0xb8;
	[tilespmem:$0x1CC00] =	vst v63  }
0x117: {  	_ =	swait.ge [sflag:s14], $0x4000  }
0x118: {  	[sflag:s14] =	ssyncset.done $0x0  }
0x119: {  	s6 =	rddreg [dreg:$0xb];
	[sflag:s14] =	ssyncadd.s32 $0xFFFFC000  }
0x11a: {  	[spmem:s2] =	stream.indirect.scatter.add.f32 [tilespmem:s12], [sflag:$0x3], $0x80, s6, s11, $0xb8;
	[tilespmem:$0x1CC00] =	vst v63  }
0x11b: {  	_ =	swait.ge [sflag:s9], $0x4000  }
0x11c: {  	[sflag:s9] =	ssyncset.done $0x0  }
0x11d: {  	s6 =	rddreg [dreg:$0xc];
	[sflag:s9] =	ssyncadd.s32 $0xFFFFC000  }
0x11e: {  	[tilespmem:s12], [sflag:$0x2] =	stream.indirect.gather [hbm4b:s4+s11], $0x80, s6, s11, $0xb8;
	[tilespmem:$0x1CC00] =	vst v63  }
0x11f: {  	_ =	swait.ge [sflag:s13], $0x4000  }
0x120: {  	[sflag:s13] =	ssyncset.done $0x0  }
0x121: {  	s6 =	rddreg [dreg:$0xd];
	[sflag:s13] =	ssyncadd.s32 $0xFFFFC000  }
0x122: {  	[spmem:s2] =	stream.indirect.scatter.add.f32 [tilespmem:s8], [sflag:$0x3], $0x80, s6, s11, $0xb8;
	[tilespmem:$0x1CC00] =	vst v63  }
0x123: {  	_ =	swait.ge [sflag:s9], $0x4000  }
0x124: {  	[sflag:s9] =	ssyncset.done $0x0  }
0x125: {  	s6 =	rddreg [dreg:$0xe];
	[sflag:s9] =	ssyncadd.s32 $0xFFFFC000  }
0x126: {  	[tilespmem:s8], [sflag:$0x1] =	stream.indirect.gather [hbm4b:s4+s11], $0x80, s6, s11, $0xb8;
	[tilespmem:$0x1CC00] =	vst v63  }
0x127: {  	_ =	swait.ge [sflag:s14], $0x4000  }
0x128: {  	[sflag:s14] =	ssyncset.done $0x0  }
0x129: {  	s6 =	rddreg [dreg:$0xf];
	[sflag:s14] =	ssyncadd.s32 $0xFFFFC000  }
0x12a: {  	[spmem:s2] =	stream.indirect.scatter.add.f32 [tilespmem:s12], [sflag:$0x3], $0x80, s6, s11, $0xb8;
	[tilespmem:$0x1CC00] =	vst v63  }
0x12b: {  	_ =	swait.ge [sflag:s9], $0x4000  }
0x12c: {  	[sflag:s9] =	ssyncset.done $0x0  }
0x12d: {  	s6 =	rddreg [dreg:$0x10];
	[sflag:s9] =	ssyncadd.s32 $0xFFFFC000  }
0x12e: {  	[tilespmem:s12], [sflag:$0x2] =	stream.indirect.gather [hbm4b:s4+s11], $0x80, s6, s11, $0xb8;
	[tilespmem:$0x1CC00] =	vst v63  }
0x12f: {  	_ =	swait.ge [sflag:s13], $0x4000  }
0x130: {  	[sflag:s13] =	ssyncset.done $0x0  }
0x131: {  	s6 =	rddreg [dreg:$0x11];
	[sflag:s13] =	ssyncadd.s32 $0xFFFFC000  }
0x132: {  	[spmem:s2] =	stream.indirect.scatter.add.f32 [tilespmem:s8], [sflag:$0x3], $0x80, s6, s11, $0xb8;
	[tilespmem:$0x1CC00] =	vst v63  }
0x133: {  	_ =	swait.ge [sflag:s9], $0x4000  }
0x134: {  	s15 =	smov.u32 s25;
	[sflag:s9] =	ssyncset.done $0x0  }
0x135: {  	s7 =	smov.u32 s15;
	s15 =	simm.s32 $0x400;
	[sflag:s9] =	ssyncadd.s32 $0xFFFFC000  }
0x136: {  	[tilespmem:s8], [sflag:$0x1] =	stream.indirect.gather [hbm4b:s4+s11], $0x80, s15, s11, $0xb8;
	[tilespmem:$0x1CC00] =	vst v63  }
0x137: {  	_ =	swait.ge [sflag:s14], $0x4000  }
0x138: {  	[sflag:s14] =	ssyncset.done $0x0  }
0x139: {  	[sflag:s14] =	ssyncadd.s32 $0xFFFFC000  }
0x13a: {  	[spmem:s2] =	stream.indirect.scatter.add.f32 [tilespmem:s12], [sflag:$0x3], $0x80, s16, s11, $0xb8;
	[tilespmem:$0x1CC00] =	vst v63  }
0x13b: {  	_ =	swait.ge [sflag:s9], $0x4000  }
0x13c: {  	[sflag:s9] =	ssyncset.done $0x0  }
0x13d: {  	[sflag:s9] =	ssyncadd.s32 $0xFFFFC000  }
0x13e: {  	[tilespmem:s12], [sflag:$0x2] =	stream.indirect.gather [hbm4b:s4+s11], $0x80, s17, s11, $0xb8;
	[tilespmem:$0x1CC00] =	vst v63  }
0x13f: {  	_ =	swait.ge [sflag:s13], $0x4000  }
0x140: {  	[sflag:s13] =	ssyncset.done $0x0  }
0x141: {  	[sflag:s13] =	ssyncadd.s32 $0xFFFFC000  }
0x142: {  	[spmem:s2] =	stream.indirect.scatter.add.f32 [tilespmem:s8], [sflag:$0x3], $0x80, s18, s11, $0xb8;
	[tilespmem:$0x1CC00] =	vst v63  }
0x143: {  	_ =	swait.ge [sflag:s9], $0x4000  }
0x144: {  	[sflag:s9] =	ssyncset.done $0x0  }
0x145: {  	[sflag:s9] =	ssyncadd.s32 $0xFFFFC000  }
0x146: {  	[tilespmem:s8], [sflag:$0x1] =	stream.indirect.gather [hbm4b:s4+s11], $0x80, s19, s11, $0xb8;
	[tilespmem:$0x1CC00] =	vst v63  }
0x147: {  	_ =	swait.ge [sflag:s14], $0x4000  }
0x148: {  	[sflag:s14] =	ssyncset.done $0x0  }
0x149: {  	[sflag:s14] =	ssyncadd.s32 $0xFFFFC000  }
0x14a: {  	[spmem:s2] =	stream.indirect.scatter.add.f32 [tilespmem:s12], [sflag:$0x3], $0x80, s20, s11, $0xb8;
	[tilespmem:$0x1CC00] =	vst v63  }
0x14b: {  	_ =	swait.ge [sflag:s9], $0x4000  }
0x14c: {  	[sflag:s9] =	ssyncset.done $0x0  }
0x14d: {  	[sflag:s9] =	ssyncadd.s32 $0xFFFFC000  }
0x14e: {  	[tilespmem:s12], [sflag:$0x2] =	stream.indirect.gather [hbm4b:s4+s11], $0x80, s21, s11, $0xb8;
	[tilespmem:$0x1CC00] =	vst v63  }
0x14f: {  	_ =	swait.ge [sflag:s13], $0x4000  }
0x150: {  	[sflag:s13] =	ssyncset.done $0x0  }
0x151: {  	[sflag:s13] =	ssyncadd.s32 $0xFFFFC000  }
0x152: {  	[spmem:s2] =	stream.indirect.scatter.add.f32 [tilespmem:s8], [sflag:$0x3], $0x80, s22, s11, $0xb8;
	[tilespmem:$0x1CC00] =	vst v63  }
0x153: {  	_ =	swait.ge [sflag:s9], $0x4000  }
0x154: {  	[sflag:s9] =	ssyncset.done $0x0  }
0x155: {  	[sflag:s9] =	ssyncadd.s32 $0xFFFFC000  }
0x156: {  	[tilespmem:s8], [sflag:$0x1] =	stream.indirect.gather [hbm4b:s4+s11], $0x80, s23, s11, $0xb8;
	[tilespmem:$0x1CC00] =	vst v63  }
0x157: {  	_ =	swait.ge [sflag:s14], $0x4000  }
0x158: {  	[sflag:s14] =	ssyncset.done $0x0  }
0x159: {  	[sflag:s14] =	ssyncadd.s32 $0xFFFFC000  }
0x15a: {  	[spmem:s2] =	stream.indirect.scatter.add.f32 [tilespmem:s12], [sflag:$0x3], $0x80, s24, s11, $0xb8;
	[tilespmem:$0x1CC00] =	vst v63  }
0x15b: {  	_ =	swait.ge [sflag:s9], $0x4000  }
0x15c: {  	[sflag:s9] =	ssyncset.done $0x0  }
0x15d: {  	[sflag:s9] =	ssyncadd.s32 $0xFFFFC000  }
0x15e: {  	[tilespmem:s12], [sflag:$0x2] =	stream.indirect.gather [hbm4b:s4+s11], $0x80, s26, s11, $0xb8;
	[tilespmem:$0x1CC00] =	vst v63  }
0x15f: {  	_ =	swait.ge [sflag:s13], $0x4000  }
0x160: {  	[sflag:s13] =	ssyncset.done $0x0  }
0x161: {  	[sflag:s13] =	ssyncadd.s32 $0xFFFFC000  }
0x162: {  	[spmem:s2] =	stream.indirect.scatter.add.f32 [tilespmem:s8], [sflag:$0x3], $0x80, s28, s11, $0xb8;
	[tilespmem:$0x1CC00] =	vst v63  }
0x163: {  	_ =	swait.ge [sflag:s9], $0x4000  }
0x164: {  	[sflag:s9] =	ssyncset.done $0x0  }
0x165: {  	[sflag:s9] =	ssyncadd.s32 $0xFFFFC000  }
0x166: {  	[tilespmem:s8], [sflag:$0x1] =	stream.indirect.gather [hbm4b:s4+s11], $0x80, s29, s11, $0xb8;
	[tilespmem:$0x1CC00] =	vst v63  }
0x167: {  	_ =	swait.ge [sflag:s14], $0x4000  }
0x168: {  	[sflag:s14] =	ssyncset.done $0x0  }
0x169: {  	[sflag:s14] =	ssyncadd.s32 $0xFFFFC000  }
0x16a: {  	[spmem:s2] =	stream.indirect.scatter.add.f32 [tilespmem:s12], [sflag:$0x3], $0x80, s30, s11, $0xb8;
	[tilespmem:$0x1CC00] =	vst v63  }
0x16b: {  	_ =	swait.ge [sflag:s9], $0x4000  }
0x16c: {  	[sflag:s9] =	ssyncset.done $0x0  }
0x16d: {  	[sflag:s9] =	ssyncadd.s32 $0xFFFFC000  }
0x16e: {  	[tilespmem:s12], [sflag:$0x2] =	stream.indirect.gather [hbm4b:s4+s11], $0x80, s31, s11, $0xb8;
	[tilespmem:$0x1CC00] =	vst v63  }
0x16f: {  	_ =	swait.ge [sflag:s13], $0x4000  }
0x170: {  	[sflag:s13] =	ssyncset.done $0x0  }
0x171: {  	[sflag:s13] =	ssyncadd.s32 $0xFFFFC000  }
0x172: {  	[spmem:s2] =	stream.indirect.scatter.add.f32 [tilespmem:s8], [sflag:$0x3], $0x80, s1, s11, $0xb8;
	[tilespmem:$0x1CC00] =	vst v63  }
0x173: {  	_ =	swait.ge [sflag:s9], $0x4000  }
0x174: {  	[sflag:s9] =	ssyncset.done $0x0  }
0x175: {  	[sflag:s9] =	ssyncadd.s32 $0xFFFFC000  }
0x176: {  	p0 =	sne.s32 s25, $0x400;
	_ =	swait.ge [sflag:s14], $0x4000  }
.Ltmp1:
0x177: {  	[sflag:s14] =	ssyncset.done $0x0;
	(pc) =	sbr.rel @p0 .LBB2_4-.Ltmp1, $4  }
0x178: {  	[sflag:s14] =	ssyncadd.s32 $0xFFFFC000  }
0x179: {  	[spmem:s2] =	stream.indirect.scatter.add.f32 [tilespmem:s12], [sflag:$0x3], $0x80, s0, s11, $0xb8;
	[tilespmem:$0x1CC00] =	vst v63  }
0x17a: {  	_ =	swait.ge [sflag:s9], $0x4000  }
0x17b: {  	s25 =	sadd.s32 $0x100, s25;
	s6 =	rddreg [dreg:$0x5];
	[sflag:s9] =	ssyncset.done $0x0  }
0x17c: {  	[sflag:s9] =	ssyncadd.s32 $0xFFFFC000;
	s6 =	sadd.s32 s7, s6  }
0x17d: {  	[tilespmem:s3], [sflag:$0x3] =	stream.linear.gather [hbm4b:s6+s3], $0x800, $0x38;
	[tilespmem:$0x1CC00] =	vst v63  }
0x17e: {  	_ =	swait.ge [sflag:s9], $0x800  }
0x17f: {  	s25 =	rddreg [dreg:$0x4];
	[sflag:s9] =	ssyncset.done $0x0  }
0x180: {  	s6 =	sadd.s32 s7, s25;
	[sflag:s9] =	ssyncadd.s32 $0xFFFFF800  }
0x181: {  	[tilespmem:s10], [sflag:$0x3] =	stream.linear.gather [hbm4b:s6+s3], $0x800, $0x38;
	[tilespmem:$0x1CC00] =	vst v63  }
0x182: {  	_ =	swait.ge [sflag:s9], $0x800  }
0x183: {  	[sflag:s9] =	ssyncset.done $0x0  }
0x184: {  	[sflag:s9] =	ssyncadd.s32 $0xFFFFF800  }
0x185: {  	[tilespmem:s8], [sflag:$0x1] =	stream.indirect.gather [hbm4b:s4+s11], $0x80, s3, s11, $0xb8;
	[tilespmem:$0x1CC00] =	vst v63  }
0x186: {  	_ = 	snop  }
0x187: {  	[tilespmem:s12], [sflag:$0x2] =	stream.indirect.gather [hbm4b:s4+s11], $0x80, s11, s11, $0xb8;
	[tilespmem:$0x1CC00] =	vst v63  }
0x188: {  	_ =	swait.ge [sflag:s13], $0x4000  }
0x189: {  	[sflag:s13] =	ssyncset.done $0x0  }
0x18a: {  	[sflag:s13] =	ssyncadd.s32 $0xFFFFC000  }
0x18b: {  	[spmem:s2] =	stream.indirect.scatter.add.f32 [tilespmem:s8], [sflag:$0x3], $0x80, s10, s11, $0xb8;
	[tilespmem:$0x1CC00] =	vst v63  }
0x18c: {  	_ =	swait.ge [sflag:s9], $0x4000  }
0x18d: {  	[sflag:s9] =	ssyncset.done $0x0  }
0x18e: {  	s25 =	rddreg [dreg:$0x6];
	[sflag:s9] =	ssyncadd.s32 $0xFFFFC000  }
0x18f: {  	[tilespmem:s8], [sflag:$0x1] =	stream.indirect.gather [hbm4b:s4+s11], $0x80, s25, s11, $0xb8;
	[tilespmem:$0x1CC00] =	vst v63  }
0x190: {  	_ =	swait.ge [sflag:s14], $0x4000  }
0x191: {  	[sflag:s14] =	ssyncset.done $0x0  }
0x192: {  	s7 =	rddreg [dreg:$0x7];
	[sflag:s14] =	ssyncadd.s32 $0xFFFFC000  }
0x193: {  	[spmem:s2] =	stream.indirect.scatter.add.f32 [tilespmem:s12], [sflag:$0x3], $0x80, s7, s11, $0xb8;
	[tilespmem:$0x1CC00] =	vst v63  }
0x194: {  	_ =	swait.ge [sflag:s9], $0x4000  }
0x195: {  	[sflag:s9] =	ssyncset.done $0x0  }
0x196: {  	s25 =	rddreg [dreg:$0x8];
	[sflag:s9] =	ssyncadd.s32 $0xFFFFC000  }
0x197: {  	[tilespmem:s12], [sflag:$0x2] =	stream.indirect.gather [hbm4b:s4+s11], $0x80, s25, s11, $0xb8;
	[tilespmem:$0x1CC00] =	vst v63  }
0x198: {  	_ =	swait.ge [sflag:s13], $0x4000  }
0x199: {  	[sflag:s13] =	ssyncset.done $0x0  }
0x19a: {  	s7 =	rddreg [dreg:$0x9];
	[sflag:s13] =	ssyncadd.s32 $0xFFFFC000  }
0x19b: {  	[spmem:s2] =	stream.indirect.scatter.add.f32 [tilespmem:s8], [sflag:$0x3], $0x80, s7, s11, $0xb8;
	[tilespmem:$0x1CC00] =	vst v63  }
0x19c: {  	_ =	swait.ge [sflag:s9], $0x4000  }
0x19d: {  	[sflag:s9] =	ssyncset.done $0x0  }
0x19e: {  	s25 =	rddreg [dreg:$0xa];
	[sflag:s9] =	ssyncadd.s32 $0xFFFFC000  }
0x19f: {  	[tilespmem:s8], [sflag:$0x1] =	stream.indirect.gather [hbm4b:s4+s11], $0x80, s25, s11, $0xb8;
	[tilespmem:$0x1CC00] =	vst v63  }
0x1a0: {  	_ =	swait.ge [sflag:s14], $0x4000  }
0x1a1: {  	[sflag:s14] =	ssyncset.done $0x0  }
0x1a2: {  	s7 =	rddreg [dreg:$0xb];
	[sflag:s14] =	ssyncadd.s32 $0xFFFFC000  }
0x1a3: {  	[spmem:s2] =	stream.indirect.scatter.add.f32 [tilespmem:s12], [sflag:$0x3], $0x80, s7, s11, $0xb8;
	[tilespmem:$0x1CC00] =	vst v63  }
0x1a4: {  	_ =	swait.ge [sflag:s9], $0x4000  }
0x1a5: {  	[sflag:s9] =	ssyncset.done $0x0  }
0x1a6: {  	s25 =	rddreg [dreg:$0xc];
	[sflag:s9] =	ssyncadd.s32 $0xFFFFC000  }
0x1a7: {  	[tilespmem:s12], [sflag:$0x2] =	stream.indirect.gather [hbm4b:s4+s11], $0x80, s25, s11, $0xb8;
	[tilespmem:$0x1CC00] =	vst v63  }
0x1a8: {  	_ =	swait.ge [sflag:s13], $0x4000  }
0x1a9: {  	[sflag:s13] =	ssyncset.done $0x0  }
0x1aa: {  	s7 =	rddreg [dreg:$0xd];
	[sflag:s13] =	ssyncadd.s32 $0xFFFFC000  }
0x1ab: {  	[spmem:s2] =	stream.indirect.scatter.add.f32 [tilespmem:s8], [sflag:$0x3], $0x80, s7, s11, $0xb8;
	[tilespmem:$0x1CC00] =	vst v63  }
0x1ac: {  	_ =	swait.ge [sflag:s9], $0x4000  }
0x1ad: {  	[sflag:s9] =	ssyncset.done $0x0  }
0x1ae: {  	s25 =	rddreg [dreg:$0xe];
	[sflag:s9] =	ssyncadd.s32 $0xFFFFC000  }
0x1af: {  	[tilespmem:s8], [sflag:$0x1] =	stream.indirect.gather [hbm4b:s4+s11], $0x80, s25, s11, $0xb8;
	[tilespmem:$0x1CC00] =	vst v63  }
0x1b0: {  	_ =	swait.ge [sflag:s14], $0x4000  }
0x1b1: {  	[sflag:s14] =	ssyncset.done $0x0  }
0x1b2: {  	s7 =	rddreg [dreg:$0xf];
	[sflag:s14] =	ssyncadd.s32 $0xFFFFC000  }
0x1b3: {  	[spmem:s2] =	stream.indirect.scatter.add.f32 [tilespmem:s12], [sflag:$0x3], $0x80, s7, s11, $0xb8;
	[tilespmem:$0x1CC00] =	vst v63  }
0x1b4: {  	_ =	swait.ge [sflag:s9], $0x4000  }
0x1b5: {  	[sflag:s9] =	ssyncset.done $0x0  }
0x1b6: {  	s25 =	rddreg [dreg:$0x10];
	[sflag:s9] =	ssyncadd.s32 $0xFFFFC000  }
0x1b7: {  	[tilespmem:s12], [sflag:$0x2] =	stream.indirect.gather [hbm4b:s4+s11], $0x80, s25, s11, $0xb8;
	[tilespmem:$0x1CC00] =	vst v63  }
0x1b8: {  	_ =	swait.ge [sflag:s13], $0x4000  }
0x1b9: {  	[sflag:s13] =	ssyncset.done $0x0  }
0x1ba: {  	s7 =	rddreg [dreg:$0x11];
	[sflag:s13] =	ssyncadd.s32 $0xFFFFC000  }
0x1bb: {  	[spmem:s2] =	stream.indirect.scatter.add.f32 [tilespmem:s8], [sflag:$0x3], $0x80, s7, s11, $0xb8;
	[tilespmem:$0x1CC00] =	vst v63  }
0x1bc: {  	_ =	swait.ge [sflag:s9], $0x4000  }
0x1bd: {  	[sflag:s9] =	ssyncset.done $0x0  }
0x1be: {  	[sflag:s9] =	ssyncadd.s32 $0xFFFFC000  }
0x1bf: {  	[tilespmem:s8], [sflag:$0x1] =	stream.indirect.gather [hbm4b:s4+s11], $0x80, s15, s11, $0xb8;
	[tilespmem:$0x1CC00] =	vst v63  }
0x1c0: {  	_ =	swait.ge [sflag:s14], $0x4000  }
0x1c1: {  	[sflag:s14] =	ssyncset.done $0x0  }
0x1c2: {  	[sflag:s14] =	ssyncadd.s32 $0xFFFFC000  }
0x1c3: {  	[spmem:s2] =	stream.indirect.scatter.add.f32 [tilespmem:s12], [sflag:$0x3], $0x80, s16, s11, $0xb8;
	[tilespmem:$0x1CC00] =	vst v63  }
0x1c4: {  	_ =	swait.ge [sflag:s9], $0x4000  }
0x1c5: {  	[sflag:s9] =	ssyncset.done $0x0  }
0x1c6: {  	[sflag:s9] =	ssyncadd.s32 $0xFFFFC000  }
0x1c7: {  	[tilespmem:s12], [sflag:$0x2] =	stream.indirect.gather [hbm4b:s4+s11], $0x80, s17, s11, $0xb8;
	[tilespmem:$0x1CC00] =	vst v63  }
0x1c8: {  	_ =	swait.ge [sflag:s13], $0x4000  }
0x1c9: {  	[sflag:s13] =	ssyncset.done $0x0  }
0x1ca: {  	[sflag:s13] =	ssyncadd.s32 $0xFFFFC000  }
0x1cb: {  	[spmem:s2] =	stream.indirect.scatter.add.f32 [tilespmem:s8], [sflag:$0x3], $0x80, s18, s11, $0xb8;
	[tilespmem:$0x1CC00] =	vst v63  }
0x1cc: {  	_ =	swait.ge [sflag:s9], $0x4000  }
0x1cd: {  	[sflag:s9] =	ssyncset.done $0x0  }
0x1ce: {  	[sflag:s9] =	ssyncadd.s32 $0xFFFFC000  }
0x1cf: {  	[tilespmem:s8], [sflag:$0x1] =	stream.indirect.gather [hbm4b:s4+s11], $0x80, s19, s11, $0xb8;
	[tilespmem:$0x1CC00] =	vst v63  }
0x1d0: {  	_ =	swait.ge [sflag:s14], $0x4000  }
0x1d1: {  	[sflag:s14] =	ssyncset.done $0x0  }
0x1d2: {  	[sflag:s14] =	ssyncadd.s32 $0xFFFFC000  }
0x1d3: {  	[spmem:s2] =	stream.indirect.scatter.add.f32 [tilespmem:s12], [sflag:$0x3], $0x80, s20, s11, $0xb8;
	[tilespmem:$0x1CC00] =	vst v63  }
0x1d4: {  	_ =	swait.ge [sflag:s9], $0x4000  }
0x1d5: {  	[sflag:s9] =	ssyncset.done $0x0  }
0x1d6: {  	[sflag:s9] =	ssyncadd.s32 $0xFFFFC000  }
0x1d7: {  	[tilespmem:s12], [sflag:$0x2] =	stream.indirect.gather [hbm4b:s4+s11], $0x80, s21, s11, $0xb8;
	[tilespmem:$0x1CC00] =	vst v63  }
0x1d8: {  	_ =	swait.ge [sflag:s13], $0x4000  }
0x1d9: {  	[sflag:s13] =	ssyncset.done $0x0  }
0x1da: {  	[sflag:s13] =	ssyncadd.s32 $0xFFFFC000  }
0x1db: {  	[spmem:s2] =	stream.indirect.scatter.add.f32 [tilespmem:s8], [sflag:$0x3], $0x80, s22, s11, $0xb8;
	[tilespmem:$0x1CC00] =	vst v63  }
0x1dc: {  	_ =	swait.ge [sflag:s9], $0x4000  }
0x1dd: {  	[sflag:s9] =	ssyncset.done $0x0  }
0x1de: {  	[sflag:s9] =	ssyncadd.s32 $0xFFFFC000  }
0x1df: {  	[tilespmem:s8], [sflag:$0x1] =	stream.indirect.gather [hbm4b:s4+s11], $0x80, s23, s11, $0xb8;
	[tilespmem:$0x1CC00] =	vst v63  }
0x1e0: {  	_ =	swait.ge [sflag:s14], $0x4000  }
0x1e1: {  	[sflag:s14] =	ssyncset.done $0x0  }
0x1e2: {  	[sflag:s14] =	ssyncadd.s32 $0xFFFFC000  }
0x1e3: {  	[spmem:s2] =	stream.indirect.scatter.add.f32 [tilespmem:s12], [sflag:$0x3], $0x80, s24, s11, $0xb8;
	[tilespmem:$0x1CC00] =	vst v63  }
0x1e4: {  	_ =	swait.ge [sflag:s9], $0x4000  }
0x1e5: {  	[sflag:s9] =	ssyncset.done $0x0  }
0x1e6: {  	[sflag:s9] =	ssyncadd.s32 $0xFFFFC000  }
0x1e7: {  	[tilespmem:s12], [sflag:$0x2] =	stream.indirect.gather [hbm4b:s4+s11], $0x80, s26, s11, $0xb8;
	[tilespmem:$0x1CC00] =	vst v63  }
0x1e8: {  	_ =	swait.ge [sflag:s13], $0x4000  }
0x1e9: {  	[sflag:s13] =	ssyncset.done $0x0  }
0x1ea: {  	[sflag:s13] =	ssyncadd.s32 $0xFFFFC000  }
0x1eb: {  	[spmem:s2] =	stream.indirect.scatter.add.f32 [tilespmem:s8], [sflag:$0x3], $0x80, s28, s11, $0xb8;
	[tilespmem:$0x1CC00] =	vst v63  }
0x1ec: {  	_ =	swait.ge [sflag:s9], $0x4000  }
0x1ed: {  	[sflag:s9] =	ssyncset.done $0x0  }
0x1ee: {  	[sflag:s9] =	ssyncadd.s32 $0xFFFFC000  }
0x1ef: {  	[tilespmem:s8], [sflag:$0x1] =	stream.indirect.gather [hbm4b:s4+s11], $0x80, s29, s11, $0xb8;
	[tilespmem:$0x1CC00] =	vst v63  }
0x1f0: {  	_ =	swait.ge [sflag:s14], $0x4000  }
0x1f1: {  	[sflag:s14] =	ssyncset.done $0x0  }
0x1f2: {  	[sflag:s14] =	ssyncadd.s32 $0xFFFFC000  }
0x1f3: {  	[spmem:s2] =	stream.indirect.scatter.add.f32 [tilespmem:s12], [sflag:$0x3], $0x80, s30, s11, $0xb8;
	[tilespmem:$0x1CC00] =	vst v63  }
0x1f4: {  	_ =	swait.ge [sflag:s9], $0x4000  }
0x1f5: {  	[sflag:s9] =	ssyncset.done $0x0  }
0x1f6: {  	[sflag:s9] =	ssyncadd.s32 $0xFFFFC000  }
0x1f7: {  	[tilespmem:s12], [sflag:$0x2] =	stream.indirect.gather [hbm4b:s4+s11], $0x80, s31, s11, $0xb8;
	[tilespmem:$0x1CC00] =	vst v63  }
0x1f8: {  	_ =	swait.ge [sflag:s13], $0x4000  }
0x1f9: {  	[sflag:s13] =	ssyncset.done $0x0  }
0x1fa: {  	[sflag:s13] =	ssyncadd.s32 $0xFFFFC000  }
0x1fb: {  	[spmem:s2] =	stream.indirect.scatter.add.f32 [tilespmem:s8], [sflag:$0x3], $0x80, s1, s11, $0xb8;
	[tilespmem:$0x1CC00] =	vst v63  }
0x1fc: {  	_ =	swait.ge [sflag:s9], $0x4000  }
0x1fd: {  	[sflag:s9] =	ssyncset.done $0x0  }
0x1fe: {  	[sflag:s9] =	ssyncadd.s32 $0xFFFFC000  }
0x1ff: {  	_ =	swait.ge [sflag:s14], $0x4000  }
0x200: {  	[sflag:s14] =	ssyncset.done $0x0  }
0x201: {  	[sflag:s14] =	ssyncadd.s32 $0xFFFFC000  }
0x202: {  	[spmem:s2] =	stream.indirect.scatter.add.f32 [tilespmem:s12], [sflag:$0x3], $0x80, s0, s11, $0xb8;
	[tilespmem:$0x1CC00] =	vst v63  }
0x203: {  	_ =	swait.ge [sflag:s9], $0x4000  }
0x204: {  	[sflag:s9] =	ssyncset.done $0x0  }
0x205: {  	[sflag:s9] =	ssyncadd.s32 $0xFFFFC000  }
0x206: {  	s25 =	stileid.u32;
	[bflag:$0x0] =	sbarrier.arrive $0xFFFF  }
0x207: {  	s6 =	sshll.u32 s25, $0x6;
	s7 =	rddreg [dreg:$0x12]  }
0x208: {  	s6 =	sor.u32 $0x1C03, s6;
	s25 =	rddreg [dreg:$0x14]  }
0x209: {  	[hbm:s7], [sflag:s6] =	dma.local [spmem:s25], $0x2780  }
0x20a: {  	_ =	swait.ge [sflag:s9], $0x2780  }
0x20b: {  	s6 =	rddreg [dreg:$0x15]  }
0x20c: {  	s25 =	rddreg [dreg:$0x13];
	s7 =	sadd.s32 $0x1, s6  }
0x20d: {  	p0 =	sne.s32 s7, s25  }
.Ltmp2:
0x20e: {  	_ = 	snop;
	(pc) =	sbr.rel @p0 .LBB2_1-.Ltmp2, $3  }
0x20f: {  	_ =	sdelay $0x1  }
0x210: {  	[sflag:s9] =	ssyncset.done $0x0  }
0x211: {  	[sflag:s9] =	ssyncadd.s32 $0xFFFFD880  }
0x212: {  	_ =	sfence.sel $0x180000  }
0x213: {  	[bflag:$0x0] =	sbarrier.arrive $0xFFFF  }
0x214: {  	_ =	strace $0x9000004D  }
0x215: {  	s0 =	stileid.u32;
	[bflag:$0x2] =	sbarrier.arrive $0xFFFF  }
0x216: {  	p0 =	sne.s32 s0, $0x0;
	s0 =	rddreg [dreg:$0x3]  }
0x217: {  	s0 =	sadd.s32 @!p0 $0x100000, s0  }
0x218: {  	[sflag:s0] =	ssyncadd.tile.s32 @!p0 $0x1;
	_ =	shalt  }
.Lfunc_end2:
_tile_overlayer_lowered:
.L_overlay_start_2:
0x219: {  	(tag) =	ssettag $0x2  }
0x21a: {  	s0 =	rddreg [dreg:$0x0];
	s2 =	stileid.u32  }
0x21b: {  	s1 =	rddreg [dreg:$0x1];
	p0 =	sne.s32 s2, $0x0  }
0x21c: {  	s3 =	rddreg [dreg:$0x2];
	[bflag:$0x3] =	sbarrier.arrive $0xFFFF;
	s2 =	simm.s32 @!p0 $0x1C03  }
0x21d: {  	[timem:s3], [sflag:s2] =	dma.local @!p0 [hbm:s0], s1  }
0x21e: {  	s0 =	simm.s32 @!p0 $0x3  }
0x21f: {  	_ =	swait.ge @!p0 [sflag:s0], s1  }
0x220: {  	s1 =	ssub.s32 @!p0 $0x0, s1;
	[sflag:s0] =	ssyncset.done @!p0 $0x0  }
0x221: {  	[sflag:s0] =	ssyncadd.s32 @!p0 s1  }
0x222: {  	[bflag:$0x3] =	sbarrier.arrive $0xFFFF  }
0x223: {  	_ =	shalt  }

// kernel: kernel.7.cloned.1.call-start
scs
__scs_entry_jumppad:
0x0: {  	(pc) =	sbr.rel $0x88, $3  }
0x1: {  	(tag) =	ssettag $0x0;
	lr =	simm.s32 $0x1  }
0x2: {  	[smem:$0x3F97] =	sst lr;
	_ =	strace $0xD0000000  }
0x3: {  	_ = 	snop  }
0x4: {  	_ = 	snop  }
0x5: {  	_ = 	snop  }
0x6: {  	_ = 	snop  }
0x7: {  	_ = 	snop  }
__scs_overlays_trampoline_lowered:
0x8: {  	[smem:$0x3FA6] =	sst s0  }
0x9: {  	[smem:$0x3FA7] =	sst s1  }
0xa: {  	[smem:$0x3FA8] =	sst s2  }
0xb: {  	[smem:$0x3FA9] =	sst s3  }
0xc: {  	[smem:$0x3FAA] =	sst s4  }
0xd: {  	[smem:$0x3FAB] =	sst s5  }
0xe: {  	[smem:$0x3FAC] =	sst s6  }
0xf: {  	[smem:$0x3FAD] =	sst s7  }
0x10: {  	[smem:$0x3FAE] =	sst s8  }
0x11: {  	[smem:$0x3FAF] =	sst s9;
	s0 =	simm.s32 @!p0 $0x0  }
0x12: {  	s1 =	sld [smem:$0x3F95];
	s0 =	simm.s32 @p0 $0x1  }
0x13: {  	[smem:$0x3FB0] =	sst s0;
	s0 =	simm.s32 @!p1 $0x0  }
0x14: {  	s2 =	sld [smem:$0x3F94];
	s0 =	simm.s32 @p1 $0x1  }
0x15: {  	[smem:$0x3FB1] =	sst s0;
	s0 =	simm.s32 @!p2 $0x0  }
0x16: {  	s3 =	sld [smem:$0x3FDB];
	s0 =	simm.s32 @p2 $0x1  }
0x17: {  	s4 =	simm.s32 $0x1BF5;
	[smem:$0x3FB3] =	sst s0  }
0x18: {  	s0 =	sld [smem:$0x3F96];
	_ =	swait.ge [sflag:s4], $0x0  }
0x19: {  	s7 =	sld [smem:$0x3F97]  }
0x1a: {  	s8 =	sadd.s32 $0xFFFFE003, lr  }
0x1b: {  	s9 =	sadd.s32 $0xFFFFFEF7, lr;
	s5 =	simm.s32 $0xFFFFFFFF;
	p2 =	slt.u32 s8, $0xFFFFF086  }
0x1c: {  	p1 =	slt.u32 s9, $0xF7A;
	s5 =	simm.s32 @!p2 $0x0  }
0x1d: {  	s5 =	simm.s32 @p1 $0x1;
	p0 =	seq.s32 s7, s2  }
0x1e: {  	s7 =	smul.u32 @!p0 $0xF7A, s2;
	p2 =	seq.s32 @!p0 s5, $0x0  }
0x1f: {  	s9 =	smul.u32 $0xF7A, s1;
	s8 =	simm.s32 @!p0 $0x1BF5;
	p2 =	por !p2, p0  }
0x20: {  	[sflag:s8] =	ssyncset.s32 @!p0 $0xFFFFF086;
	s6 =	sadd.s32 @!p0 s3, s7;
	s7 =	simm.s32 @!p0 $0x108  }
0x21: {  	s3 =	sadd.s32 s3, s9;
	s6 =	sadd.s32 @!p0 $0x88, s6;
	s7 =	simm.s32 @p2 $0x1082  }
0x22: {  	[simem:s7], [sflag:s8] =	dma.local @!p0 [hbm:s6], $0xF7A  }
0x23: {  	s9 =	sor.u32 $0xD0000000, s2;
	s6 =	simm.s32 $0x108;
	_ =	swait.ge @!p0 [sflag:s8], $0x0  }
0x24: {  	s3 =	sadd.s32 $0x88, s3;
	s6 =	simm.s32 @!p1 $0x1082;
	[sflag:s4] =	ssyncset.s32 $0xFFFFF086  }
0x25: {  	[simem:s6], [sflag:s4] =	dma.local [hbm:s3], $0xF7A  }
0x26: {  	[smem:$0x3F97] =	sst s1;
	(tag) =	ssettag s2;
	_ =	strace s9  }
0x27: {  	s1 =	sld [smem:$0x3FA7]  }
0x28: {  	s2 =	sld [smem:$0x3FA8]  }
0x29: {  	s4 =	sld [smem:$0x3FAA]  }
0x2a: {  	p0 =	seq.s32 s5, $0x0;
	s5 =	sld [smem:$0x3FAB]  }
0x2b: {  	s6 =	sld [smem:$0x3FAC]  }
0x2c: {  	s7 =	sld [smem:$0x3FAD]  }
0x2d: {  	s3 =	simm.s32 $0x108;
	s8 =	sld [smem:$0x3FAE]  }
0x2e: {  	s3 =	simm.s32 @!p0 $0x1082;
	s9 =	sld [smem:$0x3FAF]  }
0x2f: {  	lr =	sadd.s32 s0, s3;
	s0 =	sld [smem:$0x3FA6]  }
0x30: {  	s3 =	sld [smem:$0x3FA9]  }
0x31: {  	[smem:$0x3FB2] =	sst s10  }
0x32: {  	s10 =	sld [smem:$0x3FB0];
	_ =	sdelay $0x3  }
0x33: {  	p0 =	seq.s32 s10, $0x1;
	s10 =	sld [smem:$0x3FB2];
	_ =	sdelay $0x3  }
0x34: {  	[smem:$0x3FB2] =	sst s10  }
0x35: {  	s10 =	sld [smem:$0x3FB1];
	_ =	sdelay $0x3  }
0x36: {  	p1 =	seq.s32 s10, $0x1;
	s10 =	sld [smem:$0x3FB2];
	_ =	sdelay $0x3  }
0x37: {  	[smem:$0x3FB2] =	sst s10  }
0x38: {  	s10 =	sld [smem:$0x3FB3]  }
0x39: {  	_ = 	snop;
	(pc) =	sbr.ind lr, $3  }
0x3a: {  	_ = 	snop  }
0x3b: {  	_ = 	snop  }
0x3c: {  	p2 =	seq.s32 s10, $0x1;
	s10 =	sld [smem:$0x3FB2]  }
0x3d: {  	_ =	shalt  }
0x3e: {  	_ =	shalt  }
0x3f: {  	_ =	shalt  }
0x40: {  	_ =	shalt  }
0x41: {  	_ =	shalt  }
0x42: {  	_ =	shalt  }
0x43: {  	_ =	shalt  }
0x44: {  	_ =	shalt  }
0x45: {  	_ =	shalt  }
0x46: {  	_ =	shalt  }
0x47: {  	_ =	shalt  }
0x48: {  	_ =	shalt  }
0x49: {  	_ =	shalt  }
0x4a: {  	_ =	shalt  }
0x4b: {  	_ =	shalt  }
0x4c: {  	_ =	shalt  }
0x4d: {  	_ =	shalt  }
0x4e: {  	_ =	shalt  }
0x4f: {  	_ =	shalt  }
0x50: {  	_ =	shalt  }
0x51: {  	_ =	shalt  }
0x52: {  	_ =	shalt  }
0x53: {  	_ =	shalt  }
0x54: {  	_ =	shalt  }
0x55: {  	_ =	shalt  }
0x56: {  	_ =	shalt  }
0x57: {  	_ =	shalt  }
0x58: {  	_ =	shalt  }
0x59: {  	_ =	shalt  }
0x5a: {  	_ =	shalt  }
0x5b: {  	_ =	shalt  }
0x5c: {  	_ =	shalt  }
0x5d: {  	_ =	shalt  }
0x5e: {  	_ =	shalt  }
0x5f: {  	_ =	shalt  }
0x60: {  	_ =	shalt  }
0x61: {  	_ =	shalt  }
0x62: {  	_ =	shalt  }
0x63: {  	_ =	shalt  }
0x64: {  	_ =	shalt  }
0x65: {  	_ =	shalt  }
0x66: {  	_ =	shalt  }
0x67: {  	_ =	shalt  }
0x68: {  	_ =	shalt  }
0x69: {  	_ =	shalt  }
0x6a: {  	_ =	shalt  }
0x6b: {  	_ =	shalt  }
0x6c: {  	_ =	shalt  }
0x6d: {  	_ =	shalt  }
0x6e: {  	_ =	shalt  }
0x6f: {  	_ =	shalt  }
0x70: {  	_ =	shalt  }
0x71: {  	_ =	shalt  }
0x72: {  	_ =	shalt  }
0x73: {  	_ =	shalt  }
0x74: {  	_ =	shalt  }
0x75: {  	_ =	shalt  }
0x76: {  	_ =	shalt  }
0x77: {  	_ =	shalt  }
0x78: {  	_ =	shalt  }
0x79: {  	_ =	shalt  }
0x7a: {  	_ =	shalt  }
0x7b: {  	_ =	shalt  }
0x7c: {  	_ =	shalt  }
0x7d: {  	_ =	shalt  }
0x7e: {  	_ =	shalt  }
0x7f: {  	_ =	shalt  }
0x80: {  	_ =	shalt  }
0x81: {  	_ =	shalt  }
0x82: {  	_ =	shalt  }
0x83: {  	_ =	shalt  }
0x84: {  	_ =	shalt  }
0x85: {  	_ =	shalt  }
0x86: {  	_ =	shalt  }
0x87: {  	_ =	shalt  }
.Lfunc_end0:
.L_simem_size_0:
called_computation_lowered:
.L_overlay_start_0:
0x88: {  	s2 =	sld [smem:$0x3FD9]  }
0x89: {  	s3 =	sld [smem:$0x3FFE];
	_ =	sdelay $0x1  }
0x8a: {  	s1 =	srdreg.scid  }
0x8b: {  	s0 =	sand.u32 $0x1, s1  }
0x8c: {  	s16 =	sshll.u32 s0, $0xA;
	s2 =	sadd.s32 s3, s2  }
0x8d: {  	s2 =	sadd.s32 s2, s16  }
0x8e: {  	[smem:$0x3FBE] =	sst s2  }
0x8f: {  	_ = 	snop  }
0x90: {  	(tm) =	ssettm $0x1  }
0x91: {  	s17 =	sld [smem:$0x3FFB];
	_ =	sdelay $0x3  }
0x92: {  	_ =	strace s17  }
0x93: {  	s2 =	sld [smem:$0x3FFC];
	_ =	sdelay $0x3  }
0x94: {  	_ =	strace s2  }
0x95: {  	s2 =	sld [smem:$0x3FFD];
	_ =	sdelay $0x3  }
0x96: {  	_ =	strace s2  }
0x97: {  	_ =	strace $0x8FFFFFFF  }
0x98: {  	s18 =	sld [smem:$0x3FDB];
	_ =	sdelay $0x1  }
0x99: {  	s19 =	simm.s32 $_scs_section_size  }
0x9a: {  	s4 =	simm.s32 $_size__tile_overlayer_lowered;
	s5 =	simm.s32 $_tile_overlayer_lowered  }
0x9b: {  	s22 =	simm.s32 $0x1BFF;
	s21 =	sshll.u32 s5, $0x1;
	s2 =	sadd.s32 s19, s18  }
0x9c: {  	s6 =	simm.s32 $0x0;
	s20 =	sshll.u32 s4, $0x1;
	s4 =	sadd.s32 s21, s2  }
0x9d: {  	[timem:s6], [sflag:s22] =	dma.local [hbm:s4], s20  }
0x9e: {  	_ =	swait.ge [sflag:s22], s20  }
0x9f: {  	s3 =	ssub.s32 $0x0, s20;
	[sflag:s22] =	ssyncset.done $0x0  }
0xa0: {  	[sflag:s22] =	ssyncadd.s32 s3;
	_ =	sdelay $0x1  }
0xa1: {  	s23 =	simm.s32 $0x1B8B  }
0xa2: {  	_ =	swait.ge [sflag:s23], $0x1  }
0xa3: {  	[sflag:s23] =	ssyncset.done $0x0  }
0xa4: {  	s25 =	simm.s32 $0x1B8E;
	s24 =	sld [smem:$0x3FFE];
	[sflag:s23] =	ssyncadd.s32 $0xFFFFFFFF  }
0xa5: {  	s26 =	simm.s32 $execute0_lowered;
	[smem:$0x3FD2] =	sst s25  }
0xa6: {  	s4 =	sshll.u32 s26, $0x1;
	_ =	strace $0x80000046;
	[dreg:$0x1] =	wrdreg $0xFFFFFFFF  }
0xa7: {  	s28 =	simm.s32 $_size_execute0_lowered;
	s2 =	sadd.s32 s2, s4;
	[dreg:$0x0] =	wrdreg $0x0  }
0xa8: {  	s4 =	sshll.u32 s28, $0x1;
	[dreg:$0x2] =	wrdreg s2  }
0xa9: {  	[dreg:$0x3] =	wrdreg s4  }
0xaa: {  	[dreg:$0x4] =	wrdreg $0xC0  }
0xab: {  	_ =	task [dreg:s6], $0x5FFFF  }
0xac: {  	[dreg:$0x1] =	wrdreg $0xFFFFFFFF  }
0xad: {  	[dreg:$0x0] =	wrdreg $0x60  }
0xae: {  	[dreg:$0x2] =	wrdreg s24  }
0xaf: {  	[dreg:$0x3] =	wrdreg $0x9  }
0xb0: {  	_ =	task.clear_ibuf [dreg:s6], $0x4FFFF;
	_ =	strace $0x90000046  }
0xb1: {  	s29 =	simm.s32 $0x9;
	_ =	strace $0x80000048  }
0xb2: {  	_ =	swait.ge [sflag:s29], $0x1  }
0xb3: {  	[sflag:s29] =	ssyncadd.s32 $0xFFFFFFFF  }
0xb4: {  	_ =	strace $0x90000048  }
0xb5: {  	_ =	sfence  }
0xb6: {  	s30 =	sld [smem:$0x0];
	_ =	sdelay $0x2  }
0xb7: {  	s31 =	sshll.u32 s1, $0xD;
	s1 =	sshrl.u32 s1, $0x2  }
0xb8: {  	s3 =	sand.u32 $0x4000, s31;
	s1 =	sadd.s32 s1, s30  }
0xb9: {  	s0 =	sor.u32 s3, s0;
	s1 =	sshll.u32 s1, $0x11  }
0xba: {  	s0 =	sor.u32 s1, s0  }
0xbb: {  	s0 =	sadd.s32 $0x8F2B, s0  }
0xbc: {  	[sflag:s0] =	ssyncadd.remote.s32 $0x1  }
0xbd: {  	_ =	sfence.sel $0xFFFF  }
0xbe: {  	[dreg:$0x0] =	wrdreg $0xFFFFFFFF;
	(pc) =	sbr.abs _section_cstart, $3  }
0xbf: {  	[dreg:$0x1] =	wrdreg $0xFFFFFFFF  }
0xc0: {  	_ =	task.clear_ibuf [dreg:s6], $0x2FFFF;
	_ =	strace $0x9FFFFFFF  }
0xc1: {  	(tm) =	ssettm $0x7FFFFFFF  }
tec
execute0_lowered:
.L_overlay_start_1:
0x0: {  	(tag) =	ssettag $0x1  }
0x1: {  	s0 =	srdreg.scid  }
0x2: {  	s5 =	rddreg [dreg:$0x0];
	s3 =	sand.u32 $0x1, s0  }
0x3: {  	s0 =	stileid.u32;
	s4 =	smul.u32 $0x13C000, s3  }
0x4: {  	s1 =	rddreg [dreg:$0x1];
	s6 =	smul.u32 $0x13C00, s0  }
0x5: {  	s2 =	simm.s32 $0x0;
	s9 =	simm.s32 $0x0;
	s7 =	smul.u32 $0x28000, s3  }
0x6: {  	[smem:$0x7FF] =	sst s2;
	s8 =	smul.u32 $0x2800, s0;
	s29 =	ssub.s32 $0x2, s3  }
0x7: {  	_ =	strace $0x80000047;
	s3 =	sadd.s32 $0x52200, s5;
	s30 =	sshrl.u32 s29, $0x1  }
0x8: {  	s4 =	sadd.s32 s6, s4;
	s28 =	sadd.s32 s8, s7;
	s31 =	ssub.s32 s29, s30  }
0x9: {  	s7 =	simm.s32 $0x13C00;
	s4 =	sshrl.u32 s4, $0x3;
	s6 =	sshrl.u32 s28, $0x3  }
0xa: {  	s8 =	simm.s32 $0x1;
	s4 =	sadd.s32 s4, s5;
	s5 =	sadd.s32 s6, s5  }
0xb: {  	v0 =	vimm.f32 $1.000000000e+00;
	s6 =	smax.u32 s31, $0x1;
	s4 =	sadd.s32 $0x3200, s4;
	s5 =	sadd.s32 $0x52800, s5  }
.LBB2_1:
0xc: {  	[tilespmem:s7], [sflag:$0x1] =	stream.linear.gather [hbm4b:s3+s2], $0x2780, $0x38;
	[tilespmem:$0x16400] =	vst v63  }
0xd: {  	_ =	swait.ge [sflag:s8], $0x2780  }
0xe: {  	[sflag:s8] =	ssyncset.done $0x0  }
0xf: {  	[sflag:s8] =	ssyncadd.s32 $0xFFFFD880  }
0x10: {  	[tilespmem:s2], [sflag:$0x1] =	stream.linear.gather [hbm4b:s4+s2], $0x13880, $0x38;
	[tilespmem:$0x16400] =	vst v63  }
0x11: {  	_ =	swait.ge [sflag:s8], $0x13880  }
0x12: {  	[sflag:s8] =	ssyncset.done $0x0  }
0x13: {  	s11 =	simm.s32 $0x0;
	s10 =	simm.s32 $0x200;
	[sflag:s8] =	ssyncadd.s32 $0xFFFEC780  }
.LBB2_2:
0x14: {  	p0 =	sne.s32 s10, $0x4E000;
	v1 =	vld [tilespmem:s11+$0x0];
	_ =	sdelay $0x3  }
.Ltmp0:
0x15: {  	(pc) =	sbr.rel @p0 .LBB2_2-.Ltmp0, $2  }
0x16: {  	_ =	sdelay $0x2  }
0x17: {  	s11 =	sshra.s32 s10, $0x2;
	s10 =	sadd.s32 $0x200, s10;
	[tilespmem:v1+s7+$0x0] =	vst.idx.add.f32.msk $0xffff, v0  }
0x18: {  	v1 =	vld [tilespmem:s11+$0x0];
	_ =	sdelay $0x5  }
0x19: {  	s9 =	sadd.s32 $0x1, s9  }
0x1a: {  	p0 =	sne.s32 s9, s6  }
.Ltmp1:
0x1b: {  	[tilespmem:v1+s7+$0x0] =	vst.idx.add.f32.msk $0xffff, v0;
	(pc) =	sbr.rel @p0 .LBB2_1-.Ltmp1, $4  }
0x1c: {  	[hbm4b:s5+s2] =	stream.linear.scatter [tilespmem:s7], [sflag:$0x1], $0x2780, $0x38;
	[tilespmem:$0x16400] =	vst v63  }
0x1d: {  	_ =	swait.ge [sflag:s8], $0x2780  }
0x1e: {  	[sflag:s8] =	ssyncset.done $0x0  }
0x1f: {  	[sflag:s8] =	ssyncadd.s32 $0xFFFFD880  }
0x20: {  	_ =	sfence.sel $0x180000  }
0x21: {  	[bflag:$0x0] =	sbarrier.arrive $0xFFFF  }
0x22: {  	p0 =	sne.s32 s0, $0x0;
	_ =	strace $0x90000047  }
0x23: {  	s0 =	sadd.s32 @!p0 $0x100000, s1;
	[bflag:$0x2] =	sbarrier.arrive $0xFFFF  }
0x24: {  	[sflag:s0] =	ssyncadd.tile.s32 @!p0 $0x1;
	_ =	shalt  }
.Lfunc_end2:
_tile_overlayer_lowered:
.L_overlay_start_2:
0x25: {  	(tag) =	ssettag $0x2  }
0x26: {  	s0 =	rddreg [dreg:$0x0];
	s2 =	stileid.u32  }
0x27: {  	s1 =	rddreg [dreg:$0x1];
	p0 =	sne.s32 s2, $0x0  }
0x28: {  	s3 =	rddreg [dreg:$0x2];
	[bflag:$0x3] =	sbarrier.arrive $0xFFFF;
	s2 =	simm.s32 @!p0 $0x1C01  }
0x29: {  	[timem:s3], [sflag:s2] =	dma.local @!p0 [hbm:s0], s1  }
0x2a: {  	s0 =	simm.s32 @!p0 $0x1  }
0x2b: {  	_ =	swait.ge @!p0 [sflag:s0], s1  }
0x2c: {  	s1 =	ssub.s32 @!p0 $0x0, s1;
	[sflag:s0] =	ssyncset.done @!p0 $0x0  }
0x2d: {  	[sflag:s0] =	ssyncadd.s32 @!p0 s1  }
0x2e: {  	[bflag:$0x3] =	sbarrier.arrive $0xFFFF  }
0x2f: {  	_ =	shalt  }

</sc_bundles>
